<compile_context>
chip_gen: v7x
topology: tpu7x:2x2x1
jax: 0.10.2.dev20260603
libtpu: 0.0.44.dev20260713+nightly
codegen_flags: <defaults>
</compile_context>

<pallas_src>
import functools

import jax
import jax.numpy as jnp
from jax import lax
from jax.experimental import pallas as pl
from jax.experimental.pallas import tpu as pltpu
from jax.experimental.pallas import tpu_sc as plsc

NC = 2
NS = 16
NW = NC * NS


def _make_deg_kernel(N, NCH, C):
    rpt = N // NS
    mesh = plsc.VectorSubcoreMesh(core_axis_name="c", subcore_axis_name="s")

    @functools.partial(
        pl.kernel,
        out_type=jax.ShapeDtypeStruct((NC, N), jnp.float32),
        mesh=mesh,
        scratch_types=(
            [pltpu.VMEM((NCH, C), jnp.int32)]
            + [pltpu.VMEM((C,), jnp.int32) for _ in range(4)]
            + [pltpu.VMEM((C,), jnp.float32),
               pltpu.VMEM((rpt,), jnp.float32),
               pltpu.VMEM_SHARED((N,), jnp.float32)]
            + [pltpu.SemaphoreType.DMA for _ in range(4)]
        ),
    )
    def deg_kernel(dst_hbm, out_hbm, dsts_v, db0, db1, db2, db3,
                   ones_v, zeros_v, acc_sh, sd0, sd1, sd2, sd3):
        dbuf = (db0, db1, db2, db3)
        semd = (sd0, sd1, sd2, sd3)
        cid = lax.axis_index("c")
        sid = lax.axis_index("s")
        wid = cid * NS + sid
        row0 = sid * rpt

        pltpu.sync_copy(dst_hbm.at[wid], dsts_v)

        for i in range(C // 16):
            ones_v[pl.ds(i * 16, 16)] = jnp.ones((16,), jnp.float32)

        def fill_zeros(i, _):
            zeros_v[pl.ds(i * 16, 16)] = jnp.zeros((16,), jnp.float32)
            return 0

        lax.fori_loop(0, rpt // 16, fill_zeros, 0)
        pltpu.sync_copy(zeros_v, acc_sh.at[pl.ds(row0, rpt)])
        plsc.subcore_barrier()

        def quad(j, _):
            for q in range(4):
                c = 4 * j + q

                @pl.when(c >= 4)
                def _():
                    pltpu.make_async_copy(ones_v, acc_sh.at[dbuf[q]],
                                          semd[q]).wait()

                for k in range(C // 16):
                    dbuf[q][pl.ds(16 * k, 16)] = dsts_v[c, pl.ds(16 * k, 16)]
                pltpu.async_copy(ones_v, acc_sh.at[dbuf[q]], semd[q],
                                 add=True)
            return 0

        lax.fori_loop(0, NCH // 4, quad, 0)
        for q in range(4):
            pltpu.make_async_copy(ones_v, acc_sh.at[dbuf[q]], semd[q]).wait()
        plsc.subcore_barrier()
        pltpu.sync_copy(acc_sh.at[pl.ds(row0, rpt)],
                        out_hbm.at[cid, pl.ds(row0, rpt)])

    return deg_kernel


def _make_prop_kernel(N, D, NCH, C):
    rpt = N // NS
    zrows = 16
    mesh = plsc.VectorSubcoreMesh(core_axis_name="c", subcore_axis_name="s")
    assert NCH % 4 == 0 and NCH >= 8

    @functools.partial(
        pl.kernel,
        out_type=jax.ShapeDtypeStruct((NC, N, D), jnp.float32),
        mesh=mesh,
        scratch_types=(
            [pltpu.VMEM((C,), jnp.int32) for _ in range(4)]
            + [pltpu.VMEM((C,), jnp.int32) for _ in range(4)]
            + [pltpu.VMEM((C, D), jnp.float32) for _ in range(2)]
            + [pltpu.VMEM((zrows, D), jnp.float32),
               pltpu.VMEM_SHARED((N, D), jnp.float32)]
            + [pltpu.SemaphoreType.DMA for _ in range(9)]
        ),
    )
    def prop_kernel(h_hbm, src_hbm, dst_hbm, out_hbm, *refs):
        isrc = refs[0:4]
        idst = refs[4:8]
        rows = refs[8:10]
        zeros_v = refs[10]
        acc_sh = refs[11]
        semi = refs[12:16]
        semg = refs[16:18]
        sems = refs[18:20]
        semz = refs[20]
        cid = lax.axis_index("c")
        sid = lax.axis_index("s")
        base = (cid * NS + sid) * (NCH * C)
        row0 = sid * rpt

        def start_idx(c, slot):
            pltpu.async_copy(src_hbm.at[pl.ds(base + c * C, C)],
                             isrc[slot], semi[slot])
            pltpu.async_copy(dst_hbm.at[pl.ds(base + c * C, C)],
                             idst[slot], semi[slot])

        def wait_idx(c, slot):
            pltpu.make_async_copy(src_hbm.at[pl.ds(base + c * C, C)],
                                  isrc[slot], semi[slot]).wait()
            pltpu.make_async_copy(dst_hbm.at[pl.ds(base + c * C, C)],
                                  idst[slot], semi[slot]).wait()

        for q in range(4):
            start_idx(q, q)

        def fill_zeros(i, _):
            zeros_v[i, :] = jnp.zeros((D,), jnp.float32)
            return 0

        lax.fori_loop(0, zrows, fill_zeros, 0)

        def zcopy(i, _):
            pltpu.async_copy(zeros_v, acc_sh.at[pl.ds(row0 + i * zrows, zrows)],
                             semz)
            return 0

        nz = rpt // zrows
        lax.fori_loop(0, nz, zcopy, 0)

        for q in range(2):
            wait_idx(q, q)
            pltpu.async_copy(h_hbm.at[isrc[q]], rows[q], semg[q])

        def zdrain(i, _):
            pltpu.make_async_copy(
                zeros_v, acc_sh.at[pl.ds(row0, zrows)], semz).wait()
            return 0

        lax.fori_loop(0, nz, zdrain, 0)
        plsc.subcore_barrier()

        def quad(j, _):
            for q in range(4):
                c = 4 * j + q
                p = q % 2
                pltpu.make_async_copy(h_hbm.at[isrc[q]], rows[p],
                                      semg[p]).wait()
                pltpu.sync_copy(rows[p], acc_sh.at[idst[q]], add=True)

                @pl.when(c + 4 < NCH)
                def _():
                    start_idx(c + 4, q)

                @pl.when(c + 2 < NCH)
                def _():
                    iq = (q + 2) % 4
                    wait_idx(c + 2, iq)
                    pltpu.async_copy(h_hbm.at[isrc[iq]], rows[p], semg[p])

            return 0

        lax.fori_loop(0, NCH // 4, quad, 0)
        plsc.subcore_barrier()
        pltpu.sync_copy(acc_sh.at[pl.ds(row0, rpt)],
                        out_hbm.at[cid, pl.ds(row0, rpt)])

    return prop_kernel


def _norm_scale(degp, x, R=1024):
    N, D = x.shape

    def body(degp_ref, x_ref, h_ref, norm_ref):
        deg = degp_ref[0] + degp_ref[1]
        norm = jnp.where(deg > 0, lax.rsqrt(jnp.maximum(deg, 1.0)), 0.0)
        h_ref[...] = x_ref[...] * norm
        norm_ref[...] = norm

    return pl.pallas_call(
        body,
        grid=(N // R,),
        in_specs=[
            pl.BlockSpec((NC, R, 1), lambda i: (0, i, 0)),
            pl.BlockSpec((R, D), lambda i: (i, 0)),
        ],
        out_specs=[
            pl.BlockSpec((R, D), lambda i: (i, 0)),
            pl.BlockSpec((R, 1), lambda i: (i, 0)),
        ],
        out_shape=[
            jax.ShapeDtypeStruct((N, D), jnp.float32),
            jax.ShapeDtypeStruct((N, 1), jnp.float32),
        ],
    )(degp, x)


def _combine_scale2(p, norm, R=1024):
    _, N, D = p.shape

    def body(p_ref, norm_ref, o_ref):
        n = norm_ref[...]
        o_ref[...] = (p_ref[0] + p_ref[1]) * (n * n)

    return pl.pallas_call(
        body,
        grid=(N // R,),
        in_specs=[
            pl.BlockSpec((NC, R, D), lambda i: (0, i, 0)),
            pl.BlockSpec((R, 1), lambda i: (i, 0)),
        ],
        out_specs=pl.BlockSpec((R, D), lambda i: (i, 0)),
        out_shape=jax.ShapeDtypeStruct((N, D), jnp.float32),
    )(p, norm)


def _combine_linear(p, norm, W, b, R=1024):
    _, N, D = p.shape
    DO = W.shape[1]

    def body(p_ref, norm_ref, w_ref, b_ref, o_ref):
        h = (p_ref[0] + p_ref[1]) * norm_ref[...]
        o_ref[...] = (
            jnp.dot(h, w_ref[...], preferred_element_type=jnp.float32)
            + b_ref[...]
        )

    return pl.pallas_call(
        body,
        grid=(N // R,),
        in_specs=[
            pl.BlockSpec((NC, R, D), lambda i: (0, i, 0)),
            pl.BlockSpec((R, 1), lambda i: (i, 0)),
            pl.BlockSpec((D, DO), lambda i: (0, 0)),
            pl.BlockSpec((1, DO), lambda i: (0, 0)),
        ],
        out_specs=pl.BlockSpec((R, DO), lambda i: (i, 0)),
        out_shape=jax.ShapeDtypeStruct((N, DO), jnp.float32),
    )(p, norm, W, b.reshape(1, DO))


def kernel(x, edge_index, W, b):
    N, D = x.shape
    E = edge_index.shape[1]
    Cd = 128
    Cp = 128
    NP = ((N + NS * 128 - 1) // (NS * 128)) * (NS * 128)
    PT = -(-E // (NW * 4 * Cp)) * 4 * Cp
    if NP == N and PT * NW != E:
        NP += NS * 128
    EP = PT * NW

    src = edge_index[0]
    dst = edge_index[1]
    npad = EP - E
    if npad:
        pad_src = (jnp.arange(npad, dtype=jnp.int32) % N)
        pad_dst = N + (jnp.arange(npad, dtype=jnp.int32) % (NP - N))
        src = jnp.concatenate([src, pad_src])
        dst = jnp.concatenate([dst, pad_dst])
    dst3 = dst.reshape(NW, PT // Cd, Cd)
    xp = jnp.pad(x, ((0, NP - N), (0, 0))) if NP != N else x

    degp = _make_deg_kernel(NP, PT // Cd, Cd)(dst3).reshape(NC, NP, 1)
    h1, norm = _norm_scale(degp, xp)
    prop = _make_prop_kernel(NP, D, PT // Cp, Cp)
    p1 = prop(h1, src, dst)
    h2 = _combine_scale2(p1, norm)
    p2 = prop(h2, src, dst)
    out = _combine_linear(p2, norm, W, b)
    return out[:N] if NP != N else out

# --- scband reference (transcript-rebuilt; emitter-appended) ---
"""Pipeline reference for scband-sgc-57647051047654 (READ-ONLY COPY).

The authoritative reference and input builder live on the scoring server;
editing this copy changes nothing except your own understanding.
"""

import jax, jax.numpy as jnp
import numpy as np

N = 10000
E = 320000
D_IN = 128
D_OUT = 128
K = 2

def setup_inputs(seed: int = 0) -> dict:
    key = jax.random.key(seed)
    k1, k2, k3, k4 = jax.random.split(key, 4)
    x = jax.random.normal(k1, (N, D_IN), dtype=jnp.float32)
    edge_index = jax.random.randint(k2, (2, E), 0, N, dtype=jnp.int32)
    # SGConv linear layer parameters (in_features=128, out_features=128, bias=True)
    W = jax.random.normal(k3, (D_IN, D_OUT), dtype=jnp.float32) * (1.0 / np.sqrt(D_IN))
    b = jax.random.normal(k4, (D_OUT,), dtype=jnp.float32) * 0.01
    return {"x": x, "edge_index": edge_index, "W": W, "b": b}

def reference(x, edge_index, W, b):
    # SGC (DGL SGConv, norm='both', k=K): h = (D^{-1/2} A D^{-1/2})^K x, then linear.
    # Dropout p=0.0 is identity in eval.
    src = edge_index[0]
    dst = edge_index[1]
    deg = jax.ops.segment_sum(jnp.ones((E,), dtype=x.dtype), dst, num_segments=N)
    norm = jnp.where(deg > 0, jax.lax.rsqrt(jnp.maximum(deg, 1.0)), 0.0)
    h = x
    for _ in range(K):
        h = h * norm[:, None]
        msg = jnp.take(h, src, axis=0)
        h = jax.ops.segment_sum(msg, dst, num_segments=N)
        h = h * norm[:, None]
    return h @ W + b

if __name__ == "__main__":
    import jax
    _d = setup_inputs()
    print(jax.jit(kernel)(*tuple(_d.values())))

</pallas_src>

<mosaic_0001>
#map = affine_map<(d0, d1) -> (0, 0)>
#map1 = affine_map<(d0, d1) -> (0)>
#map2 = affine_map<(d0, d1) -> (0, 0, 0)>
module attributes {stable_mosaic.version = 14 : i64} {
  func.func @prop_kernel(%arg0: i32, %arg1: i32, %arg2: memref<10240x128xf32, #tpu.memory_space<hbm>>, %arg3: memref<327680xi32, #tpu.memory_space<hbm>>, %arg4: memref<327680xi32, #tpu.memory_space<hbm>>, %arg5: memref<2x10240x128xf32, #tpu.memory_space<hbm>>, %arg6: memref<128xi32, #tpu.memory_space<vmem>>, %arg7: memref<128xi32, #tpu.memory_space<vmem>>, %arg8: memref<128xi32, #tpu.memory_space<vmem>>, %arg9: memref<128xi32, #tpu.memory_space<vmem>>, %arg10: memref<128xi32, #tpu.memory_space<vmem>>, %arg11: memref<128xi32, #tpu.memory_space<vmem>>, %arg12: memref<128xi32, #tpu.memory_space<vmem>>, %arg13: memref<128xi32, #tpu.memory_space<vmem>>, %arg14: memref<128x128xf32, #tpu.memory_space<vmem>>, %arg15: memref<128x128xf32, #tpu.memory_space<vmem>>, %arg16: memref<16x128xf32, #tpu.memory_space<vmem>>, %arg17: memref<10240x128xf32, #tpu.memory_space<vmem_shared>>, %arg18: memref<!tpu.dma_semaphore, #tpu.memory_space<semaphore_mem>>, %arg19: memref<!tpu.dma_semaphore, #tpu.memory_space<semaphore_mem>>, %arg20: memref<!tpu.dma_semaphore, #tpu.memory_space<semaphore_mem>>, %arg21: memref<!tpu.dma_semaphore, #tpu.memory_space<semaphore_mem>>, %arg22: memref<!tpu.dma_semaphore, #tpu.memory_space<semaphore_mem>>, %arg23: memref<!tpu.dma_semaphore, #tpu.memory_space<semaphore_mem>>, %arg24: memref<!tpu.dma_semaphore, #tpu.memory_space<semaphore_mem>>, %arg25: memref<!tpu.dma_semaphore, #tpu.memory_space<semaphore_mem>>, %arg26: memref<!tpu.dma_semaphore, #tpu.memory_space<semaphore_mem>>) attributes {dimension_semantics = [#tpu.dimension_semantics<core_parallel>, #tpu.dimension_semantics<subcore_parallel>], iteration_bounds = array<i64: 2, 16>, scalar_prefetch = 0 : i64, scratch_operands = 21 : i64, tpu.core_type = #tpu.core_type<sc_vector_subcore>, window_params = [{transform_indices = #map}, {transform_indices = #map1}, {transform_indices = #map1}, {transform_indices = #map2}]} {
    %mul3A = arith.constant 16 : i32
    %mul3A_0 = arith.muli %arg0, %mul3A : i32
    %add3A = arith.addi %mul3A_0, %arg1 : i32
    %mul3A_1 = arith.constant 10240 : i32
    %mul3A_2 = arith.muli %add3A, %mul3A_1 : i32
    %mul3A_3 = arith.constant 640 : i32
    %mul3A_4 = arith.muli %arg1, %mul3A_3 : i32
    %add3A_5 = arith.constant 0 : i32
    %add3A_6 = arith.addi %mul3A_2, %add3A_5 : i32
    %dma_start3A = tpu.memref_slice %arg3[%add3A_6] : memref<327680xi32, #tpu.memory_space<hbm>> -> memref<128xi32, #tpu.memory_space<hbm>>
    %dma_start3A_7 = tpu.memref_slice %arg3[%add3A_6] : memref<327680xi32, #tpu.memory_space<hbm>> -> memref<128xi32, #tpu.memory_space<hbm>>
    tpu.enqueue_dma source(%dma_start3A_7 : memref<128xi32, #tpu.memory_space<hbm>>) target(%arg6 : memref<128xi32, #tpu.memory_space<vmem>>) target_semaphore(%arg18 : memref<!tpu.dma_semaphore, #tpu.memory_space<semaphore_mem>>)
    %add3A_8 = arith.constant 0 : i32
    %add3A_9 = arith.addi %mul3A_2, %add3A_8 : i32
    %dma_start3A_10 = tpu.memref_slice %arg4[%add3A_9] : memref<327680xi32, #tpu.memory_space<hbm>> -> memref<128xi32, #tpu.memory_space<hbm>>
    %dma_start3A_11 = tpu.memref_slice %arg4[%add3A_9] : memref<327680xi32, #tpu.memory_space<hbm>> -> memref<128xi32, #tpu.memory_space<hbm>>
    tpu.enqueue_dma source(%dma_start3A_11 : memref<128xi32, #tpu.memory_space<hbm>>) target(%arg10 : memref<128xi32, #tpu.memory_space<vmem>>) target_semaphore(%arg18 : memref<!tpu.dma_semaphore, #tpu.memory_space<semaphore_mem>>)
    %add3A_12 = arith.constant 128 : i32
    %add3A_13 = arith.addi %mul3A_2, %add3A_12 : i32
    %dma_start3A_14 = tpu.memref_slice %arg3[%add3A_13] : memref<327680xi32, #tpu.memory_space<hbm>> -> memref<128xi32, #tpu.memory_space<hbm>>
    %dma_start3A_15 = tpu.memref_slice %arg3[%add3A_13] : memref<327680xi32, #tpu.memory_space<hbm>> -> memref<128xi32, #tpu.memory_space<hbm>>
    tpu.enqueue_dma source(%dma_start3A_15 : memref<128xi32, #tpu.memory_space<hbm>>) target(%arg7 : memref<128xi32, #tpu.memory_space<vmem>>) target_semaphore(%arg19 : memref<!tpu.dma_semaphore, #tpu.memory_space<semaphore_mem>>)
    %add3A_16 = arith.constant 128 : i32
    %add3A_17 = arith.addi %mul3A_2, %add3A_16 : i32
    %dma_start3A_18 = tpu.memref_slice %arg4[%add3A_17] : memref<327680xi32, #tpu.memory_space<hbm>> -> memref<128xi32, #tpu.memory_space<hbm>>
    %dma_start3A_19 = tpu.memref_slice %arg4[%add3A_17] : memref<327680xi32, #tpu.memory_space<hbm>> -> memref<128xi32, #tpu.memory_space<hbm>>
    tpu.enqueue_dma source(%dma_start3A_19 : memref<128xi32, #tpu.memory_space<hbm>>) target(%arg11 : memref<128xi32, #tpu.memory_space<vmem>>) target_semaphore(%arg19 : memref<!tpu.dma_semaphore, #tpu.memory_space<semaphore_mem>>)
    %add3A_20 = arith.constant 256 : i32
    %add3A_21 = arith.addi %mul3A_2, %add3A_20 : i32
    %dma_start3A_22 = tpu.memref_slice %arg3[%add3A_21] : memref<327680xi32, #tpu.memory_space<hbm>> -> memref<128xi32, #tpu.memory_space<hbm>>
    %dma_start3A_23 = tpu.memref_slice %arg3[%add3A_21] : memref<327680xi32, #tpu.memory_space<hbm>> -> memref<128xi32, #tpu.memory_space<hbm>>
    tpu.enqueue_dma source(%dma_start3A_23 : memref<128xi32, #tpu.memory_space<hbm>>) target(%arg8 : memref<128xi32, #tpu.memory_space<vmem>>) target_semaphore(%arg20 : memref<!tpu.dma_semaphore, #tpu.memory_space<semaphore_mem>>)
    %add3A_24 = arith.constant 256 : i32
    %add3A_25 = arith.addi %mul3A_2, %add3A_24 : i32
    %dma_start3A_26 = tpu.memref_slice %arg4[%add3A_25] : memref<327680xi32, #tpu.memory_space<hbm>> -> memref<128xi32, #tpu.memory_space<hbm>>
    %dma_start3A_27 = tpu.memref_slice %arg4[%add3A_25] : memref<327680xi32, #tpu.memory_space<hbm>> -> memref<128xi32, #tpu.memory_space<hbm>>
    tpu.enqueue_dma source(%dma_start3A_27 : memref<128xi32, #tpu.memory_space<hbm>>) target(%arg12 : memref<128xi32, #tpu.memory_space<vmem>>) target_semaphore(%arg20 : memref<!tpu.dma_semaphore, #tpu.memory_space<semaphore_mem>>)
    %add3A_28 = arith.constant 384 : i32
    %add3A_29 = arith.addi %mul3A_2, %add3A_28 : i32
    %dma_start3A_30 = tpu.memref_slice %arg3[%add3A_29] : memref<327680xi32, #tpu.memory_space<hbm>> -> memref<128xi32, #tpu.memory_space<hbm>>
    %dma_start3A_31 = tpu.memref_slice %arg3[%add3A_29] : memref<327680xi32, #tpu.memory_space<hbm>> -> memref<128xi32, #tpu.memory_space<hbm>>
    tpu.enqueue_dma source(%dma_start3A_31 : memref<128xi32, #tpu.memory_space<hbm>>) target(%arg9 : memref<128xi32, #tpu.memory_space<vmem>>) target_semaphore(%arg21 : memref<!tpu.dma_semaphore, #tpu.memory_space<semaphore_mem>>)
    %add3A_32 = arith.constant 384 : i32
    %add3A_33 = arith.addi %mul3A_2, %add3A_32 : i32
    %dma_start3A_34 = tpu.memref_slice %arg4[%add3A_33] : memref<327680xi32, #tpu.memory_space<hbm>> -> memref<128xi32, #tpu.memory_space<hbm>>
    %dma_start3A_35 = tpu.memref_slice %arg4[%add3A_33] : memref<327680xi32, #tpu.memory_space<hbm>> -> memref<128xi32, #tpu.memory_space<hbm>>
    tpu.enqueue_dma source(%dma_start3A_35 : memref<128xi32, #tpu.memory_space<hbm>>) target(%arg13 : memref<128xi32, #tpu.memory_space<vmem>>) target_semaphore(%arg21 : memref<!tpu.dma_semaphore, #tpu.memory_space<semaphore_mem>>)
    %scan3A = arith.constant 0 : i32
    %scan3A_36 = arith.constant 0 : i32
    %scan3A_37 = arith.constant 16 : i32
    %scan3A_38 = arith.addi %scan3A_36, %scan3A_37 : i32
    %scan3A_39 = arith.constant 1 : i32
    %scan3A_40 = scf.for %scan3A_85 = %scan3A_36 to %scan3A_38 step %scan3A_39 iter_args(%scan3A_86 = %scan3A) -> (i32)  : i32 {
      %broadcast_in_dim3A = arith.constant 0.000000e+00 : f32
      %broadcast_in_dim3A_87 = vector.broadcast %broadcast_in_dim3A : f32 to vector<128xf32>
      %swap3A = arith.index_cast %scan3A_85 : i32 to index
      %swap3A_88 = arith.constant 0 : index
      %swap3A_89 = tpu.vector_load %arg16[%swap3A, %swap3A_88] {strides = array<i32>} : memref<16x128xf32, #tpu.memory_space<vmem>>, vector<1x128xf32>,
      %swap3A_90 = vector.shape_cast %swap3A_89 : vector<1x128xf32> to vector<128xf32>
      %swap3A_91 = vector.shape_cast %broadcast_in_dim3A_87 : vector<128xf32> to vector<1x128xf32>
      tpu.vector_store %arg16[%swap3A, %swap3A_88], %swap3A_91 {strides = array<i32>} : memref<16x128xf32, #tpu.memory_space<vmem>>, vector<1x128xf32>,
      %scan3A_92 = arith.constant 0 : i32
      scf.yield %scan3A_92 : i32
    }
    %scan3A_41 = arith.constant 16 : i32
    %scan3A_42 = arith.constant 0 : i32
    %scan3A_43 = arith.constant 0 : i32
    %scan3A_44 = arith.constant 40 : i32
    %scan3A_45 = arith.addi %scan3A_43, %scan3A_44 : i32
    %scan3A_46 = arith.constant 1 : i32
    %scan3A_47 = scf.for %scan3A_85 = %scan3A_43 to %scan3A_45 step %scan3A_46 iter_args(%scan3A_86 = %scan3A_42) -> (i32)  : i32 {
      %mul3A_87 = arith.constant 16 : i32
      %mul3A_88 = arith.muli %scan3A_85, %mul3A_87 : i32
      %add3A_89 = arith.addi %mul3A_4, %mul3A_88 : i32
      %dma_start3A_90 = arith.constant 0 : i32
      %dma_start3A_91 = tpu.memref_slice %arg17[%add3A_89, %dma_start3A_90] : memref<10240x128xf32, #tpu.memory_space<vmem_shared>> -> memref<16x128xf32, #tpu.memory_space<vmem_shared>>
      %dma_start3A_92 = arith.constant 0 : i32
      %dma_start3A_93 = tpu.memref_slice %arg17[%add3A_89, %dma_start3A_92] : memref<10240x128xf32, #tpu.memory_space<vmem_shared>> -> memref<16x128xf32, #tpu.memory_space<vmem_shared>>
      tpu.enqueue_dma source(%arg16 : memref<16x128xf32, #tpu.memory_space<vmem>>) target(%dma_start3A_93 : memref<16x128xf32, #tpu.memory_space<vmem_shared>>) target_semaphore(%arg26 : memref<!tpu.dma_semaphore, #tpu.memory_space<semaphore_mem>>)
      %scan3A_94 = arith.constant 0 : i32
      scf.yield %scan3A_94 : i32
    }
    %scan3A_48 = arith.constant 40 : i32
    %add3A_49 = arith.constant 0 : i32
    %add3A_50 = arith.addi %mul3A_2, %add3A_49 : i32
    %dma_wait3A = tpu.memref_slice %arg3[%add3A_50] : memref<327680xi32, #tpu.memory_space<hbm>> -> memref<128xi32, #tpu.memory_space<hbm>>
    %dma_wait3A_51 = tpu.memref_slice %arg3[%add3A_50] : memref<327680xi32, #tpu.memory_space<hbm>> -> memref<128xi32, #tpu.memory_space<hbm>>
    tpu.wait_dma2 semaphore(%arg18 : memref<!tpu.dma_semaphore, #tpu.memory_space<semaphore_mem>>) src(%dma_wait3A_51 : memref<128xi32, #tpu.memory_space<hbm>>) dst(%arg6 : memref<128xi32, #tpu.memory_space<vmem>>)
    %add3A_52 = arith.constant 0 : i32
    %add3A_53 = arith.addi %mul3A_2, %add3A_52 : i32
    %dma_wait3A_54 = tpu.memref_slice %arg4[%add3A_53] : memref<327680xi32, #tpu.memory_space<hbm>> -> memref<128xi32, #tpu.memory_space<hbm>>
    %dma_wait3A_55 = tpu.memref_slice %arg4[%add3A_53] : memref<327680xi32, #tpu.memory_space<hbm>> -> memref<128xi32, #tpu.memory_space<hbm>>
    tpu.wait_dma2 semaphore(%arg18 : memref<!tpu.dma_semaphore, #tpu.memory_space<semaphore_mem>>) src(%dma_wait3A_55 : memref<128xi32, #tpu.memory_space<hbm>>) dst(%arg10 : memref<128xi32, #tpu.memory_space<vmem>>)
    %dma_start3A_56 = arith.constant 0 : i32
    %dma_start3A_57 = arith.constant 0 : i32
    %dma_start3A_58 = tpu.memref_slice %arg2[%dma_start3A_56, %dma_start3A_57] : memref<10240x128xf32, #tpu.memory_space<hbm>> -> memref<10240x128xf32, #tpu.memory_space<hbm>>
    tpu.enqueue_indirect_dma source(%dma_start3A_58 : memref<10240x128xf32, #tpu.memory_space<hbm>>) target(%arg14 : memref<128x128xf32, #tpu.memory_space<vmem>>) offsets(%arg6 : memref<128xi32, #tpu.memory_space<vmem>>) semaphore(%arg22 : memref<!tpu.dma_semaphore, #tpu.memory_space<semaphore_mem>>)
    %add3A_59 = arith.constant 128 : i32
    %add3A_60 = arith.addi %mul3A_2, %add3A_59 : i32
    %dma_wait3A_61 = tpu.memref_slice %arg3[%add3A_60] : memref<327680xi32, #tpu.memory_space<hbm>> -> memref<128xi32, #tpu.memory_space<hbm>>
    %dma_wait3A_62 = tpu.memref_slice %arg3[%add3A_60] : memref<327680xi32, #tpu.memory_space<hbm>> -> memref<128xi32, #tpu.memory_space<hbm>>
    tpu.wait_dma2 semaphore(%arg19 : memref<!tpu.dma_semaphore, #tpu.memory_space<semaphore_mem>>) src(%dma_wait3A_62 : memref<128xi32, #tpu.memory_space<hbm>>) dst(%arg7 : memref<128xi32, #tpu.memory_space<vmem>>)
    %add3A_63 = arith.constant 128 : i32
    %add3A_64 = arith.addi %mul3A_2, %add3A_63 : i32
    %dma_wait3A_65 = tpu.memref_slice %arg4[%add3A_64] : memref<327680xi32, #tpu.memory_space<hbm>> -> memref<128xi32, #tpu.memory_space<hbm>>
    %dma_wait3A_66 = tpu.memref_slice %arg4[%add3A_64] : memref<327680xi32, #tpu.memory_space<hbm>> -> memref<128xi32, #tpu.memory_space<hbm>>
    tpu.wait_dma2 semaphore(%arg19 : memref<!tpu.dma_semaphore, #tpu.memory_space<semaphore_mem>>) src(%dma_wait3A_66 : memref<128xi32, #tpu.memory_space<hbm>>) dst(%arg11 : memref<128xi32, #tpu.memory_space<vmem>>)
    %dma_start3A_67 = arith.constant 0 : i32
    %dma_start3A_68 = arith.constant 0 : i32
    %dma_start3A_69 = tpu.memref_slice %arg2[%dma_start3A_67, %dma_start3A_68] : memref<10240x128xf32, #tpu.memory_space<hbm>> -> memref<10240x128xf32, #tpu.memory_space<hbm>>
    tpu.enqueue_indirect_dma source(%dma_start3A_69 : memref<10240x128xf32, #tpu.memory_space<hbm>>) target(%arg15 : memref<128x128xf32, #tpu.memory_space<vmem>>) offsets(%arg7 : memref<128xi32, #tpu.memory_space<vmem>>) semaphore(%arg23 : memref<!tpu.dma_semaphore, #tpu.memory_space<semaphore_mem>>)
    %scan3A_70 = arith.constant 0 : i32
    %scan3A_71 = arith.constant 0 : i32
    %scan3A_72 = arith.constant 40 : i32
    %scan3A_73 = arith.addi %scan3A_71, %scan3A_72 : i32
    %scan3A_74 = arith.constant 1 : i32
    %scan3A_75 = scf.for %scan3A_85 = %scan3A_71 to %scan3A_73 step %scan3A_74 iter_args(%scan3A_86 = %scan3A_70) -> (i32)  : i32 {
      %dma_wait3A_87 = arith.constant 0 : i32
      %dma_wait3A_88 = tpu.memref_slice %arg17[%mul3A_4, %dma_wait3A_87] : memref<10240x128xf32, #tpu.memory_space<vmem_shared>> -> memref<16x128xf32, #tpu.memory_space<vmem_shared>>
      %dma_wait3A_89 = arith.constant 0 : i32
      %dma_wait3A_90 = tpu.memref_slice %arg17[%mul3A_4, %dma_wait3A_89] : memref<10240x128xf32, #tpu.memory_space<vmem_shared>> -> memref<16x128xf32, #tpu.memory_space<vmem_shared>>
      tpu.wait_dma2 semaphore(%arg26 : memref<!tpu.dma_semaphore, #tpu.memory_space<semaphore_mem>>) src(%arg16 : memref<16x128xf32, #tpu.memory_space<vmem>>) dst(%dma_wait3A_90 : memref<16x128xf32, #tpu.memory_space<vmem_shared>>)
      %scan3A_91 = arith.constant 0 : i32
      scf.yield %scan3A_91 : i32
    }
    %scan3A_76 = arith.constant 40 : i32
    %barrier3A = arith.constant 0 : index
    tpu.barrier barrier_id(%barrier3A)
    %scan3A_77 = arith.constant 0 : i32
    %scan3A_78 = arith.constant 0 : i32
    %scan3A_79 = arith.constant 20 : i32
    %scan3A_80 = arith.addi %scan3A_78, %scan3A_79 : i32
    %scan3A_81 = arith.constant 1 : i32
    %scan3A_82 = scf.for %scan3A_85 = %scan3A_78 to %scan3A_80 step %scan3A_81 iter_args(%scan3A_86 = %scan3A_77) -> (i32)  : i32 {
      %mul3A_87 = arith.constant 4 : i32
      %mul3A_88 = arith.muli %mul3A_87, %scan3A_85 : i32
      %add3A_89 = arith.constant 0 : i32
      %add3A_90 = arith.addi %mul3A_88, %add3A_89 : i32
      %dma_wait3A_91 = arith.constant 0 : i32
      %dma_wait3A_92 = arith.constant 0 : i32
      %dma_wait3A_93 = tpu.memref_slice %arg2[%dma_wait3A_91, %dma_wait3A_92] : memref<10240x128xf32, #tpu.memory_space<hbm>> -> memref<10240x128xf32, #tpu.memory_space<hbm>>
      tpu.wait_indirect_dma semaphore(%arg22 : memref<!tpu.dma_semaphore, #tpu.memory_space<semaphore_mem>>) src(%dma_wait3A_93 : memref<10240x128xf32, #tpu.memory_space<hbm>>) dst(%arg14 : memref<128x128xf32, #tpu.memory_space<vmem>>)
      "tpu.region"() ({
        %run_scoped3A = tpu.sem_alloc : memref<!tpu.dma_semaphore, #tpu.memory_space<semaphore_mem>>
        %dma_start3A_169 = arith.constant 0 : i32
        %dma_start3A_170 = arith.constant 0 : i32
        %dma_start3A_171 = tpu.memref_slice %arg17[%dma_start3A_169, %dma_start3A_170] : memref<10240x128xf32, #tpu.memory_space<vmem_shared>> -> memref<10240x128xf32, #tpu.memory_space<vmem_shared>>
        tpu.enqueue_indirect_dma source(%arg14 : memref<128x128xf32, #tpu.memory_space<vmem>>) target(%dma_start3A_171 : memref<10240x128xf32, #tpu.memory_space<vmem_shared>>) offsets(%arg10 : memref<128xi32, #tpu.memory_space<vmem>>) semaphore(%run_scoped3A : memref<!tpu.dma_semaphore, #tpu.memory_space<semaphore_mem>>) {add = true}
        %dma_wait3A_172 = arith.constant 0 : i32
        %dma_wait3A_173 = arith.constant 0 : i32
        %dma_wait3A_174 = tpu.memref_slice %arg17[%dma_wait3A_172, %dma_wait3A_173] : memref<10240x128xf32, #tpu.memory_space<vmem_shared>> -> memref<10240x128xf32, #tpu.memory_space<vmem_shared>>
        tpu.wait_indirect_dma semaphore(%run_scoped3A : memref<!tpu.dma_semaphore, #tpu.memory_space<semaphore_mem>>) src(%arg14 : memref<128x128xf32, #tpu.memory_space<vmem>>) dst(%dma_wait3A_174 : memref<10240x128xf32, #tpu.memory_space<vmem_shared>>)
        tpu.yield
      }) : () -> ()
      %add3A_94 = arith.constant 4 : i32
      %add3A_95 = arith.addi %add3A_90, %add3A_94 : i32
      %lt3A = arith.constant 80 : i32
      %lt3A_96 = arith.cmpi slt, %add3A_95, %lt3A : i32
      %convert_element_type3A = arith.extui %lt3A_96 : i1 to i32
      %cond3A = arith.constant 0 : i32
      %cond3A_97 = arith.cmpi ne, %convert_element_type3A, %cond3A : i32
      scf.if %cond3A_97 {
        %add3A_169 = arith.constant 4 : i32
        %add3A_170 = arith.addi %add3A_90, %add3A_169 : i32
        %mul3A_171 = arith.constant 128 : i32
        %mul3A_172 = arith.muli %add3A_170, %mul3A_171 : i32
        %add3A_173 = arith.addi %mul3A_2, %mul3A_172 : i32
        %dma_start3A_174 = tpu.memref_slice %arg3[%add3A_173] : memref<327680xi32, #tpu.memory_space<hbm>> -> memref<128xi32, #tpu.memory_space<hbm>>
        %dma_start3A_175 = tpu.memref_slice %arg3[%add3A_173] : memref<327680xi32, #tpu.memory_space<hbm>> -> memref<128xi32, #tpu.memory_space<hbm>>
        tpu.enqueue_dma source(%dma_start3A_175 : memref<128xi32, #tpu.memory_space<hbm>>) target(%arg6 : memref<128xi32, #tpu.memory_space<vmem>>) target_semaphore(%arg18 : memref<!tpu.dma_semaphore, #tpu.memory_space<semaphore_mem>>)
        %mul3A_176 = arith.constant 128 : i32
        %mul3A_177 = arith.muli %add3A_170, %mul3A_176 : i32
        %add3A_178 = arith.addi %mul3A_2, %mul3A_177 : i32
        %dma_start3A_179 = tpu.memref_slice %arg4[%add3A_178] : memref<327680xi32, #tpu.memory_space<hbm>> -> memref<128xi32, #tpu.memory_space<hbm>>
        %dma_start3A_180 = tpu.memref_slice %arg4[%add3A_178] : memref<327680xi32, #tpu.memory_space<hbm>> -> memref<128xi32, #tpu.memory_space<hbm>>
        tpu.enqueue_dma source(%dma_start3A_180 : memref<128xi32, #tpu.memory_space<hbm>>) target(%arg10 : memref<128xi32, #tpu.memory_space<vmem>>) target_semaphore(%arg18 : memref<!tpu.dma_semaphore, #tpu.memory_space<semaphore_mem>>)
      } else {
      }
      %add3A_98 = arith.constant 2 : i32
      %add3A_99 = arith.addi %add3A_90, %add3A_98 : i32
      %lt3A_100 = arith.constant 80 : i32
      %lt3A_101 = arith.cmpi slt, %add3A_99, %lt3A_100 : i32
      %convert_element_type3A_102 = arith.extui %lt3A_101 : i1 to i32
      %cond3A_103 = arith.constant 0 : i32
      %cond3A_104 = arith.cmpi ne, %convert_element_type3A_102, %cond3A_103 : i32
      scf.if %cond3A_104 {
        %add3A_169 = arith.constant 2 : i32
        %add3A_170 = arith.addi %add3A_90, %add3A_169 : i32
        %mul3A_171 = arith.constant 128 : i32
        %mul3A_172 = arith.muli %add3A_170, %mul3A_171 : i32
        %add3A_173 = arith.addi %mul3A_2, %mul3A_172 : i32
        %dma_wait3A_174 = tpu.memref_slice %arg3[%add3A_173] : memref<327680xi32, #tpu.memory_space<hbm>> -> memref<128xi32, #tpu.memory_space<hbm>>
        %dma_wait3A_175 = tpu.memref_slice %arg3[%add3A_173] : memref<327680xi32, #tpu.memory_space<hbm>> -> memref<128xi32, #tpu.memory_space<hbm>>
        tpu.wait_dma2 semaphore(%arg20 : memref<!tpu.dma_semaphore, #tpu.memory_space<semaphore_mem>>) src(%dma_wait3A_175 : memref<128xi32, #tpu.memory_space<hbm>>) dst(%arg8 : memref<128xi32, #tpu.memory_space<vmem>>)
        %mul3A_176 = arith.constant 128 : i32
        %mul3A_177 = arith.muli %add3A_170, %mul3A_176 : i32
        %add3A_178 = arith.addi %mul3A_2, %mul3A_177 : i32
        %dma_wait3A_179 = tpu.memref_slice %arg4[%add3A_178] : memref<327680xi32, #tpu.memory_space<hbm>> -> memref<128xi32, #tpu.memory_space<hbm>>
        %dma_wait3A_180 = tpu.memref_slice %arg4[%add3A_178] : memref<327680xi32, #tpu.memory_space<hbm>> -> memref<128xi32, #tpu.memory_space<hbm>>
        tpu.wait_dma2 semaphore(%arg20 : memref<!tpu.dma_semaphore, #tpu.memory_space<semaphore_mem>>) src(%dma_wait3A_180 : memref<128xi32, #tpu.memory_space<hbm>>) dst(%arg12 : memref<128xi32, #tpu.memory_space<vmem>>)
        %dma_start3A_181 = arith.constant 0 : i32
        %dma_start3A_182 = arith.constant 0 : i32
        %dma_start3A_183 = tpu.memref_slice %arg2[%dma_start3A_181, %dma_start3A_182] : memref<10240x128xf32, #tpu.memory_space<hbm>> -> memref<10240x128xf32, #tpu.memory_space<hbm>>
        tpu.enqueue_indirect_dma source(%dma_start3A_183 : memref<10240x128xf32, #tpu.memory_space<hbm>>) target(%arg14 : memref<128x128xf32, #tpu.memory_space<vmem>>) offsets(%arg8 : memref<128xi32, #tpu.memory_space<vmem>>) semaphore(%arg22 : memref<!tpu.dma_semaphore, #tpu.memory_space<semaphore_mem>>)
      } else {
      }
      %mul3A_105 = arith.constant 4 : i32
      %mul3A_106 = arith.muli %mul3A_105, %scan3A_85 : i32
      %add3A_107 = arith.constant 1 : i32
      %add3A_108 = arith.addi %mul3A_106, %add3A_107 : i32
      %dma_wait3A_109 = arith.constant 0 : i32
      %dma_wait3A_110 = arith.constant 0 : i32
      %dma_wait3A_111 = tpu.memref_slice %arg2[%dma_wait3A_109, %dma_wait3A_110] : memref<10240x128xf32, #tpu.memory_space<hbm>> -> memref<10240x128xf32, #tpu.memory_space<hbm>>
      tpu.wait_indirect_dma semaphore(%arg23 : memref<!tpu.dma_semaphore, #tpu.memory_space<semaphore_mem>>) src(%dma_wait3A_111 : memref<10240x128xf32, #tpu.memory_space<hbm>>) dst(%arg15 : memref<128x128xf32, #tpu.memory_space<vmem>>)
      "tpu.region"() ({
        %run_scoped3A = tpu.sem_alloc : memref<!tpu.dma_semaphore, #tpu.memory_space<semaphore_mem>>
        %dma_start3A_169 = arith.constant 0 : i32
        %dma_start3A_170 = arith.constant 0 : i32
        %dma_start3A_171 = tpu.memref_slice %arg17[%dma_start3A_169, %dma_start3A_170] : memref<10240x128xf32, #tpu.memory_space<vmem_shared>> -> memref<10240x128xf32, #tpu.memory_space<vmem_shared>>
        tpu.enqueue_indirect_dma source(%arg15 : memref<128x128xf32, #tpu.memory_space<vmem>>) target(%dma_start3A_171 : memref<10240x128xf32, #tpu.memory_space<vmem_shared>>) offsets(%arg11 : memref<128xi32, #tpu.memory_space<vmem>>) semaphore(%run_scoped3A : memref<!tpu.dma_semaphore, #tpu.memory_space<semaphore_mem>>) {add = true}
        %dma_wait3A_172 = arith.constant 0 : i32
        %dma_wait3A_173 = arith.constant 0 : i32
        %dma_wait3A_174 = tpu.memref_slice %arg17[%dma_wait3A_172, %dma_wait3A_173] : memref<10240x128xf32, #tpu.memory_space<vmem_shared>> -> memref<10240x128xf32, #tpu.memory_space<vmem_shared>>
        tpu.wait_indirect_dma semaphore(%run_scoped3A : memref<!tpu.dma_semaphore, #tpu.memory_space<semaphore_mem>>) src(%arg15 : memref<128x128xf32, #tpu.memory_space<vmem>>) dst(%dma_wait3A_174 : memref<10240x128xf32, #tpu.memory_space<vmem_shared>>)
        tpu.yield
      }) : () -> ()
      %add3A_112 = arith.constant 4 : i32
      %add3A_113 = arith.addi %add3A_108, %add3A_112 : i32
      %lt3A_114 = arith.constant 80 : i32
      %lt3A_115 = arith.cmpi slt, %add3A_113, %lt3A_114 : i32
      %convert_element_type3A_116 = arith.extui %lt3A_115 : i1 to i32
      %cond3A_117 = arith.constant 0 : i32
      %cond3A_118 = arith.cmpi ne, %convert_element_type3A_116, %cond3A_117 : i32
      scf.if %cond3A_118 {
        %add3A_169 = arith.constant 4 : i32
        %add3A_170 = arith.addi %add3A_108, %add3A_169 : i32
        %mul3A_171 = arith.constant 128 : i32
        %mul3A_172 = arith.muli %add3A_170, %mul3A_171 : i32
        %add3A_173 = arith.addi %mul3A_2, %mul3A_172 : i32
        %dma_start3A_174 = tpu.memref_slice %arg3[%add3A_173] : memref<327680xi32, #tpu.memory_space<hbm>> -> memref<128xi32, #tpu.memory_space<hbm>>
        %dma_start3A_175 = tpu.memref_slice %arg3[%add3A_173] : memref<327680xi32, #tpu.memory_space<hbm>> -> memref<128xi32, #tpu.memory_space<hbm>>
        tpu.enqueue_dma source(%dma_start3A_175 : memref<128xi32, #tpu.memory_space<hbm>>) target(%arg7 : memref<128xi32, #tpu.memory_space<vmem>>) target_semaphore(%arg19 : memref<!tpu.dma_semaphore, #tpu.memory_space<semaphore_mem>>)
        %mul3A_176 = arith.constant 128 : i32
        %mul3A_177 = arith.muli %add3A_170, %mul3A_176 : i32
        %add3A_178 = arith.addi %mul3A_2, %mul3A_177 : i32
        %dma_start3A_179 = tpu.memref_slice %arg4[%add3A_178] : memref<327680xi32, #tpu.memory_space<hbm>> -> memref<128xi32, #tpu.memory_space<hbm>>
        %dma_start3A_180 = tpu.memref_slice %arg4[%add3A_178] : memref<327680xi32, #tpu.memory_space<hbm>> -> memref<128xi32, #tpu.memory_space<hbm>>
        tpu.enqueue_dma source(%dma_start3A_180 : memref<128xi32, #tpu.memory_space<hbm>>) target(%arg11 : memref<128xi32, #tpu.memory_space<vmem>>) target_semaphore(%arg19 : memref<!tpu.dma_semaphore, #tpu.memory_space<semaphore_mem>>)
      } else {
      }
      %add3A_119 = arith.constant 2 : i32
      %add3A_120 = arith.addi %add3A_108, %add3A_119 : i32
      %lt3A_121 = arith.constant 80 : i32
      %lt3A_122 = arith.cmpi slt, %add3A_120, %lt3A_121 : i32
      %convert_element_type3A_123 = arith.extui %lt3A_122 : i1 to i32
      %cond3A_124 = arith.constant 0 : i32
      %cond3A_125 = arith.cmpi ne, %convert_element_type3A_123, %cond3A_124 : i32
      scf.if %cond3A_125 {
        %add3A_169 = arith.constant 2 : i32
        %add3A_170 = arith.addi %add3A_108, %add3A_169 : i32
        %mul3A_171 = arith.constant 128 : i32
        %mul3A_172 = arith.muli %add3A_170, %mul3A_171 : i32
        %add3A_173 = arith.addi %mul3A_2, %mul3A_172 : i32
        %dma_wait3A_174 = tpu.memref_slice %arg3[%add3A_173] : memref<327680xi32, #tpu.memory_space<hbm>> -> memref<128xi32, #tpu.memory_space<hbm>>
        %dma_wait3A_175 = tpu.memref_slice %arg3[%add3A_173] : memref<327680xi32, #tpu.memory_space<hbm>> -> memref<128xi32, #tpu.memory_space<hbm>>
        tpu.wait_dma2 semaphore(%arg21 : memref<!tpu.dma_semaphore, #tpu.memory_space<semaphore_mem>>) src(%dma_wait3A_175 : memref<128xi32, #tpu.memory_space<hbm>>) dst(%arg9 : memref<128xi32, #tpu.memory_space<vmem>>)
        %mul3A_176 = arith.constant 128 : i32
        %mul3A_177 = arith.muli %add3A_170, %mul3A_176 : i32
        %add3A_178 = arith.addi %mul3A_2, %mul3A_177 : i32
        %dma_wait3A_179 = tpu.memref_slice %arg4[%add3A_178] : memref<327680xi32, #tpu.memory_space<hbm>> -> memref<128xi32, #tpu.memory_space<hbm>>
        %dma_wait3A_180 = tpu.memref_slice %arg4[%add3A_178] : memref<327680xi32, #tpu.memory_space<hbm>> -> memref<128xi32, #tpu.memory_space<hbm>>
        tpu.wait_dma2 semaphore(%arg21 : memref<!tpu.dma_semaphore, #tpu.memory_space<semaphore_mem>>) src(%dma_wait3A_180 : memref<128xi32, #tpu.memory_space<hbm>>) dst(%arg13 : memref<128xi32, #tpu.memory_space<vmem>>)
        %dma_start3A_181 = arith.constant 0 : i32
        %dma_start3A_182 = arith.constant 0 : i32
        %dma_start3A_183 = tpu.memref_slice %arg2[%dma_start3A_181, %dma_start3A_182] : memref<10240x128xf32, #tpu.memory_space<hbm>> -> memref<10240x128xf32, #tpu.memory_space<hbm>>
        tpu.enqueue_indirect_dma source(%dma_start3A_183 : memref<10240x128xf32, #tpu.memory_space<hbm>>) target(%arg15 : memref<128x128xf32, #tpu.memory_space<vmem>>) offsets(%arg9 : memref<128xi32, #tpu.memory_space<vmem>>) semaphore(%arg23 : memref<!tpu.dma_semaphore, #tpu.memory_space<semaphore_mem>>)
      } else {
      }
      %mul3A_126 = arith.constant 4 : i32
      %mul3A_127 = arith.muli %mul3A_126, %scan3A_85 : i32
      %add3A_128 = arith.constant 2 : i32
      %add3A_129 = arith.addi %mul3A_127, %add3A_128 : i32
      %dma_wait3A_130 = arith.constant 0 : i32
      %dma_wait3A_131 = arith.constant 0 : i32
      %dma_wait3A_132 = tpu.memref_slice %arg2[%dma_wait3A_130, %dma_wait3A_131] : memref<10240x128xf32, #tpu.memory_space<hbm>> -> memref<10240x128xf32, #tpu.memory_space<hbm>>
      tpu.wait_indirect_dma semaphore(%arg22 : memref<!tpu.dma_semaphore, #tpu.memory_space<semaphore_mem>>) src(%dma_wait3A_132 : memref<10240x128xf32, #tpu.memory_space<hbm>>) dst(%arg14 : memref<128x128xf32, #tpu.memory_space<vmem>>)
      "tpu.region"() ({
        %run_scoped3A = tpu.sem_alloc : memref<!tpu.dma_semaphore, #tpu.memory_space<semaphore_mem>>
        %dma_start3A_169 = arith.constant 0 : i32
        %dma_start3A_170 = arith.constant 0 : i32
        %dma_start3A_171 = tpu.memref_slice %arg17[%dma_start3A_169, %dma_start3A_170] : memref<10240x128xf32, #tpu.memory_space<vmem_shared>> -> memref<10240x128xf32, #tpu.memory_space<vmem_shared>>
        tpu.enqueue_indirect_dma source(%arg14 : memref<128x128xf32, #tpu.memory_space<vmem>>) target(%dma_start3A_171 : memref<10240x128xf32, #tpu.memory_space<vmem_shared>>) offsets(%arg12 : memref<128xi32, #tpu.memory_space<vmem>>) semaphore(%run_scoped3A : memref<!tpu.dma_semaphore, #tpu.memory_space<semaphore_mem>>) {add = true}
        %dma_wait3A_172 = arith.constant 0 : i32
        %dma_wait3A_173 = arith.constant 0 : i32
        %dma_wait3A_174 = tpu.memref_slice %arg17[%dma_wait3A_172, %dma_wait3A_173] : memref<10240x128xf32, #tpu.memory_space<vmem_shared>> -> memref<10240x128xf32, #tpu.memory_space<vmem_shared>>
        tpu.wait_indirect_dma semaphore(%run_scoped3A : memref<!tpu.dma_semaphore, #tpu.memory_space<semaphore_mem>>) src(%arg14 : memref<128x128xf32, #tpu.memory_space<vmem>>) dst(%dma_wait3A_174 : memref<10240x128xf32, #tpu.memory_space<vmem_shared>>)
        tpu.yield
      }) : () -> ()
      %add3A_133 = arith.constant 4 : i32
      %add3A_134 = arith.addi %add3A_129, %add3A_133 : i32
      %lt3A_135 = arith.constant 80 : i32
      %lt3A_136 = arith.cmpi slt, %add3A_134, %lt3A_135 : i32
      %convert_element_type3A_137 = arith.extui %lt3A_136 : i1 to i32
      %cond3A_138 = arith.constant 0 : i32
      %cond3A_139 = arith.cmpi ne, %convert_element_type3A_137, %cond3A_138 : i32
      scf.if %cond3A_139 {
        %add3A_169 = arith.constant 4 : i32
        %add3A_170 = arith.addi %add3A_129, %add3A_169 : i32
        %mul3A_171 = arith.constant 128 : i32
        %mul3A_172 = arith.muli %add3A_170, %mul3A_171 : i32
        %add3A_173 = arith.addi %mul3A_2, %mul3A_172 : i32
        %dma_start3A_174 = tpu.memref_slice %arg3[%add3A_173] : memref<327680xi32, #tpu.memory_space<hbm>> -> memref<128xi32, #tpu.memory_space<hbm>>
        %dma_start3A_175 = tpu.memref_slice %arg3[%add3A_173] : memref<327680xi32, #tpu.memory_space<hbm>> -> memref<128xi32, #tpu.memory_space<hbm>>
        tpu.enqueue_dma source(%dma_start3A_175 : memref<128xi32, #tpu.memory_space<hbm>>) target(%arg8 : memref<128xi32, #tpu.memory_space<vmem>>) target_semaphore(%arg20 : memref<!tpu.dma_semaphore, #tpu.memory_space<semaphore_mem>>)
        %mul3A_176 = arith.constant 128 : i32
        %mul3A_177 = arith.muli %add3A_170, %mul3A_176 : i32
        %add3A_178 = arith.addi %mul3A_2, %mul3A_177 : i32
        %dma_start3A_179 = tpu.memref_slice %arg4[%add3A_178] : memref<327680xi32, #tpu.memory_space<hbm>> -> memref<128xi32, #tpu.memory_space<hbm>>
        %dma_start3A_180 = tpu.memref_slice %arg4[%add3A_178] : memref<327680xi32, #tpu.memory_space<hbm>> -> memref<128xi32, #tpu.memory_space<hbm>>
        tpu.enqueue_dma source(%dma_start3A_180 : memref<128xi32, #tpu.memory_space<hbm>>) target(%arg12 : memref<128xi32, #tpu.memory_space<vmem>>) target_semaphore(%arg20 : memref<!tpu.dma_semaphore, #tpu.memory_space<semaphore_mem>>)
      } else {
      }
      %add3A_140 = arith.constant 2 : i32
      %add3A_141 = arith.addi %add3A_129, %add3A_140 : i32
      %lt3A_142 = arith.constant 80 : i32
      %lt3A_143 = arith.cmpi slt, %add3A_141, %lt3A_142 : i32
      %convert_element_type3A_144 = arith.extui %lt3A_143 : i1 to i32
      %cond3A_145 = arith.constant 0 : i32
      %cond3A_146 = arith.cmpi ne, %convert_element_type3A_144, %cond3A_145 : i32
      scf.if %cond3A_146 {
        %add3A_169 = arith.constant 2 : i32
        %add3A_170 = arith.addi %add3A_129, %add3A_169 : i32
        %mul3A_171 = arith.constant 128 : i32
        %mul3A_172 = arith.muli %add3A_170, %mul3A_171 : i32
        %add3A_173 = arith.addi %mul3A_2, %mul3A_172 : i32
        %dma_wait3A_174 = tpu.memref_slice %arg3[%add3A_173] : memref<327680xi32, #tpu.memory_space<hbm>> -> memref<128xi32, #tpu.memory_space<hbm>>
        %dma_wait3A_175 = tpu.memref_slice %arg3[%add3A_173] : memref<327680xi32, #tpu.memory_space<hbm>> -> memref<128xi32, #tpu.memory_space<hbm>>
        tpu.wait_dma2 semaphore(%arg18 : memref<!tpu.dma_semaphore, #tpu.memory_space<semaphore_mem>>) src(%dma_wait3A_175 : memref<128xi32, #tpu.memory_space<hbm>>) dst(%arg6 : memref<128xi32, #tpu.memory_space<vmem>>)
        %mul3A_176 = arith.constant 128 : i32
        %mul3A_177 = arith.muli %add3A_170, %mul3A_176 : i32
        %add3A_178 = arith.addi %mul3A_2, %mul3A_177 : i32
        %dma_wait3A_179 = tpu.memref_slice %arg4[%add3A_178] : memref<327680xi32, #tpu.memory_space<hbm>> -> memref<128xi32, #tpu.memory_space<hbm>>
        %dma_wait3A_180 = tpu.memref_slice %arg4[%add3A_178] : memref<327680xi32, #tpu.memory_space<hbm>> -> memref<128xi32, #tpu.memory_space<hbm>>
        tpu.wait_dma2 semaphore(%arg18 : memref<!tpu.dma_semaphore, #tpu.memory_space<semaphore_mem>>) src(%dma_wait3A_180 : memref<128xi32, #tpu.memory_space<hbm>>) dst(%arg10 : memref<128xi32, #tpu.memory_space<vmem>>)
        %dma_start3A_181 = arith.constant 0 : i32
        %dma_start3A_182 = arith.constant 0 : i32
        %dma_start3A_183 = tpu.memref_slice %arg2[%dma_start3A_181, %dma_start3A_182] : memref<10240x128xf32, #tpu.memory_space<hbm>> -> memref<10240x128xf32, #tpu.memory_space<hbm>>
        tpu.enqueue_indirect_dma source(%dma_start3A_183 : memref<10240x128xf32, #tpu.memory_space<hbm>>) target(%arg14 : memref<128x128xf32, #tpu.memory_space<vmem>>) offsets(%arg6 : memref<128xi32, #tpu.memory_space<vmem>>) semaphore(%arg22 : memref<!tpu.dma_semaphore, #tpu.memory_space<semaphore_mem>>)
      } else {
      }
      %mul3A_147 = arith.constant 4 : i32
      %mul3A_148 = arith.muli %mul3A_147, %scan3A_85 : i32
      %add3A_149 = arith.constant 3 : i32
      %add3A_150 = arith.addi %mul3A_148, %add3A_149 : i32
      %dma_wait3A_151 = arith.constant 0 : i32
      %dma_wait3A_152 = arith.constant 0 : i32
      %dma_wait3A_153 = tpu.memref_slice %arg2[%dma_wait3A_151, %dma_wait3A_152] : memref<10240x128xf32, #tpu.memory_space<hbm>> -> memref<10240x128xf32, #tpu.memory_space<hbm>>
      tpu.wait_indirect_dma semaphore(%arg23 : memref<!tpu.dma_semaphore, #tpu.memory_space<semaphore_mem>>) src(%dma_wait3A_153 : memref<10240x128xf32, #tpu.memory_space<hbm>>) dst(%arg15 : memref<128x128xf32, #tpu.memory_space<vmem>>)
      "tpu.region"() ({
        %run_scoped3A = tpu.sem_alloc : memref<!tpu.dma_semaphore, #tpu.memory_space<semaphore_mem>>
        %dma_start3A_169 = arith.constant 0 : i32
        %dma_start3A_170 = arith.constant 0 : i32
        %dma_start3A_171 = tpu.memref_slice %arg17[%dma_start3A_169, %dma_start3A_170] : memref<10240x128xf32, #tpu.memory_space<vmem_shared>> -> memref<10240x128xf32, #tpu.memory_space<vmem_shared>>
        tpu.enqueue_indirect_dma source(%arg15 : memref<128x128xf32, #tpu.memory_space<vmem>>) target(%dma_start3A_171 : memref<10240x128xf32, #tpu.memory_space<vmem_shared>>) offsets(%arg13 : memref<128xi32, #tpu.memory_space<vmem>>) semaphore(%run_scoped3A : memref<!tpu.dma_semaphore, #tpu.memory_space<semaphore_mem>>) {add = true}
        %dma_wait3A_172 = arith.constant 0 : i32
        %dma_wait3A_173 = arith.constant 0 : i32
        %dma_wait3A_174 = tpu.memref_slice %arg17[%dma_wait3A_172, %dma_wait3A_173] : memref<10240x128xf32, #tpu.memory_space<vmem_shared>> -> memref<10240x128xf32, #tpu.memory_space<vmem_shared>>
        tpu.wait_indirect_dma semaphore(%run_scoped3A : memref<!tpu.dma_semaphore, #tpu.memory_space<semaphore_mem>>) src(%arg15 : memref<128x128xf32, #tpu.memory_space<vmem>>) dst(%dma_wait3A_174 : memref<10240x128xf32, #tpu.memory_space<vmem_shared>>)
        tpu.yield
      }) : () -> ()
      %add3A_154 = arith.constant 4 : i32
      %add3A_155 = arith.addi %add3A_150, %add3A_154 : i32
      %lt3A_156 = arith.constant 80 : i32
      %lt3A_157 = arith.cmpi slt, %add3A_155, %lt3A_156 : i32
      %convert_element_type3A_158 = arith.extui %lt3A_157 : i1 to i32
      %cond3A_159 = arith.constant 0 : i32
      %cond3A_160 = arith.cmpi ne, %convert_element_type3A_158, %cond3A_159 : i32
      scf.if %cond3A_160 {
        %add3A_169 = arith.constant 4 : i32
        %add3A_170 = arith.addi %add3A_150, %add3A_169 : i32
        %mul3A_171 = arith.constant 128 : i32
        %mul3A_172 = arith.muli %add3A_170, %mul3A_171 : i32
        %add3A_173 = arith.addi %mul3A_2, %mul3A_172 : i32
        %dma_start3A_174 = tpu.memref_slice %arg3[%add3A_173] : memref<327680xi32, #tpu.memory_space<hbm>> -> memref<128xi32, #tpu.memory_space<hbm>>
        %dma_start3A_175 = tpu.memref_slice %arg3[%add3A_173] : memref<327680xi32, #tpu.memory_space<hbm>> -> memref<128xi32, #tpu.memory_space<hbm>>
        tpu.enqueue_dma source(%dma_start3A_175 : memref<128xi32, #tpu.memory_space<hbm>>) target(%arg9 : memref<128xi32, #tpu.memory_space<vmem>>) target_semaphore(%arg21 : memref<!tpu.dma_semaphore, #tpu.memory_space<semaphore_mem>>)
        %mul3A_176 = arith.constant 128 : i32
        %mul3A_177 = arith.muli %add3A_170, %mul3A_176 : i32
        %add3A_178 = arith.addi %mul3A_2, %mul3A_177 : i32
        %dma_start3A_179 = tpu.memref_slice %arg4[%add3A_178] : memref<327680xi32, #tpu.memory_space<hbm>> -> memref<128xi32, #tpu.memory_space<hbm>>
        %dma_start3A_180 = tpu.memref_slice %arg4[%add3A_178] : memref<327680xi32, #tpu.memory_space<hbm>> -> memref<128xi32, #tpu.memory_space<hbm>>
        tpu.enqueue_dma source(%dma_start3A_180 : memref<128xi32, #tpu.memory_space<hbm>>) target(%arg13 : memref<128xi32, #tpu.memory_space<vmem>>) target_semaphore(%arg21 : memref<!tpu.dma_semaphore, #tpu.memory_space<semaphore_mem>>)
      } else {
      }
      %add3A_161 = arith.constant 2 : i32
      %add3A_162 = arith.addi %add3A_150, %add3A_161 : i32
      %lt3A_163 = arith.constant 80 : i32
      %lt3A_164 = arith.cmpi slt, %add3A_162, %lt3A_163 : i32
      %convert_element_type3A_165 = arith.extui %lt3A_164 : i1 to i32
      %cond3A_166 = arith.constant 0 : i32
      %cond3A_167 = arith.cmpi ne, %convert_element_type3A_165, %cond3A_166 : i32
      scf.if %cond3A_167 {
        %add3A_169 = arith.constant 2 : i32
        %add3A_170 = arith.addi %add3A_150, %add3A_169 : i32
        %mul3A_171 = arith.constant 128 : i32
        %mul3A_172 = arith.muli %add3A_170, %mul3A_171 : i32
        %add3A_173 = arith.addi %mul3A_2, %mul3A_172 : i32
        %dma_wait3A_174 = tpu.memref_slice %arg3[%add3A_173] : memref<327680xi32, #tpu.memory_space<hbm>> -> memref<128xi32, #tpu.memory_space<hbm>>
        %dma_wait3A_175 = tpu.memref_slice %arg3[%add3A_173] : memref<327680xi32, #tpu.memory_space<hbm>> -> memref<128xi32, #tpu.memory_space<hbm>>
        tpu.wait_dma2 semaphore(%arg19 : memref<!tpu.dma_semaphore, #tpu.memory_space<semaphore_mem>>) src(%dma_wait3A_175 : memref<128xi32, #tpu.memory_space<hbm>>) dst(%arg7 : memref<128xi32, #tpu.memory_space<vmem>>)
        %mul3A_176 = arith.constant 128 : i32
        %mul3A_177 = arith.muli %add3A_170, %mul3A_176 : i32
        %add3A_178 = arith.addi %mul3A_2, %mul3A_177 : i32
        %dma_wait3A_179 = tpu.memref_slice %arg4[%add3A_178] : memref<327680xi32, #tpu.memory_space<hbm>> -> memref<128xi32, #tpu.memory_space<hbm>>
        %dma_wait3A_180 = tpu.memref_slice %arg4[%add3A_178] : memref<327680xi32, #tpu.memory_space<hbm>> -> memref<128xi32, #tpu.memory_space<hbm>>
        tpu.wait_dma2 semaphore(%arg19 : memref<!tpu.dma_semaphore, #tpu.memory_space<semaphore_mem>>) src(%dma_wait3A_180 : memref<128xi32, #tpu.memory_space<hbm>>) dst(%arg11 : memref<128xi32, #tpu.memory_space<vmem>>)
        %dma_start3A_181 = arith.constant 0 : i32
        %dma_start3A_182 = arith.constant 0 : i32
        %dma_start3A_183 = tpu.memref_slice %arg2[%dma_start3A_181, %dma_start3A_182] : memref<10240x128xf32, #tpu.memory_space<hbm>> -> memref<10240x128xf32, #tpu.memory_space<hbm>>
        tpu.enqueue_indirect_dma source(%dma_start3A_183 : memref<10240x128xf32, #tpu.memory_space<hbm>>) target(%arg15 : memref<128x128xf32, #tpu.memory_space<vmem>>) offsets(%arg7 : memref<128xi32, #tpu.memory_space<vmem>>) semaphore(%arg23 : memref<!tpu.dma_semaphore, #tpu.memory_space<semaphore_mem>>)
      } else {
      }
      %scan3A_168 = arith.constant 0 : i32
      scf.yield %scan3A_168 : i32
    }
    %scan3A_83 = arith.constant 20 : i32
    %barrier3A_84 = arith.constant 0 : index
    tpu.barrier barrier_id(%barrier3A_84)
    "tpu.region"() ({
      %run_scoped3A = tpu.sem_alloc : memref<!tpu.dma_semaphore, #tpu.memory_space<semaphore_mem>>
      %dma_start3A_85 = arith.constant 0 : i32
      %dma_start3A_86 = tpu.memref_slice %arg5[%arg0, %mul3A_4, %dma_start3A_85] : memref<2x10240x128xf32, #tpu.memory_space<hbm>> -> memref<1x640x128xf32, #tpu.memory_space<hbm>>
      %dma_start3A_87 = tpu.memref_squeeze %dma_start3A_86 : memref<1x640x128xf32, #tpu.memory_space<hbm>> -> memref<640x128xf32, #tpu.memory_space<hbm>>
      %dma_start3A_88 = arith.constant 0 : i32
      %dma_start3A_89 = tpu.memref_slice %arg17[%mul3A_4, %dma_start3A_88] : memref<10240x128xf32, #tpu.memory_space<vmem_shared>> -> memref<640x128xf32, #tpu.memory_space<vmem_shared>>
      tpu.enqueue_dma source(%dma_start3A_89 : memref<640x128xf32, #tpu.memory_space<vmem_shared>>) target(%dma_start3A_87 : memref<640x128xf32, #tpu.memory_space<hbm>>) target_semaphore(%run_scoped3A : memref<!tpu.dma_semaphore, #tpu.memory_space<semaphore_mem>>)
      %dma_wait3A_90 = arith.constant 0 : i32
      %dma_wait3A_91 = tpu.memref_slice %arg5[%arg0, %mul3A_4, %dma_wait3A_90] : memref<2x10240x128xf32, #tpu.memory_space<hbm>> -> memref<1x640x128xf32, #tpu.memory_space<hbm>>
      %dma_wait3A_92 = tpu.memref_squeeze %dma_wait3A_91 : memref<1x640x128xf32, #tpu.memory_space<hbm>> -> memref<640x128xf32, #tpu.memory_space<hbm>>
      %dma_wait3A_93 = arith.constant 0 : i32
      %dma_wait3A_94 = tpu.memref_slice %arg17[%mul3A_4, %dma_wait3A_93] : memref<10240x128xf32, #tpu.memory_space<vmem_shared>> -> memref<640x128xf32, #tpu.memory_space<vmem_shared>>
      tpu.wait_dma2 semaphore(%run_scoped3A : memref<!tpu.dma_semaphore, #tpu.memory_space<semaphore_mem>>) src(%dma_wait3A_94 : memref<640x128xf32, #tpu.memory_space<vmem_shared>>) dst(%dma_wait3A_92 : memref<640x128xf32, #tpu.memory_space<hbm>>)
      tpu.yield
    }) : () -> ()
    return
  }
}

#map = affine_map<(d0, d1) -> (0, 0, 0)>
#map1 = affine_map<(d0, d1) -> (0, 0)>
module attributes {stable_mosaic.version = 14 : i64} {
  func.func @deg_kernel(%arg0: i32, %arg1: i32, %arg2: memref<32x80x128xi32, #tpu.memory_space<hbm>>, %arg3: memref<2x10240xf32, #tpu.memory_space<hbm>>, %arg4: memref<80x128xi32, #tpu.memory_space<vmem>>, %arg5: memref<128xi32, #tpu.memory_space<vmem>>, %arg6: memref<128xi32, #tpu.memory_space<vmem>>, %arg7: memref<128xi32, #tpu.memory_space<vmem>>, %arg8: memref<128xi32, #tpu.memory_space<vmem>>, %arg9: memref<128xf32, #tpu.memory_space<vmem>>, %arg10: memref<640xf32, #tpu.memory_space<vmem>>, %arg11: memref<10240xf32, #tpu.memory_space<vmem_shared>>, %arg12: memref<!tpu.dma_semaphore, #tpu.memory_space<semaphore_mem>>, %arg13: memref<!tpu.dma_semaphore, #tpu.memory_space<semaphore_mem>>, %arg14: memref<!tpu.dma_semaphore, #tpu.memory_space<semaphore_mem>>, %arg15: memref<!tpu.dma_semaphore, #tpu.memory_space<semaphore_mem>>) attributes {dimension_semantics = [#tpu.dimension_semantics<core_parallel>, #tpu.dimension_semantics<subcore_parallel>], iteration_bounds = array<i64: 2, 16>, scalar_prefetch = 0 : i64, scratch_operands = 12 : i64, tpu.core_type = #tpu.core_type<sc_vector_subcore>, window_params = [{transform_indices = #map}, {transform_indices = #map1}]} {
    %mul3A = arith.constant 16 : i32
    %mul3A_0 = arith.muli %arg0, %mul3A : i32
    %add3A = arith.addi %mul3A_0, %arg1 : i32
    %mul3A_1 = arith.constant 640 : i32
    %mul3A_2 = arith.muli %arg1, %mul3A_1 : i32
    "tpu.region"() ({
      %run_scoped3A = tpu.sem_alloc : memref<!tpu.dma_semaphore, #tpu.memory_space<semaphore_mem>>
      %dma_start3A = arith.constant 0 : i32
      %dma_start3A_70 = arith.constant 0 : i32
      %dma_start3A_71 = tpu.memref_slice %arg2[%add3A, %dma_start3A, %dma_start3A_70] : memref<32x80x128xi32, #tpu.memory_space<hbm>> -> memref<1x80x128xi32, #tpu.memory_space<hbm>>
      %dma_start3A_72 = tpu.memref_squeeze %dma_start3A_71 : memref<1x80x128xi32, #tpu.memory_space<hbm>> -> memref<80x128xi32, #tpu.memory_space<hbm>>
      %dma_start3A_73 = arith.constant 0 : i32
      %dma_start3A_74 = arith.constant 0 : i32
      %dma_start3A_75 = tpu.memref_slice %arg2[%add3A, %dma_start3A_73, %dma_start3A_74] : memref<32x80x128xi32, #tpu.memory_space<hbm>> -> memref<1x80x128xi32, #tpu.memory_space<hbm>>
      %dma_start3A_76 = tpu.memref_squeeze %dma_start3A_75 : memref<1x80x128xi32, #tpu.memory_space<hbm>> -> memref<80x128xi32, #tpu.memory_space<hbm>>
      tpu.enqueue_dma source(%dma_start3A_76 : memref<80x128xi32, #tpu.memory_space<hbm>>) target(%arg4 : memref<80x128xi32, #tpu.memory_space<vmem>>) target_semaphore(%run_scoped3A : memref<!tpu.dma_semaphore, #tpu.memory_space<semaphore_mem>>)
      %dma_wait3A_77 = arith.constant 0 : i32
      %dma_wait3A_78 = arith.constant 0 : i32
      %dma_wait3A_79 = tpu.memref_slice %arg2[%add3A, %dma_wait3A_77, %dma_wait3A_78] : memref<32x80x128xi32, #tpu.memory_space<hbm>> -> memref<1x80x128xi32, #tpu.memory_space<hbm>>
      %dma_wait3A_80 = tpu.memref_squeeze %dma_wait3A_79 : memref<1x80x128xi32, #tpu.memory_space<hbm>> -> memref<80x128xi32, #tpu.memory_space<hbm>>
      %dma_wait3A_81 = arith.constant 0 : i32
      %dma_wait3A_82 = arith.constant 0 : i32
      %dma_wait3A_83 = tpu.memref_slice %arg2[%add3A, %dma_wait3A_81, %dma_wait3A_82] : memref<32x80x128xi32, #tpu.memory_space<hbm>> -> memref<1x80x128xi32, #tpu.memory_space<hbm>>
      %dma_wait3A_84 = tpu.memref_squeeze %dma_wait3A_83 : memref<1x80x128xi32, #tpu.memory_space<hbm>> -> memref<80x128xi32, #tpu.memory_space<hbm>>
      tpu.wait_dma2 semaphore(%run_scoped3A : memref<!tpu.dma_semaphore, #tpu.memory_space<semaphore_mem>>) src(%dma_wait3A_84 : memref<80x128xi32, #tpu.memory_space<hbm>>) dst(%arg4 : memref<80x128xi32, #tpu.memory_space<vmem>>)
      tpu.yield
    }) : () -> ()
    %broadcast_in_dim3A = arith.constant 1.000000e+00 : f32
    %broadcast_in_dim3A_3 = vector.broadcast %broadcast_in_dim3A : f32 to vector<16xf32>
    %swap3A = arith.constant 0 : index
    %swap3A_4 = tpu.vector_load %arg9[%swap3A] {strides = array<i32>} : memref<128xf32, #tpu.memory_space<vmem>>, vector<16xf32>,
    %swap3A_5 = vector.shape_cast %swap3A_4 : vector<16xf32> to vector<16xf32>
    %swap3A_6 = vector.shape_cast %broadcast_in_dim3A_3 : vector<16xf32> to vector<16xf32>
    tpu.vector_store %arg9[%swap3A], %swap3A_6 {strides = array<i32>} : memref<128xf32, #tpu.memory_space<vmem>>, vector<16xf32>,
    %broadcast_in_dim3A_7 = arith.constant 1.000000e+00 : f32
    %broadcast_in_dim3A_8 = vector.broadcast %broadcast_in_dim3A_7 : f32 to vector<16xf32>
    %swap3A_9 = arith.constant 16 : index
    %swap3A_10 = tpu.vector_load %arg9[%swap3A_9] {strides = array<i32>} : memref<128xf32, #tpu.memory_space<vmem>>, vector<16xf32>,
    %swap3A_11 = vector.shape_cast %swap3A_10 : vector<16xf32> to vector<16xf32>
    %swap3A_12 = vector.shape_cast %broadcast_in_dim3A_8 : vector<16xf32> to vector<16xf32>
    tpu.vector_store %arg9[%swap3A_9], %swap3A_12 {strides = array<i32>} : memref<128xf32, #tpu.memory_space<vmem>>, vector<16xf32>,
    %broadcast_in_dim3A_13 = arith.constant 1.000000e+00 : f32
    %broadcast_in_dim3A_14 = vector.broadcast %broadcast_in_dim3A_13 : f32 to vector<16xf32>
    %swap3A_15 = arith.constant 32 : index
    %swap3A_16 = tpu.vector_load %arg9[%swap3A_15] {strides = array<i32>} : memref<128xf32, #tpu.memory_space<vmem>>, vector<16xf32>,
    %swap3A_17 = vector.shape_cast %swap3A_16 : vector<16xf32> to vector<16xf32>
    %swap3A_18 = vector.shape_cast %broadcast_in_dim3A_14 : vector<16xf32> to vector<16xf32>
    tpu.vector_store %arg9[%swap3A_15], %swap3A_18 {strides = array<i32>} : memref<128xf32, #tpu.memory_space<vmem>>, vector<16xf32>,
    %broadcast_in_dim3A_19 = arith.constant 1.000000e+00 : f32
    %broadcast_in_dim3A_20 = vector.broadcast %broadcast_in_dim3A_19 : f32 to vector<16xf32>
    %swap3A_21 = arith.constant 48 : index
    %swap3A_22 = tpu.vector_load %arg9[%swap3A_21] {strides = array<i32>} : memref<128xf32, #tpu.memory_space<vmem>>, vector<16xf32>,
    %swap3A_23 = vector.shape_cast %swap3A_22 : vector<16xf32> to vector<16xf32>
    %swap3A_24 = vector.shape_cast %broadcast_in_dim3A_20 : vector<16xf32> to vector<16xf32>
    tpu.vector_store %arg9[%swap3A_21], %swap3A_24 {strides = array<i32>} : memref<128xf32, #tpu.memory_space<vmem>>, vector<16xf32>,
    %broadcast_in_dim3A_25 = arith.constant 1.000000e+00 : f32
    %broadcast_in_dim3A_26 = vector.broadcast %broadcast_in_dim3A_25 : f32 to vector<16xf32>
    %swap3A_27 = arith.constant 64 : index
    %swap3A_28 = tpu.vector_load %arg9[%swap3A_27] {strides = array<i32>} : memref<128xf32, #tpu.memory_space<vmem>>, vector<16xf32>,
    %swap3A_29 = vector.shape_cast %swap3A_28 : vector<16xf32> to vector<16xf32>
    %swap3A_30 = vector.shape_cast %broadcast_in_dim3A_26 : vector<16xf32> to vector<16xf32>
    tpu.vector_store %arg9[%swap3A_27], %swap3A_30 {strides = array<i32>} : memref<128xf32, #tpu.memory_space<vmem>>, vector<16xf32>,
    %broadcast_in_dim3A_31 = arith.constant 1.000000e+00 : f32
    %broadcast_in_dim3A_32 = vector.broadcast %broadcast_in_dim3A_31 : f32 to vector<16xf32>
    %swap3A_33 = arith.constant 80 : index
    %swap3A_34 = tpu.vector_load %arg9[%swap3A_33] {strides = array<i32>} : memref<128xf32, #tpu.memory_space<vmem>>, vector<16xf32>,
    %swap3A_35 = vector.shape_cast %swap3A_34 : vector<16xf32> to vector<16xf32>
    %swap3A_36 = vector.shape_cast %broadcast_in_dim3A_32 : vector<16xf32> to vector<16xf32>
    tpu.vector_store %arg9[%swap3A_33], %swap3A_36 {strides = array<i32>} : memref<128xf32, #tpu.memory_space<vmem>>, vector<16xf32>,
    %broadcast_in_dim3A_37 = arith.constant 1.000000e+00 : f32
    %broadcast_in_dim3A_38 = vector.broadcast %broadcast_in_dim3A_37 : f32 to vector<16xf32>
    %swap3A_39 = arith.constant 96 : index
    %swap3A_40 = tpu.vector_load %arg9[%swap3A_39] {strides = array<i32>} : memref<128xf32, #tpu.memory_space<vmem>>, vector<16xf32>,
    %swap3A_41 = vector.shape_cast %swap3A_40 : vector<16xf32> to vector<16xf32>
    %swap3A_42 = vector.shape_cast %broadcast_in_dim3A_38 : vector<16xf32> to vector<16xf32>
    tpu.vector_store %arg9[%swap3A_39], %swap3A_42 {strides = array<i32>} : memref<128xf32, #tpu.memory_space<vmem>>, vector<16xf32>,
    %broadcast_in_dim3A_43 = arith.constant 1.000000e+00 : f32
    %broadcast_in_dim3A_44 = vector.broadcast %broadcast_in_dim3A_43 : f32 to vector<16xf32>
    %swap3A_45 = arith.constant 112 : index
    %swap3A_46 = tpu.vector_load %arg9[%swap3A_45] {strides = array<i32>} : memref<128xf32, #tpu.memory_space<vmem>>, vector<16xf32>,
    %swap3A_47 = vector.shape_cast %swap3A_46 : vector<16xf32> to vector<16xf32>
    %swap3A_48 = vector.shape_cast %broadcast_in_dim3A_44 : vector<16xf32> to vector<16xf32>
    tpu.vector_store %arg9[%swap3A_45], %swap3A_48 {strides = array<i32>} : memref<128xf32, #tpu.memory_space<vmem>>, vector<16xf32>,
    %scan3A = arith.constant 0 : i32
    %scan3A_49 = arith.constant 0 : i32
    %scan3A_50 = arith.constant 40 : i32
    %scan3A_51 = arith.addi %scan3A_49, %scan3A_50 : i32
    %scan3A_52 = arith.constant 1 : i32
    %scan3A_53 = scf.for %scan3A_70 = %scan3A_49 to %scan3A_51 step %scan3A_52 iter_args(%scan3A_71 = %scan3A) -> (i32)  : i32 {
      %broadcast_in_dim3A_72 = arith.constant 0.000000e+00 : f32
      %broadcast_in_dim3A_73 = vector.broadcast %broadcast_in_dim3A_72 : f32 to vector<16xf32>
      %mul3A_74 = arith.constant 16 : i32
      %mul3A_75 = arith.muli %scan3A_70, %mul3A_74 : i32
      %swap3A_76 = arith.index_cast %mul3A_75 : i32 to index
      %swap3A_77 = tpu.vector_load %arg10[%swap3A_76] {strides = array<i32>} : memref<640xf32, #tpu.memory_space<vmem>>, vector<16xf32>,
      %swap3A_78 = vector.shape_cast %swap3A_77 : vector<16xf32> to vector<16xf32>
      %swap3A_79 = vector.shape_cast %broadcast_in_dim3A_73 : vector<16xf32> to vector<16xf32>
      tpu.vector_store %arg10[%swap3A_76], %swap3A_79 {strides = array<i32>} : memref<640xf32, #tpu.memory_space<vmem>>, vector<16xf32>,
      %scan3A_80 = arith.constant 0 : i32
      scf.yield %scan3A_80 : i32
    }
    %scan3A_54 = arith.constant 40 : i32
    "tpu.region"() ({
      %run_scoped3A = tpu.sem_alloc : memref<!tpu.dma_semaphore, #tpu.memory_space<semaphore_mem>>
      %dma_start3A = tpu.memref_slice %arg11[%mul3A_2] : memref<10240xf32, #tpu.memory_space<vmem_shared>> -> memref<640xf32, #tpu.memory_space<vmem_shared>>
      %dma_start3A_70 = tpu.memref_slice %arg11[%mul3A_2] : memref<10240xf32, #tpu.memory_space<vmem_shared>> -> memref<640xf32, #tpu.memory_space<vmem_shared>>
      tpu.enqueue_dma source(%arg10 : memref<640xf32, #tpu.memory_space<vmem>>) target(%dma_start3A_70 : memref<640xf32, #tpu.memory_space<vmem_shared>>) target_semaphore(%run_scoped3A : memref<!tpu.dma_semaphore, #tpu.memory_space<semaphore_mem>>)
      %dma_wait3A_71 = tpu.memref_slice %arg11[%mul3A_2] : memref<10240xf32, #tpu.memory_space<vmem_shared>> -> memref<640xf32, #tpu.memory_space<vmem_shared>>
      %dma_wait3A_72 = tpu.memref_slice %arg11[%mul3A_2] : memref<10240xf32, #tpu.memory_space<vmem_shared>> -> memref<640xf32, #tpu.memory_space<vmem_shared>>
      tpu.wait_dma2 semaphore(%run_scoped3A : memref<!tpu.dma_semaphore, #tpu.memory_space<semaphore_mem>>) src(%arg10 : memref<640xf32, #tpu.memory_space<vmem>>) dst(%dma_wait3A_72 : memref<640xf32, #tpu.memory_space<vmem_shared>>)
      tpu.yield
    }) : () -> ()
    %barrier3A = arith.constant 0 : index
    tpu.barrier barrier_id(%barrier3A)
    %scan3A_55 = arith.constant 0 : i32
    %scan3A_56 = arith.constant 0 : i32
    %scan3A_57 = arith.constant 20 : i32
    %scan3A_58 = arith.addi %scan3A_56, %scan3A_57 : i32
    %scan3A_59 = arith.constant 1 : i32
    %scan3A_60 = scf.for %scan3A_70 = %scan3A_56 to %scan3A_58 step %scan3A_59 iter_args(%scan3A_71 = %scan3A_55) -> (i32)  : i32 {
      %mul3A_72 = arith.constant 4 : i32
      %mul3A_73 = arith.muli %mul3A_72, %scan3A_70 : i32
      %add3A_74 = arith.constant 0 : i32
      %add3A_75 = arith.addi %mul3A_73, %add3A_74 : i32
      %ge3A = arith.constant 4 : i32
      %ge3A_76 = arith.cmpi sge, %add3A_75, %ge3A : i32
      %convert_element_type3A = arith.extui %ge3A_76 : i1 to i32
      %cond3A = arith.constant 0 : i32
      %cond3A_77 = arith.cmpi ne, %convert_element_type3A, %cond3A : i32
      scf.if %cond3A_77 {
        %dma_wait3A_368 = arith.constant 0 : i32
        %dma_wait3A_369 = tpu.memref_slice %arg11[%dma_wait3A_368] : memref<10240xf32, #tpu.memory_space<vmem_shared>> -> memref<10240xf32, #tpu.memory_space<vmem_shared>>
        tpu.wait_indirect_dma semaphore(%arg12 : memref<!tpu.dma_semaphore, #tpu.memory_space<semaphore_mem>>) src(%arg9 : memref<128xf32, #tpu.memory_space<vmem>>) dst(%dma_wait3A_369 : memref<10240xf32, #tpu.memory_space<vmem_shared>>)
      } else {
      }
      %get3A = arith.index_cast %add3A_75 : i32 to index
      %get3A_78 = arith.constant 0 : index
      %get3A_79 = tpu.vector_load %arg4[%get3A, %get3A_78] {strides = array<i32>} : memref<80x128xi32, #tpu.memory_space<vmem>>, vector<1x16xi32>,
      %get3A_80 = vector.shape_cast %get3A_79 : vector<1x16xi32> to vector<16xi32>
      %swap3A_81 = arith.constant 0 : index
      %swap3A_82 = tpu.vector_load %arg5[%swap3A_81] {strides = array<i32>} : memref<128xi32, #tpu.memory_space<vmem>>, vector<16xi32>,
      %swap3A_83 = vector.shape_cast %swap3A_82 : vector<16xi32> to vector<16xi32>
      %swap3A_84 = vector.shape_cast %get3A_80 : vector<16xi32> to vector<16xi32>
      tpu.vector_store %arg5[%swap3A_81], %swap3A_84 {strides = array<i32>} : memref<128xi32, #tpu.memory_space<vmem>>, vector<16xi32>,
      %get3A_85 = arith.index_cast %add3A_75 : i32 to index
      %get3A_86 = arith.constant 16 : index
      %get3A_87 = tpu.vector_load %arg4[%get3A_85, %get3A_86] {strides = array<i32>} : memref<80x128xi32, #tpu.memory_space<vmem>>, vector<1x16xi32>,
      %get3A_88 = vector.shape_cast %get3A_87 : vector<1x16xi32> to vector<16xi32>
      %swap3A_89 = arith.constant 16 : index
      %swap3A_90 = tpu.vector_load %arg5[%swap3A_89] {strides = array<i32>} : memref<128xi32, #tpu.memory_space<vmem>>, vector<16xi32>,
      %swap3A_91 = vector.shape_cast %swap3A_90 : vector<16xi32> to vector<16xi32>
      %swap3A_92 = vector.shape_cast %get3A_88 : vector<16xi32> to vector<16xi32>
      tpu.vector_store %arg5[%swap3A_89], %swap3A_92 {strides = array<i32>} : memref<128xi32, #tpu.memory_space<vmem>>, vector<16xi32>,
      %get3A_93 = arith.index_cast %add3A_75 : i32 to index
      %get3A_94 = arith.constant 32 : index
      %get3A_95 = tpu.vector_load %arg4[%get3A_93, %get3A_94] {strides = array<i32>} : memref<80x128xi32, #tpu.memory_space<vmem>>, vector<1x16xi32>,
      %get3A_96 = vector.shape_cast %get3A_95 : vector<1x16xi32> to vector<16xi32>
      %swap3A_97 = arith.constant 32 : index
      %swap3A_98 = tpu.vector_load %arg5[%swap3A_97] {strides = array<i32>} : memref<128xi32, #tpu.memory_space<vmem>>, vector<16xi32>,
      %swap3A_99 = vector.shape_cast %swap3A_98 : vector<16xi32> to vector<16xi32>
      %swap3A_100 = vector.shape_cast %get3A_96 : vector<16xi32> to vector<16xi32>
      tpu.vector_store %arg5[%swap3A_97], %swap3A_100 {strides = array<i32>} : memref<128xi32, #tpu.memory_space<vmem>>, vector<16xi32>,
      %get3A_101 = arith.index_cast %add3A_75 : i32 to index
      %get3A_102 = arith.constant 48 : index
      %get3A_103 = tpu.vector_load %arg4[%get3A_101, %get3A_102] {strides = array<i32>} : memref<80x128xi32, #tpu.memory_space<vmem>>, vector<1x16xi32>,
      %get3A_104 = vector.shape_cast %get3A_103 : vector<1x16xi32> to vector<16xi32>
      %swap3A_105 = arith.constant 48 : index
      %swap3A_106 = tpu.vector_load %arg5[%swap3A_105] {strides = array<i32>} : memref<128xi32, #tpu.memory_space<vmem>>, vector<16xi32>,
      %swap3A_107 = vector.shape_cast %swap3A_106 : vector<16xi32> to vector<16xi32>
      %swap3A_108 = vector.shape_cast %get3A_104 : vector<16xi32> to vector<16xi32>
      tpu.vector_store %arg5[%swap3A_105], %swap3A_108 {strides = array<i32>} : memref<128xi32, #tpu.memory_space<vmem>>, vector<16xi32>,
      %get3A_109 = arith.index_cast %add3A_75 : i32 to index
      %get3A_110 = arith.constant 64 : index
      %get3A_111 = tpu.vector_load %arg4[%get3A_109, %get3A_110] {strides = array<i32>} : memref<80x128xi32, #tpu.memory_space<vmem>>, vector<1x16xi32>,
      %get3A_112 = vector.shape_cast %get3A_111 : vector<1x16xi32> to vector<16xi32>
      %swap3A_113 = arith.constant 64 : index
      %swap3A_114 = tpu.vector_load %arg5[%swap3A_113] {strides = array<i32>} : memref<128xi32, #tpu.memory_space<vmem>>, vector<16xi32>,
      %swap3A_115 = vector.shape_cast %swap3A_114 : vector<16xi32> to vector<16xi32>
      %swap3A_116 = vector.shape_cast %get3A_112 : vector<16xi32> to vector<16xi32>
      tpu.vector_store %arg5[%swap3A_113], %swap3A_116 {strides = array<i32>} : memref<128xi32, #tpu.memory_space<vmem>>, vector<16xi32>,
      %get3A_117 = arith.index_cast %add3A_75 : i32 to index
      %get3A_118 = arith.constant 80 : index
      %get3A_119 = tpu.vector_load %arg4[%get3A_117, %get3A_118] {strides = array<i32>} : memref<80x128xi32, #tpu.memory_space<vmem>>, vector<1x16xi32>,
      %get3A_120 = vector.shape_cast %get3A_119 : vector<1x16xi32> to vector<16xi32>
      %swap3A_121 = arith.constant 80 : index
      %swap3A_122 = tpu.vector_load %arg5[%swap3A_121] {strides = array<i32>} : memref<128xi32, #tpu.memory_space<vmem>>, vector<16xi32>,
      %swap3A_123 = vector.shape_cast %swap3A_122 : vector<16xi32> to vector<16xi32>
      %swap3A_124 = vector.shape_cast %get3A_120 : vector<16xi32> to vector<16xi32>
      tpu.vector_store %arg5[%swap3A_121], %swap3A_124 {strides = array<i32>} : memref<128xi32, #tpu.memory_space<vmem>>, vector<16xi32>,
      %get3A_125 = arith.index_cast %add3A_75 : i32 to index
      %get3A_126 = arith.constant 96 : index
      %get3A_127 = tpu.vector_load %arg4[%get3A_125, %get3A_126] {strides = array<i32>} : memref<80x128xi32, #tpu.memory_space<vmem>>, vector<1x16xi32>,
      %get3A_128 = vector.shape_cast %get3A_127 : vector<1x16xi32> to vector<16xi32>
      %swap3A_129 = arith.constant 96 : index
      %swap3A_130 = tpu.vector_load %arg5[%swap3A_129] {strides = array<i32>} : memref<128xi32, #tpu.memory_space<vmem>>, vector<16xi32>,
      %swap3A_131 = vector.shape_cast %swap3A_130 : vector<16xi32> to vector<16xi32>
      %swap3A_132 = vector.shape_cast %get3A_128 : vector<16xi32> to vector<16xi32>
      tpu.vector_store %arg5[%swap3A_129], %swap3A_132 {strides = array<i32>} : memref<128xi32, #tpu.memory_space<vmem>>, vector<16xi32>,
      %get3A_133 = arith.index_cast %add3A_75 : i32 to index
      %get3A_134 = arith.constant 112 : index
      %get3A_135 = tpu.vector_load %arg4[%get3A_133, %get3A_134] {strides = array<i32>} : memref<80x128xi32, #tpu.memory_space<vmem>>, vector<1x16xi32>,
      %get3A_136 = vector.shape_cast %get3A_135 : vector<1x16xi32> to vector<16xi32>
      %swap3A_137 = arith.constant 112 : index
      %swap3A_138 = tpu.vector_load %arg5[%swap3A_137] {strides = array<i32>} : memref<128xi32, #tpu.memory_space<vmem>>, vector<16xi32>,
      %swap3A_139 = vector.shape_cast %swap3A_138 : vector<16xi32> to vector<16xi32>
      %swap3A_140 = vector.shape_cast %get3A_136 : vector<16xi32> to vector<16xi32>
      tpu.vector_store %arg5[%swap3A_137], %swap3A_140 {strides = array<i32>} : memref<128xi32, #tpu.memory_space<vmem>>, vector<16xi32>,
      %dma_start3A = arith.constant 0 : i32
      %dma_start3A_141 = tpu.memref_slice %arg11[%dma_start3A] : memref<10240xf32, #tpu.memory_space<vmem_shared>> -> memref<10240xf32, #tpu.memory_space<vmem_shared>>
      tpu.enqueue_indirect_dma source(%arg9 : memref<128xf32, #tpu.memory_space<vmem>>) target(%dma_start3A_141 : memref<10240xf32, #tpu.memory_space<vmem_shared>>) offsets(%arg5 : memref<128xi32, #tpu.memory_space<vmem>>) semaphore(%arg12 : memref<!tpu.dma_semaphore, #tpu.memory_space<semaphore_mem>>) {add = true}
      %mul3A_142 = arith.constant 4 : i32
      %mul3A_143 = arith.muli %mul3A_142, %scan3A_70 : i32
      %add3A_144 = arith.constant 1 : i32
      %add3A_145 = arith.addi %mul3A_143, %add3A_144 : i32
      %ge3A_146 = arith.constant 4 : i32
      %ge3A_147 = arith.cmpi sge, %add3A_145, %ge3A_146 : i32
      %convert_element_type3A_148 = arith.extui %ge3A_147 : i1 to i32
      %cond3A_149 = arith.constant 0 : i32
      %cond3A_150 = arith.cmpi ne, %convert_element_type3A_148, %cond3A_149 : i32
      scf.if %cond3A_150 {
        %dma_wait3A_368 = arith.constant 0 : i32
        %dma_wait3A_369 = tpu.memref_slice %arg11[%dma_wait3A_368] : memref<10240xf32, #tpu.memory_space<vmem_shared>> -> memref<10240xf32, #tpu.memory_space<vmem_shared>>
        tpu.wait_indirect_dma semaphore(%arg13 : memref<!tpu.dma_semaphore, #tpu.memory_space<semaphore_mem>>) src(%arg9 : memref<128xf32, #tpu.memory_space<vmem>>) dst(%dma_wait3A_369 : memref<10240xf32, #tpu.memory_space<vmem_shared>>)
      } else {
      }
      %get3A_151 = arith.index_cast %add3A_145 : i32 to index
      %get3A_152 = arith.constant 0 : index
      %get3A_153 = tpu.vector_load %arg4[%get3A_151, %get3A_152] {strides = array<i32>} : memref<80x128xi32, #tpu.memory_space<vmem>>, vector<1x16xi32>,
      %get3A_154 = vector.shape_cast %get3A_153 : vector<1x16xi32> to vector<16xi32>
      %swap3A_155 = arith.constant 0 : index
      %swap3A_156 = tpu.vector_load %arg6[%swap3A_155] {strides = array<i32>} : memref<128xi32, #tpu.memory_space<vmem>>, vector<16xi32>,
      %swap3A_157 = vector.shape_cast %swap3A_156 : vector<16xi32> to vector<16xi32>
      %swap3A_158 = vector.shape_cast %get3A_154 : vector<16xi32> to vector<16xi32>
      tpu.vector_store %arg6[%swap3A_155], %swap3A_158 {strides = array<i32>} : memref<128xi32, #tpu.memory_space<vmem>>, vector<16xi32>,
      %get3A_159 = arith.index_cast %add3A_145 : i32 to index
      %get3A_160 = arith.constant 16 : index
      %get3A_161 = tpu.vector_load %arg4[%get3A_159, %get3A_160] {strides = array<i32>} : memref<80x128xi32, #tpu.memory_space<vmem>>, vector<1x16xi32>,
      %get3A_162 = vector.shape_cast %get3A_161 : vector<1x16xi32> to vector<16xi32>
      %swap3A_163 = arith.constant 16 : index
      %swap3A_164 = tpu.vector_load %arg6[%swap3A_163] {strides = array<i32>} : memref<128xi32, #tpu.memory_space<vmem>>, vector<16xi32>,
      %swap3A_165 = vector.shape_cast %swap3A_164 : vector<16xi32> to vector<16xi32>
      %swap3A_166 = vector.shape_cast %get3A_162 : vector<16xi32> to vector<16xi32>
      tpu.vector_store %arg6[%swap3A_163], %swap3A_166 {strides = array<i32>} : memref<128xi32, #tpu.memory_space<vmem>>, vector<16xi32>,
      %get3A_167 = arith.index_cast %add3A_145 : i32 to index
      %get3A_168 = arith.constant 32 : index
      %get3A_169 = tpu.vector_load %arg4[%get3A_167, %get3A_168] {strides = array<i32>} : memref<80x128xi32, #tpu.memory_space<vmem>>, vector<1x16xi32>,
      %get3A_170 = vector.shape_cast %get3A_169 : vector<1x16xi32> to vector<16xi32>
      %swap3A_171 = arith.constant 32 : index
      %swap3A_172 = tpu.vector_load %arg6[%swap3A_171] {strides = array<i32>} : memref<128xi32, #tpu.memory_space<vmem>>, vector<16xi32>,
      %swap3A_173 = vector.shape_cast %swap3A_172 : vector<16xi32> to vector<16xi32>
      %swap3A_174 = vector.shape_cast %get3A_170 : vector<16xi32> to vector<16xi32>
      tpu.vector_store %arg6[%swap3A_171], %swap3A_174 {strides = array<i32>} : memref<128xi32, #tpu.memory_space<vmem>>, vector<16xi32>,
      %get3A_175 = arith.index_cast %add3A_145 : i32 to index
      %get3A_176 = arith.constant 48 : index
      %get3A_177 = tpu.vector_load %arg4[%get3A_175, %get3A_176] {strides = array<i32>} : memref<80x128xi32, #tpu.memory_space<vmem>>, vector<1x16xi32>,
      %get3A_178 = vector.shape_cast %get3A_177 : vector<1x16xi32> to vector<16xi32>
      %swap3A_179 = arith.constant 48 : index
      %swap3A_180 = tpu.vector_load %arg6[%swap3A_179] {strides = array<i32>} : memref<128xi32, #tpu.memory_space<vmem>>, vector<16xi32>,
      %swap3A_181 = vector.shape_cast %swap3A_180 : vector<16xi32> to vector<16xi32>
      %swap3A_182 = vector.shape_cast %get3A_178 : vector<16xi32> to vector<16xi32>
      tpu.vector_store %arg6[%swap3A_179], %swap3A_182 {strides = array<i32>} : memref<128xi32, #tpu.memory_space<vmem>>, vector<16xi32>,
      %get3A_183 = arith.index_cast %add3A_145 : i32 to index
      %get3A_184 = arith.constant 64 : index
      %get3A_185 = tpu.vector_load %arg4[%get3A_183, %get3A_184] {strides = array<i32>} : memref<80x128xi32, #tpu.memory_space<vmem>>, vector<1x16xi32>,
      %get3A_186 = vector.shape_cast %get3A_185 : vector<1x16xi32> to vector<16xi32>
      %swap3A_187 = arith.constant 64 : index
      %swap3A_188 = tpu.vector_load %arg6[%swap3A_187] {strides = array<i32>} : memref<128xi32, #tpu.memory_space<vmem>>, vector<16xi32>,
      %swap3A_189 = vector.shape_cast %swap3A_188 : vector<16xi32> to vector<16xi32>
      %swap3A_190 = vector.shape_cast %get3A_186 : vector<16xi32> to vector<16xi32>
      tpu.vector_store %arg6[%swap3A_187], %swap3A_190 {strides = array<i32>} : memref<128xi32, #tpu.memory_space<vmem>>, vector<16xi32>,
      %get3A_191 = arith.index_cast %add3A_145 : i32 to index
      %get3A_192 = arith.constant 80 : index
      %get3A_193 = tpu.vector_load %arg4[%get3A_191, %get3A_192] {strides = array<i32>} : memref<80x128xi32, #tpu.memory_space<vmem>>, vector<1x16xi32>,
      %get3A_194 = vector.shape_cast %get3A_193 : vector<1x16xi32> to vector<16xi32>
      %swap3A_195 = arith.constant 80 : index
      %swap3A_196 = tpu.vector_load %arg6[%swap3A_195] {strides = array<i32>} : memref<128xi32, #tpu.memory_space<vmem>>, vector<16xi32>,
      %swap3A_197 = vector.shape_cast %swap3A_196 : vector<16xi32> to vector<16xi32>
      %swap3A_198 = vector.shape_cast %get3A_194 : vector<16xi32> to vector<16xi32>
      tpu.vector_store %arg6[%swap3A_195], %swap3A_198 {strides = array<i32>} : memref<128xi32, #tpu.memory_space<vmem>>, vector<16xi32>,
      %get3A_199 = arith.index_cast %add3A_145 : i32 to index
      %get3A_200 = arith.constant 96 : index
      %get3A_201 = tpu.vector_load %arg4[%get3A_199, %get3A_200] {strides = array<i32>} : memref<80x128xi32, #tpu.memory_space<vmem>>, vector<1x16xi32>,
      %get3A_202 = vector.shape_cast %get3A_201 : vector<1x16xi32> to vector<16xi32>
      %swap3A_203 = arith.constant 96 : index
      %swap3A_204 = tpu.vector_load %arg6[%swap3A_203] {strides = array<i32>} : memref<128xi32, #tpu.memory_space<vmem>>, vector<16xi32>,
      %swap3A_205 = vector.shape_cast %swap3A_204 : vector<16xi32> to vector<16xi32>
      %swap3A_206 = vector.shape_cast %get3A_202 : vector<16xi32> to vector<16xi32>
      tpu.vector_store %arg6[%swap3A_203], %swap3A_206 {strides = array<i32>} : memref<128xi32, #tpu.memory_space<vmem>>, vector<16xi32>,
      %get3A_207 = arith.index_cast %add3A_145 : i32 to index
      %get3A_208 = arith.constant 112 : index
      %get3A_209 = tpu.vector_load %arg4[%get3A_207, %get3A_208] {strides = array<i32>} : memref<80x128xi32, #tpu.memory_space<vmem>>, vector<1x16xi32>,
      %get3A_210 = vector.shape_cast %get3A_209 : vector<1x16xi32> to vector<16xi32>
      %swap3A_211 = arith.constant 112 : index
      %swap3A_212 = tpu.vector_load %arg6[%swap3A_211] {strides = array<i32>} : memref<128xi32, #tpu.memory_space<vmem>>, vector<16xi32>,
      %swap3A_213 = vector.shape_cast %swap3A_212 : vector<16xi32> to vector<16xi32>
      %swap3A_214 = vector.shape_cast %get3A_210 : vector<16xi32> to vector<16xi32>
      tpu.vector_store %arg6[%swap3A_211], %swap3A_214 {strides = array<i32>} : memref<128xi32, #tpu.memory_space<vmem>>, vector<16xi32>,
      %dma_start3A_215 = arith.constant 0 : i32
      %dma_start3A_216 = tpu.memref_slice %arg11[%dma_start3A_215] : memref<10240xf32, #tpu.memory_space<vmem_shared>> -> memref<10240xf32, #tpu.memory_space<vmem_shared>>
      tpu.enqueue_indirect_dma source(%arg9 : memref<128xf32, #tpu.memory_space<vmem>>) target(%dma_start3A_216 : memref<10240xf32, #tpu.memory_space<vmem_shared>>) offsets(%arg6 : memref<128xi32, #tpu.memory_space<vmem>>) semaphore(%arg13 : memref<!tpu.dma_semaphore, #tpu.memory_space<semaphore_mem>>) {add = true}
      %mul3A_217 = arith.constant 4 : i32
      %mul3A_218 = arith.muli %mul3A_217, %scan3A_70 : i32
      %add3A_219 = arith.constant 2 : i32
      %add3A_220 = arith.addi %mul3A_218, %add3A_219 : i32
      %ge3A_221 = arith.constant 4 : i32
      %ge3A_222 = arith.cmpi sge, %add3A_220, %ge3A_221 : i32
      %convert_element_type3A_223 = arith.extui %ge3A_222 : i1 to i32
      %cond3A_224 = arith.constant 0 : i32
      %cond3A_225 = arith.cmpi ne, %convert_element_type3A_223, %cond3A_224 : i32
      scf.if %cond3A_225 {
        %dma_wait3A_368 = arith.constant 0 : i32
        %dma_wait3A_369 = tpu.memref_slice %arg11[%dma_wait3A_368] : memref<10240xf32, #tpu.memory_space<vmem_shared>> -> memref<10240xf32, #tpu.memory_space<vmem_shared>>
        tpu.wait_indirect_dma semaphore(%arg14 : memref<!tpu.dma_semaphore, #tpu.memory_space<semaphore_mem>>) src(%arg9 : memref<128xf32, #tpu.memory_space<vmem>>) dst(%dma_wait3A_369 : memref<10240xf32, #tpu.memory_space<vmem_shared>>)
      } else {
      }
      %get3A_226 = arith.index_cast %add3A_220 : i32 to index
      %get3A_227 = arith.constant 0 : index
      %get3A_228 = tpu.vector_load %arg4[%get3A_226, %get3A_227] {strides = array<i32>} : memref<80x128xi32, #tpu.memory_space<vmem>>, vector<1x16xi32>,
      %get3A_229 = vector.shape_cast %get3A_228 : vector<1x16xi32> to vector<16xi32>
      %swap3A_230 = arith.constant 0 : index
      %swap3A_231 = tpu.vector_load %arg7[%swap3A_230] {strides = array<i32>} : memref<128xi32, #tpu.memory_space<vmem>>, vector<16xi32>,
      %swap3A_232 = vector.shape_cast %swap3A_231 : vector<16xi32> to vector<16xi32>
      %swap3A_233 = vector.shape_cast %get3A_229 : vector<16xi32> to vector<16xi32>
      tpu.vector_store %arg7[%swap3A_230], %swap3A_233 {strides = array<i32>} : memref<128xi32, #tpu.memory_space<vmem>>, vector<16xi32>,
      %get3A_234 = arith.index_cast %add3A_220 : i32 to index
      %get3A_235 = arith.constant 16 : index
      %get3A_236 = tpu.vector_load %arg4[%get3A_234, %get3A_235] {strides = array<i32>} : memref<80x128xi32, #tpu.memory_space<vmem>>, vector<1x16xi32>,
      %get3A_237 = vector.shape_cast %get3A_236 : vector<1x16xi32> to vector<16xi32>
      %swap3A_238 = arith.constant 16 : index
      %swap3A_239 = tpu.vector_load %arg7[%swap3A_238] {strides = array<i32>} : memref<128xi32, #tpu.memory_space<vmem>>, vector<16xi32>,
      %swap3A_240 = vector.shape_cast %swap3A_239 : vector<16xi32> to vector<16xi32>
      %swap3A_241 = vector.shape_cast %get3A_237 : vector<16xi32> to vector<16xi32>
      tpu.vector_store %arg7[%swap3A_238], %swap3A_241 {strides = array<i32>} : memref<128xi32, #tpu.memory_space<vmem>>, vector<16xi32>,
      %get3A_242 = arith.index_cast %add3A_220 : i32 to index
      %get3A_243 = arith.constant 32 : index
      %get3A_244 = tpu.vector_load %arg4[%get3A_242, %get3A_243] {strides = array<i32>} : memref<80x128xi32, #tpu.memory_space<vmem>>, vector<1x16xi32>,
      %get3A_245 = vector.shape_cast %get3A_244 : vector<1x16xi32> to vector<16xi32>
      %swap3A_246 = arith.constant 32 : index
      %swap3A_247 = tpu.vector_load %arg7[%swap3A_246] {strides = array<i32>} : memref<128xi32, #tpu.memory_space<vmem>>, vector<16xi32>,
      %swap3A_248 = vector.shape_cast %swap3A_247 : vector<16xi32> to vector<16xi32>
      %swap3A_249 = vector.shape_cast %get3A_245 : vector<16xi32> to vector<16xi32>
      tpu.vector_store %arg7[%swap3A_246], %swap3A_249 {strides = array<i32>} : memref<128xi32, #tpu.memory_space<vmem>>, vector<16xi32>,
      %get3A_250 = arith.index_cast %add3A_220 : i32 to index
      %get3A_251 = arith.constant 48 : index
      %get3A_252 = tpu.vector_load %arg4[%get3A_250, %get3A_251] {strides = array<i32>} : memref<80x128xi32, #tpu.memory_space<vmem>>, vector<1x16xi32>,
      %get3A_253 = vector.shape_cast %get3A_252 : vector<1x16xi32> to vector<16xi32>
      %swap3A_254 = arith.constant 48 : index
      %swap3A_255 = tpu.vector_load %arg7[%swap3A_254] {strides = array<i32>} : memref<128xi32, #tpu.memory_space<vmem>>, vector<16xi32>,
      %swap3A_256 = vector.shape_cast %swap3A_255 : vector<16xi32> to vector<16xi32>
      %swap3A_257 = vector.shape_cast %get3A_253 : vector<16xi32> to vector<16xi32>
      tpu.vector_store %arg7[%swap3A_254], %swap3A_257 {strides = array<i32>} : memref<128xi32, #tpu.memory_space<vmem>>, vector<16xi32>,
      %get3A_258 = arith.index_cast %add3A_220 : i32 to index
      %get3A_259 = arith.constant 64 : index
      %get3A_260 = tpu.vector_load %arg4[%get3A_258, %get3A_259] {strides = array<i32>} : memref<80x128xi32, #tpu.memory_space<vmem>>, vector<1x16xi32>,
      %get3A_261 = vector.shape_cast %get3A_260 : vector<1x16xi32> to vector<16xi32>
      %swap3A_262 = arith.constant 64 : index
      %swap3A_263 = tpu.vector_load %arg7[%swap3A_262] {strides = array<i32>} : memref<128xi32, #tpu.memory_space<vmem>>, vector<16xi32>,
      %swap3A_264 = vector.shape_cast %swap3A_263 : vector<16xi32> to vector<16xi32>
      %swap3A_265 = vector.shape_cast %get3A_261 : vector<16xi32> to vector<16xi32>
      tpu.vector_store %arg7[%swap3A_262], %swap3A_265 {strides = array<i32>} : memref<128xi32, #tpu.memory_space<vmem>>, vector<16xi32>,
      %get3A_266 = arith.index_cast %add3A_220 : i32 to index
      %get3A_267 = arith.constant 80 : index
      %get3A_268 = tpu.vector_load %arg4[%get3A_266, %get3A_267] {strides = array<i32>} : memref<80x128xi32, #tpu.memory_space<vmem>>, vector<1x16xi32>,
      %get3A_269 = vector.shape_cast %get3A_268 : vector<1x16xi32> to vector<16xi32>
      %swap3A_270 = arith.constant 80 : index
      %swap3A_271 = tpu.vector_load %arg7[%swap3A_270] {strides = array<i32>} : memref<128xi32, #tpu.memory_space<vmem>>, vector<16xi32>,
      %swap3A_272 = vector.shape_cast %swap3A_271 : vector<16xi32> to vector<16xi32>
      %swap3A_273 = vector.shape_cast %get3A_269 : vector<16xi32> to vector<16xi32>
      tpu.vector_store %arg7[%swap3A_270], %swap3A_273 {strides = array<i32>} : memref<128xi32, #tpu.memory_space<vmem>>, vector<16xi32>,
      %get3A_274 = arith.index_cast %add3A_220 : i32 to index
      %get3A_275 = arith.constant 96 : index
      %get3A_276 = tpu.vector_load %arg4[%get3A_274, %get3A_275] {strides = array<i32>} : memref<80x128xi32, #tpu.memory_space<vmem>>, vector<1x16xi32>,
      %get3A_277 = vector.shape_cast %get3A_276 : vector<1x16xi32> to vector<16xi32>
      %swap3A_278 = arith.constant 96 : index
      %swap3A_279 = tpu.vector_load %arg7[%swap3A_278] {strides = array<i32>} : memref<128xi32, #tpu.memory_space<vmem>>, vector<16xi32>,
      %swap3A_280 = vector.shape_cast %swap3A_279 : vector<16xi32> to vector<16xi32>
      %swap3A_281 = vector.shape_cast %get3A_277 : vector<16xi32> to vector<16xi32>
      tpu.vector_store %arg7[%swap3A_278], %swap3A_281 {strides = array<i32>} : memref<128xi32, #tpu.memory_space<vmem>>, vector<16xi32>,
      %get3A_282 = arith.index_cast %add3A_220 : i32 to index
      %get3A_283 = arith.constant 112 : index
      %get3A_284 = tpu.vector_load %arg4[%get3A_282, %get3A_283] {strides = array<i32>} : memref<80x128xi32, #tpu.memory_space<vmem>>, vector<1x16xi32>,
      %get3A_285 = vector.shape_cast %get3A_284 : vector<1x16xi32> to vector<16xi32>
      %swap3A_286 = arith.constant 112 : index
      %swap3A_287 = tpu.vector_load %arg7[%swap3A_286] {strides = array<i32>} : memref<128xi32, #tpu.memory_space<vmem>>, vector<16xi32>,
      %swap3A_288 = vector.shape_cast %swap3A_287 : vector<16xi32> to vector<16xi32>
      %swap3A_289 = vector.shape_cast %get3A_285 : vector<16xi32> to vector<16xi32>
      tpu.vector_store %arg7[%swap3A_286], %swap3A_289 {strides = array<i32>} : memref<128xi32, #tpu.memory_space<vmem>>, vector<16xi32>,
      %dma_start3A_290 = arith.constant 0 : i32
      %dma_start3A_291 = tpu.memref_slice %arg11[%dma_start3A_290] : memref<10240xf32, #tpu.memory_space<vmem_shared>> -> memref<10240xf32, #tpu.memory_space<vmem_shared>>
      tpu.enqueue_indirect_dma source(%arg9 : memref<128xf32, #tpu.memory_space<vmem>>) target(%dma_start3A_291 : memref<10240xf32, #tpu.memory_space<vmem_shared>>) offsets(%arg7 : memref<128xi32, #tpu.memory_space<vmem>>) semaphore(%arg14 : memref<!tpu.dma_semaphore, #tpu.memory_space<semaphore_mem>>) {add = true}
      %mul3A_292 = arith.constant 4 : i32
      %mul3A_293 = arith.muli %mul3A_292, %scan3A_70 : i32
      %add3A_294 = arith.constant 3 : i32
      %add3A_295 = arith.addi %mul3A_293, %add3A_294 : i32
      %ge3A_296 = arith.constant 4 : i32
      %ge3A_297 = arith.cmpi sge, %add3A_295, %ge3A_296 : i32
      %convert_element_type3A_298 = arith.extui %ge3A_297 : i1 to i32
      %cond3A_299 = arith.constant 0 : i32
      %cond3A_300 = arith.cmpi ne, %convert_element_type3A_298, %cond3A_299 : i32
      scf.if %cond3A_300 {
        %dma_wait3A_368 = arith.constant 0 : i32
        %dma_wait3A_369 = tpu.memref_slice %arg11[%dma_wait3A_368] : memref<10240xf32, #tpu.memory_space<vmem_shared>> -> memref<10240xf32, #tpu.memory_space<vmem_shared>>
        tpu.wait_indirect_dma semaphore(%arg15 : memref<!tpu.dma_semaphore, #tpu.memory_space<semaphore_mem>>) src(%arg9 : memref<128xf32, #tpu.memory_space<vmem>>) dst(%dma_wait3A_369 : memref<10240xf32, #tpu.memory_space<vmem_shared>>)
      } else {
      }
      %get3A_301 = arith.index_cast %add3A_295 : i32 to index
      %get3A_302 = arith.constant 0 : index
      %get3A_303 = tpu.vector_load %arg4[%get3A_301, %get3A_302] {strides = array<i32>} : memref<80x128xi32, #tpu.memory_space<vmem>>, vector<1x16xi32>,
      %get3A_304 = vector.shape_cast %get3A_303 : vector<1x16xi32> to vector<16xi32>
      %swap3A_305 = arith.constant 0 : index
      %swap3A_306 = tpu.vector_load %arg8[%swap3A_305] {strides = array<i32>} : memref<128xi32, #tpu.memory_space<vmem>>, vector<16xi32>,
      %swap3A_307 = vector.shape_cast %swap3A_306 : vector<16xi32> to vector<16xi32>
      %swap3A_308 = vector.shape_cast %get3A_304 : vector<16xi32> to vector<16xi32>
      tpu.vector_store %arg8[%swap3A_305], %swap3A_308 {strides = array<i32>} : memref<128xi32, #tpu.memory_space<vmem>>, vector<16xi32>,
      %get3A_309 = arith.index_cast %add3A_295 : i32 to index
      %get3A_310 = arith.constant 16 : index
      %get3A_311 = tpu.vector_load %arg4[%get3A_309, %get3A_310] {strides = array<i32>} : memref<80x128xi32, #tpu.memory_space<vmem>>, vector<1x16xi32>,
      %get3A_312 = vector.shape_cast %get3A_311 : vector<1x16xi32> to vector<16xi32>
      %swap3A_313 = arith.constant 16 : index
      %swap3A_314 = tpu.vector_load %arg8[%swap3A_313] {strides = array<i32>} : memref<128xi32, #tpu.memory_space<vmem>>, vector<16xi32>,
      %swap3A_315 = vector.shape_cast %swap3A_314 : vector<16xi32> to vector<16xi32>
      %swap3A_316 = vector.shape_cast %get3A_312 : vector<16xi32> to vector<16xi32>
      tpu.vector_store %arg8[%swap3A_313], %swap3A_316 {strides = array<i32>} : memref<128xi32, #tpu.memory_space<vmem>>, vector<16xi32>,
      %get3A_317 = arith.index_cast %add3A_295 : i32 to index
      %get3A_318 = arith.constant 32 : index
      %get3A_319 = tpu.vector_load %arg4[%get3A_317, %get3A_318] {strides = array<i32>} : memref<80x128xi32, #tpu.memory_space<vmem>>, vector<1x16xi32>,
      %get3A_320 = vector.shape_cast %get3A_319 : vector<1x16xi32> to vector<16xi32>
      %swap3A_321 = arith.constant 32 : index
      %swap3A_322 = tpu.vector_load %arg8[%swap3A_321] {strides = array<i32>} : memref<128xi32, #tpu.memory_space<vmem>>, vector<16xi32>,
      %swap3A_323 = vector.shape_cast %swap3A_322 : vector<16xi32> to vector<16xi32>
      %swap3A_324 = vector.shape_cast %get3A_320 : vector<16xi32> to vector<16xi32>
      tpu.vector_store %arg8[%swap3A_321], %swap3A_324 {strides = array<i32>} : memref<128xi32, #tpu.memory_space<vmem>>, vector<16xi32>,
      %get3A_325 = arith.index_cast %add3A_295 : i32 to index
      %get3A_326 = arith.constant 48 : index
      %get3A_327 = tpu.vector_load %arg4[%get3A_325, %get3A_326] {strides = array<i32>} : memref<80x128xi32, #tpu.memory_space<vmem>>, vector<1x16xi32>,
      %get3A_328 = vector.shape_cast %get3A_327 : vector<1x16xi32> to vector<16xi32>
      %swap3A_329 = arith.constant 48 : index
      %swap3A_330 = tpu.vector_load %arg8[%swap3A_329] {strides = array<i32>} : memref<128xi32, #tpu.memory_space<vmem>>, vector<16xi32>,
      %swap3A_331 = vector.shape_cast %swap3A_330 : vector<16xi32> to vector<16xi32>
      %swap3A_332 = vector.shape_cast %get3A_328 : vector<16xi32> to vector<16xi32>
      tpu.vector_store %arg8[%swap3A_329], %swap3A_332 {strides = array<i32>} : memref<128xi32, #tpu.memory_space<vmem>>, vector<16xi32>,
      %get3A_333 = arith.index_cast %add3A_295 : i32 to index
      %get3A_334 = arith.constant 64 : index
      %get3A_335 = tpu.vector_load %arg4[%get3A_333, %get3A_334] {strides = array<i32>} : memref<80x128xi32, #tpu.memory_space<vmem>>, vector<1x16xi32>,
      %get3A_336 = vector.shape_cast %get3A_335 : vector<1x16xi32> to vector<16xi32>
      %swap3A_337 = arith.constant 64 : index
      %swap3A_338 = tpu.vector_load %arg8[%swap3A_337] {strides = array<i32>} : memref<128xi32, #tpu.memory_space<vmem>>, vector<16xi32>,
      %swap3A_339 = vector.shape_cast %swap3A_338 : vector<16xi32> to vector<16xi32>
      %swap3A_340 = vector.shape_cast %get3A_336 : vector<16xi32> to vector<16xi32>
      tpu.vector_store %arg8[%swap3A_337], %swap3A_340 {strides = array<i32>} : memref<128xi32, #tpu.memory_space<vmem>>, vector<16xi32>,
      %get3A_341 = arith.index_cast %add3A_295 : i32 to index
      %get3A_342 = arith.constant 80 : index
      %get3A_343 = tpu.vector_load %arg4[%get3A_341, %get3A_342] {strides = array<i32>} : memref<80x128xi32, #tpu.memory_space<vmem>>, vector<1x16xi32>,
      %get3A_344 = vector.shape_cast %get3A_343 : vector<1x16xi32> to vector<16xi32>
      %swap3A_345 = arith.constant 80 : index
      %swap3A_346 = tpu.vector_load %arg8[%swap3A_345] {strides = array<i32>} : memref<128xi32, #tpu.memory_space<vmem>>, vector<16xi32>,
      %swap3A_347 = vector.shape_cast %swap3A_346 : vector<16xi32> to vector<16xi32>
      %swap3A_348 = vector.shape_cast %get3A_344 : vector<16xi32> to vector<16xi32>
      tpu.vector_store %arg8[%swap3A_345], %swap3A_348 {strides = array<i32>} : memref<128xi32, #tpu.memory_space<vmem>>, vector<16xi32>,
      %get3A_349 = arith.index_cast %add3A_295 : i32 to index
      %get3A_350 = arith.constant 96 : index
      %get3A_351 = tpu.vector_load %arg4[%get3A_349, %get3A_350] {strides = array<i32>} : memref<80x128xi32, #tpu.memory_space<vmem>>, vector<1x16xi32>,
      %get3A_352 = vector.shape_cast %get3A_351 : vector<1x16xi32> to vector<16xi32>
      %swap3A_353 = arith.constant 96 : index
      %swap3A_354 = tpu.vector_load %arg8[%swap3A_353] {strides = array<i32>} : memref<128xi32, #tpu.memory_space<vmem>>, vector<16xi32>,
      %swap3A_355 = vector.shape_cast %swap3A_354 : vector<16xi32> to vector<16xi32>
      %swap3A_356 = vector.shape_cast %get3A_352 : vector<16xi32> to vector<16xi32>
      tpu.vector_store %arg8[%swap3A_353], %swap3A_356 {strides = array<i32>} : memref<128xi32, #tpu.memory_space<vmem>>, vector<16xi32>,
      %get3A_357 = arith.index_cast %add3A_295 : i32 to index
      %get3A_358 = arith.constant 112 : index
      %get3A_359 = tpu.vector_load %arg4[%get3A_357, %get3A_358] {strides = array<i32>} : memref<80x128xi32, #tpu.memory_space<vmem>>, vector<1x16xi32>,
      %get3A_360 = vector.shape_cast %get3A_359 : vector<1x16xi32> to vector<16xi32>
      %swap3A_361 = arith.constant 112 : index
      %swap3A_362 = tpu.vector_load %arg8[%swap3A_361] {strides = array<i32>} : memref<128xi32, #tpu.memory_space<vmem>>, vector<16xi32>,
      %swap3A_363 = vector.shape_cast %swap3A_362 : vector<16xi32> to vector<16xi32>
      %swap3A_364 = vector.shape_cast %get3A_360 : vector<16xi32> to vector<16xi32>
      tpu.vector_store %arg8[%swap3A_361], %swap3A_364 {strides = array<i32>} : memref<128xi32, #tpu.memory_space<vmem>>, vector<16xi32>,
      %dma_start3A_365 = arith.constant 0 : i32
      %dma_start3A_366 = tpu.memref_slice %arg11[%dma_start3A_365] : memref<10240xf32, #tpu.memory_space<vmem_shared>> -> memref<10240xf32, #tpu.memory_space<vmem_shared>>
      tpu.enqueue_indirect_dma source(%arg9 : memref<128xf32, #tpu.memory_space<vmem>>) target(%dma_start3A_366 : memref<10240xf32, #tpu.memory_space<vmem_shared>>) offsets(%arg8 : memref<128xi32, #tpu.memory_space<vmem>>) semaphore(%arg15 : memref<!tpu.dma_semaphore, #tpu.memory_space<semaphore_mem>>) {add = true}
      %scan3A_367 = arith.constant 0 : i32
      scf.yield %scan3A_367 : i32
    }
    %scan3A_61 = arith.constant 20 : i32
    %dma_wait3A = arith.constant 0 : i32
    %dma_wait3A_62 = tpu.memref_slice %arg11[%dma_wait3A] : memref<10240xf32, #tpu.memory_space<vmem_shared>> -> memref<10240xf32, #tpu.memory_space<vmem_shared>>
    tpu.wait_indirect_dma semaphore(%arg12 : memref<!tpu.dma_semaphore, #tpu.memory_space<semaphore_mem>>) src(%arg9 : memref<128xf32, #tpu.memory_space<vmem>>) dst(%dma_wait3A_62 : memref<10240xf32, #tpu.memory_space<vmem_shared>>)
    %dma_wait3A_63 = arith.constant 0 : i32
    %dma_wait3A_64 = tpu.memref_slice %arg11[%dma_wait3A_63] : memref<10240xf32, #tpu.memory_space<vmem_shared>> -> memref<10240xf32, #tpu.memory_space<vmem_shared>>
    tpu.wait_indirect_dma semaphore(%arg13 : memref<!tpu.dma_semaphore, #tpu.memory_space<semaphore_mem>>) src(%arg9 : memref<128xf32, #tpu.memory_space<vmem>>) dst(%dma_wait3A_64 : memref<10240xf32, #tpu.memory_space<vmem_shared>>)
    %dma_wait3A_65 = arith.constant 0 : i32
    %dma_wait3A_66 = tpu.memref_slice %arg11[%dma_wait3A_65] : memref<10240xf32, #tpu.memory_space<vmem_shared>> -> memref<10240xf32, #tpu.memory_space<vmem_shared>>
    tpu.wait_indirect_dma semaphore(%arg14 : memref<!tpu.dma_semaphore, #tpu.memory_space<semaphore_mem>>) src(%arg9 : memref<128xf32, #tpu.memory_space<vmem>>) dst(%dma_wait3A_66 : memref<10240xf32, #tpu.memory_space<vmem_shared>>)
    %dma_wait3A_67 = arith.constant 0 : i32
    %dma_wait3A_68 = tpu.memref_slice %arg11[%dma_wait3A_67] : memref<10240xf32, #tpu.memory_space<vmem_shared>> -> memref<10240xf32, #tpu.memory_space<vmem_shared>>
    tpu.wait_indirect_dma semaphore(%arg15 : memref<!tpu.dma_semaphore, #tpu.memory_space<semaphore_mem>>) src(%arg9 : memref<128xf32, #tpu.memory_space<vmem>>) dst(%dma_wait3A_68 : memref<10240xf32, #tpu.memory_space<vmem_shared>>)
    %barrier3A_69 = arith.constant 0 : index
    tpu.barrier barrier_id(%barrier3A_69)
    "tpu.region"() ({
      %run_scoped3A = tpu.sem_alloc : memref<!tpu.dma_semaphore, #tpu.memory_space<semaphore_mem>>
      %dma_start3A = tpu.memref_slice %arg3[%arg0, %mul3A_2] : memref<2x10240xf32, #tpu.memory_space<hbm>> -> memref<1x640xf32, #tpu.memory_space<hbm>>
      %dma_start3A_70 = tpu.memref_squeeze %dma_start3A : memref<1x640xf32, #tpu.memory_space<hbm>> -> memref<640xf32, #tpu.memory_space<hbm>>
      %dma_start3A_71 = tpu.memref_slice %arg11[%mul3A_2] : memref<10240xf32, #tpu.memory_space<vmem_shared>> -> memref<640xf32, #tpu.memory_space<vmem_shared>>
      tpu.enqueue_dma source(%dma_start3A_71 : memref<640xf32, #tpu.memory_space<vmem_shared>>) target(%dma_start3A_70 : memref<640xf32, #tpu.memory_space<hbm>>) target_semaphore(%run_scoped3A : memref<!tpu.dma_semaphore, #tpu.memory_space<semaphore_mem>>)
      %dma_wait3A_72 = tpu.memref_slice %arg3[%arg0, %mul3A_2] : memref<2x10240xf32, #tpu.memory_space<hbm>> -> memref<1x640xf32, #tpu.memory_space<hbm>>
      %dma_wait3A_73 = tpu.memref_squeeze %dma_wait3A_72 : memref<1x640xf32, #tpu.memory_space<hbm>> -> memref<640xf32, #tpu.memory_space<hbm>>
      %dma_wait3A_74 = tpu.memref_slice %arg11[%mul3A_2] : memref<10240xf32, #tpu.memory_space<vmem_shared>> -> memref<640xf32, #tpu.memory_space<vmem_shared>>
      tpu.wait_dma2 semaphore(%run_scoped3A : memref<!tpu.dma_semaphore, #tpu.memory_space<semaphore_mem>>) src(%dma_wait3A_74 : memref<640xf32, #tpu.memory_space<vmem_shared>>) dst(%dma_wait3A_73 : memref<640xf32, #tpu.memory_space<hbm>>)
      tpu.yield
    }) : () -> ()
    return
  }
}

#map = affine_map<(d0, d1) -> (0, 0)>
#map1 = affine_map<(d0, d1) -> (0)>
#map2 = affine_map<(d0, d1) -> (0, 0, 0)>
module attributes {stable_mosaic.version = 14 : i64} {
  func.func @prop_kernel(%arg0: i32, %arg1: i32, %arg2: memref<10240x128xf32, #tpu.memory_space<hbm>>, %arg3: memref<327680xi32, #tpu.memory_space<hbm>>, %arg4: memref<327680xi32, #tpu.memory_space<hbm>>, %arg5: memref<2x10240x128xf32, #tpu.memory_space<hbm>>, %arg6: memref<128xi32, #tpu.memory_space<vmem>>, %arg7: memref<128xi32, #tpu.memory_space<vmem>>, %arg8: memref<128xi32, #tpu.memory_space<vmem>>, %arg9: memref<128xi32, #tpu.memory_space<vmem>>, %arg10: memref<128xi32, #tpu.memory_space<vmem>>, %arg11: memref<128xi32, #tpu.memory_space<vmem>>, %arg12: memref<128xi32, #tpu.memory_space<vmem>>, %arg13: memref<128xi32, #tpu.memory_space<vmem>>, %arg14: memref<128x128xf32, #tpu.memory_space<vmem>>, %arg15: memref<128x128xf32, #tpu.memory_space<vmem>>, %arg16: memref<16x128xf32, #tpu.memory_space<vmem>>, %arg17: memref<10240x128xf32, #tpu.memory_space<vmem_shared>>, %arg18: memref<!tpu.dma_semaphore, #tpu.memory_space<semaphore_mem>>, %arg19: memref<!tpu.dma_semaphore, #tpu.memory_space<semaphore_mem>>, %arg20: memref<!tpu.dma_semaphore, #tpu.memory_space<semaphore_mem>>, %arg21: memref<!tpu.dma_semaphore, #tpu.memory_space<semaphore_mem>>, %arg22: memref<!tpu.dma_semaphore, #tpu.memory_space<semaphore_mem>>, %arg23: memref<!tpu.dma_semaphore, #tpu.memory_space<semaphore_mem>>, %arg24: memref<!tpu.dma_semaphore, #tpu.memory_space<semaphore_mem>>, %arg25: memref<!tpu.dma_semaphore, #tpu.memory_space<semaphore_mem>>, %arg26: memref<!tpu.dma_semaphore, #tpu.memory_space<semaphore_mem>>) attributes {dimension_semantics = [#tpu.dimension_semantics<core_parallel>, #tpu.dimension_semantics<subcore_parallel>], iteration_bounds = array<i64: 2, 16>, scalar_prefetch = 0 : i64, scratch_operands = 21 : i64, tpu.core_type = #tpu.core_type<sc_vector_subcore>, window_params = [{transform_indices = #map}, {transform_indices = #map1}, {transform_indices = #map1}, {transform_indices = #map2}]} {
    %mul3A = arith.constant 16 : i32
    %mul3A_0 = arith.muli %arg0, %mul3A : i32
    %add3A = arith.addi %mul3A_0, %arg1 : i32
    %mul3A_1 = arith.constant 10240 : i32
    %mul3A_2 = arith.muli %add3A, %mul3A_1 : i32
    %mul3A_3 = arith.constant 640 : i32
    %mul3A_4 = arith.muli %arg1, %mul3A_3 : i32
    %add3A_5 = arith.constant 0 : i32
    %add3A_6 = arith.addi %mul3A_2, %add3A_5 : i32
    %dma_start3A = tpu.memref_slice %arg3[%add3A_6] : memref<327680xi32, #tpu.memory_space<hbm>> -> memref<128xi32, #tpu.memory_space<hbm>>
    %dma_start3A_7 = tpu.memref_slice %arg3[%add3A_6] : memref<327680xi32, #tpu.memory_space<hbm>> -> memref<128xi32, #tpu.memory_space<hbm>>
    tpu.enqueue_dma source(%dma_start3A_7 : memref<128xi32, #tpu.memory_space<hbm>>) target(%arg6 : memref<128xi32, #tpu.memory_space<vmem>>) target_semaphore(%arg18 : memref<!tpu.dma_semaphore, #tpu.memory_space<semaphore_mem>>)
    %add3A_8 = arith.constant 0 : i32
    %add3A_9 = arith.addi %mul3A_2, %add3A_8 : i32
    %dma_start3A_10 = tpu.memref_slice %arg4[%add3A_9] : memref<327680xi32, #tpu.memory_space<hbm>> -> memref<128xi32, #tpu.memory_space<hbm>>
    %dma_start3A_11 = tpu.memref_slice %arg4[%add3A_9] : memref<327680xi32, #tpu.memory_space<hbm>> -> memref<128xi32, #tpu.memory_space<hbm>>
    tpu.enqueue_dma source(%dma_start3A_11 : memref<128xi32, #tpu.memory_space<hbm>>) target(%arg10 : memref<128xi32, #tpu.memory_space<vmem>>) target_semaphore(%arg18 : memref<!tpu.dma_semaphore, #tpu.memory_space<semaphore_mem>>)
    %add3A_12 = arith.constant 128 : i32
    %add3A_13 = arith.addi %mul3A_2, %add3A_12 : i32
    %dma_start3A_14 = tpu.memref_slice %arg3[%add3A_13] : memref<327680xi32, #tpu.memory_space<hbm>> -> memref<128xi32, #tpu.memory_space<hbm>>
    %dma_start3A_15 = tpu.memref_slice %arg3[%add3A_13] : memref<327680xi32, #tpu.memory_space<hbm>> -> memref<128xi32, #tpu.memory_space<hbm>>
    tpu.enqueue_dma source(%dma_start3A_15 : memref<128xi32, #tpu.memory_space<hbm>>) target(%arg7 : memref<128xi32, #tpu.memory_space<vmem>>) target_semaphore(%arg19 : memref<!tpu.dma_semaphore, #tpu.memory_space<semaphore_mem>>)
    %add3A_16 = arith.constant 128 : i32
    %add3A_17 = arith.addi %mul3A_2, %add3A_16 : i32
    %dma_start3A_18 = tpu.memref_slice %arg4[%add3A_17] : memref<327680xi32, #tpu.memory_space<hbm>> -> memref<128xi32, #tpu.memory_space<hbm>>
    %dma_start3A_19 = tpu.memref_slice %arg4[%add3A_17] : memref<327680xi32, #tpu.memory_space<hbm>> -> memref<128xi32, #tpu.memory_space<hbm>>
    tpu.enqueue_dma source(%dma_start3A_19 : memref<128xi32, #tpu.memory_space<hbm>>) target(%arg11 : memref<128xi32, #tpu.memory_space<vmem>>) target_semaphore(%arg19 : memref<!tpu.dma_semaphore, #tpu.memory_space<semaphore_mem>>)
    %add3A_20 = arith.constant 256 : i32
    %add3A_21 = arith.addi %mul3A_2, %add3A_20 : i32
    %dma_start3A_22 = tpu.memref_slice %arg3[%add3A_21] : memref<327680xi32, #tpu.memory_space<hbm>> -> memref<128xi32, #tpu.memory_space<hbm>>
    %dma_start3A_23 = tpu.memref_slice %arg3[%add3A_21] : memref<327680xi32, #tpu.memory_space<hbm>> -> memref<128xi32, #tpu.memory_space<hbm>>
    tpu.enqueue_dma source(%dma_start3A_23 : memref<128xi32, #tpu.memory_space<hbm>>) target(%arg8 : memref<128xi32, #tpu.memory_space<vmem>>) target_semaphore(%arg20 : memref<!tpu.dma_semaphore, #tpu.memory_space<semaphore_mem>>)
    %add3A_24 = arith.constant 256 : i32
    %add3A_25 = arith.addi %mul3A_2, %add3A_24 : i32
    %dma_start3A_26 = tpu.memref_slice %arg4[%add3A_25] : memref<327680xi32, #tpu.memory_space<hbm>> -> memref<128xi32, #tpu.memory_space<hbm>>
    %dma_start3A_27 = tpu.memref_slice %arg4[%add3A_25] : memref<327680xi32, #tpu.memory_space<hbm>> -> memref<128xi32, #tpu.memory_space<hbm>>
    tpu.enqueue_dma source(%dma_start3A_27 : memref<128xi32, #tpu.memory_space<hbm>>) target(%arg12 : memref<128xi32, #tpu.memory_space<vmem>>) target_semaphore(%arg20 : memref<!tpu.dma_semaphore, #tpu.memory_space<semaphore_mem>>)
    %add3A_28 = arith.constant 384 : i32
    %add3A_29 = arith.addi %mul3A_2, %add3A_28 : i32
    %dma_start3A_30 = tpu.memref_slice %arg3[%add3A_29] : memref<327680xi32, #tpu.memory_space<hbm>> -> memref<128xi32, #tpu.memory_space<hbm>>
    %dma_start3A_31 = tpu.memref_slice %arg3[%add3A_29] : memref<327680xi32, #tpu.memory_space<hbm>> -> memref<128xi32, #tpu.memory_space<hbm>>
    tpu.enqueue_dma source(%dma_start3A_31 : memref<128xi32, #tpu.memory_space<hbm>>) target(%arg9 : memref<128xi32, #tpu.memory_space<vmem>>) target_semaphore(%arg21 : memref<!tpu.dma_semaphore, #tpu.memory_space<semaphore_mem>>)
    %add3A_32 = arith.constant 384 : i32
    %add3A_33 = arith.addi %mul3A_2, %add3A_32 : i32
    %dma_start3A_34 = tpu.memref_slice %arg4[%add3A_33] : memref<327680xi32, #tpu.memory_space<hbm>> -> memref<128xi32, #tpu.memory_space<hbm>>
    %dma_start3A_35 = tpu.memref_slice %arg4[%add3A_33] : memref<327680xi32, #tpu.memory_space<hbm>> -> memref<128xi32, #tpu.memory_space<hbm>>
    tpu.enqueue_dma source(%dma_start3A_35 : memref<128xi32, #tpu.memory_space<hbm>>) target(%arg13 : memref<128xi32, #tpu.memory_space<vmem>>) target_semaphore(%arg21 : memref<!tpu.dma_semaphore, #tpu.memory_space<semaphore_mem>>)
    %scan3A = arith.constant 0 : i32
    %scan3A_36 = arith.constant 0 : i32
    %scan3A_37 = arith.constant 16 : i32
    %scan3A_38 = arith.addi %scan3A_36, %scan3A_37 : i32
    %scan3A_39 = arith.constant 1 : i32
    %scan3A_40 = scf.for %scan3A_85 = %scan3A_36 to %scan3A_38 step %scan3A_39 iter_args(%scan3A_86 = %scan3A) -> (i32)  : i32 {
      %broadcast_in_dim3A = arith.constant 0.000000e+00 : f32
      %broadcast_in_dim3A_87 = vector.broadcast %broadcast_in_dim3A : f32 to vector<128xf32>
      %swap3A = arith.index_cast %scan3A_85 : i32 to index
      %swap3A_88 = arith.constant 0 : index
      %swap3A_89 = tpu.vector_load %arg16[%swap3A, %swap3A_88] {strides = array<i32>} : memref<16x128xf32, #tpu.memory_space<vmem>>, vector<1x128xf32>,
      %swap3A_90 = vector.shape_cast %swap3A_89 : vector<1x128xf32> to vector<128xf32>
      %swap3A_91 = vector.shape_cast %broadcast_in_dim3A_87 : vector<128xf32> to vector<1x128xf32>
      tpu.vector_store %arg16[%swap3A, %swap3A_88], %swap3A_91 {strides = array<i32>} : memref<16x128xf32, #tpu.memory_space<vmem>>, vector<1x128xf32>,
      %scan3A_92 = arith.constant 0 : i32
      scf.yield %scan3A_92 : i32
    }
    %scan3A_41 = arith.constant 16 : i32
    %scan3A_42 = arith.constant 0 : i32
    %scan3A_43 = arith.constant 0 : i32
    %scan3A_44 = arith.constant 40 : i32
    %scan3A_45 = arith.addi %scan3A_43, %scan3A_44 : i32
    %scan3A_46 = arith.constant 1 : i32
    %scan3A_47 = scf.for %scan3A_85 = %scan3A_43 to %scan3A_45 step %scan3A_46 iter_args(%scan3A_86 = %scan3A_42) -> (i32)  : i32 {
      %mul3A_87 = arith.constant 16 : i32
      %mul3A_88 = arith.muli %scan3A_85, %mul3A_87 : i32
      %add3A_89 = arith.addi %mul3A_4, %mul3A_88 : i32
      %dma_start3A_90 = arith.constant 0 : i32
      %dma_start3A_91 = tpu.memref_slice %arg17[%add3A_89, %dma_start3A_90] : memref<10240x128xf32, #tpu.memory_space<vmem_shared>> -> memref<16x128xf32, #tpu.memory_space<vmem_shared>>
      %dma_start3A_92 = arith.constant 0 : i32
      %dma_start3A_93 = tpu.memref_slice %arg17[%add3A_89, %dma_start3A_92] : memref<10240x128xf32, #tpu.memory_space<vmem_shared>> -> memref<16x128xf32, #tpu.memory_space<vmem_shared>>
      tpu.enqueue_dma source(%arg16 : memref<16x128xf32, #tpu.memory_space<vmem>>) target(%dma_start3A_93 : memref<16x128xf32, #tpu.memory_space<vmem_shared>>) target_semaphore(%arg26 : memref<!tpu.dma_semaphore, #tpu.memory_space<semaphore_mem>>)
      %scan3A_94 = arith.constant 0 : i32
      scf.yield %scan3A_94 : i32
    }
    %scan3A_48 = arith.constant 40 : i32
    %add3A_49 = arith.constant 0 : i32
    %add3A_50 = arith.addi %mul3A_2, %add3A_49 : i32
    %dma_wait3A = tpu.memref_slice %arg3[%add3A_50] : memref<327680xi32, #tpu.memory_space<hbm>> -> memref<128xi32, #tpu.memory_space<hbm>>
    %dma_wait3A_51 = tpu.memref_slice %arg3[%add3A_50] : memref<327680xi32, #tpu.memory_space<hbm>> -> memref<128xi32, #tpu.memory_space<hbm>>
    tpu.wait_dma2 semaphore(%arg18 : memref<!tpu.dma_semaphore, #tpu.memory_space<semaphore_mem>>) src(%dma_wait3A_51 : memref<128xi32, #tpu.memory_space<hbm>>) dst(%arg6 : memref<128xi32, #tpu.memory_space<vmem>>)
    %add3A_52 = arith.constant 0 : i32
    %add3A_53 = arith.addi %mul3A_2, %add3A_52 : i32
    %dma_wait3A_54 = tpu.memref_slice %arg4[%add3A_53] : memref<327680xi32, #tpu.memory_space<hbm>> -> memref<128xi32, #tpu.memory_space<hbm>>
    %dma_wait3A_55 = tpu.memref_slice %arg4[%add3A_53] : memref<327680xi32, #tpu.memory_space<hbm>> -> memref<128xi32, #tpu.memory_space<hbm>>
    tpu.wait_dma2 semaphore(%arg18 : memref<!tpu.dma_semaphore, #tpu.memory_space<semaphore_mem>>) src(%dma_wait3A_55 : memref<128xi32, #tpu.memory_space<hbm>>) dst(%arg10 : memref<128xi32, #tpu.memory_space<vmem>>)
    %dma_start3A_56 = arith.constant 0 : i32
    %dma_start3A_57 = arith.constant 0 : i32
    %dma_start3A_58 = tpu.memref_slice %arg2[%dma_start3A_56, %dma_start3A_57] : memref<10240x128xf32, #tpu.memory_space<hbm>> -> memref<10240x128xf32, #tpu.memory_space<hbm>>
    tpu.enqueue_indirect_dma source(%dma_start3A_58 : memref<10240x128xf32, #tpu.memory_space<hbm>>) target(%arg14 : memref<128x128xf32, #tpu.memory_space<vmem>>) offsets(%arg6 : memref<128xi32, #tpu.memory_space<vmem>>) semaphore(%arg22 : memref<!tpu.dma_semaphore, #tpu.memory_space<semaphore_mem>>)
    %add3A_59 = arith.constant 128 : i32
    %add3A_60 = arith.addi %mul3A_2, %add3A_59 : i32
    %dma_wait3A_61 = tpu.memref_slice %arg3[%add3A_60] : memref<327680xi32, #tpu.memory_space<hbm>> -> memref<128xi32, #tpu.memory_space<hbm>>
    %dma_wait3A_62 = tpu.memref_slice %arg3[%add3A_60] : memref<327680xi32, #tpu.memory_space<hbm>> -> memref<128xi32, #tpu.memory_space<hbm>>
    tpu.wait_dma2 semaphore(%arg19 : memref<!tpu.dma_semaphore, #tpu.memory_space<semaphore_mem>>) src(%dma_wait3A_62 : memref<128xi32, #tpu.memory_space<hbm>>) dst(%arg7 : memref<128xi32, #tpu.memory_space<vmem>>)
    %add3A_63 = arith.constant 128 : i32
    %add3A_64 = arith.addi %mul3A_2, %add3A_63 : i32
    %dma_wait3A_65 = tpu.memref_slice %arg4[%add3A_64] : memref<327680xi32, #tpu.memory_space<hbm>> -> memref<128xi32, #tpu.memory_space<hbm>>
    %dma_wait3A_66 = tpu.memref_slice %arg4[%add3A_64] : memref<327680xi32, #tpu.memory_space<hbm>> -> memref<128xi32, #tpu.memory_space<hbm>>
    tpu.wait_dma2 semaphore(%arg19 : memref<!tpu.dma_semaphore, #tpu.memory_space<semaphore_mem>>) src(%dma_wait3A_66 : memref<128xi32, #tpu.memory_space<hbm>>) dst(%arg11 : memref<128xi32, #tpu.memory_space<vmem>>)
    %dma_start3A_67 = arith.constant 0 : i32
    %dma_start3A_68 = arith.constant 0 : i32
    %dma_start3A_69 = tpu.memref_slice %arg2[%dma_start3A_67, %dma_start3A_68] : memref<10240x128xf32, #tpu.memory_space<hbm>> -> memref<10240x128xf32, #tpu.memory_space<hbm>>
    tpu.enqueue_indirect_dma source(%dma_start3A_69 : memref<10240x128xf32, #tpu.memory_space<hbm>>) target(%arg15 : memref<128x128xf32, #tpu.memory_space<vmem>>) offsets(%arg7 : memref<128xi32, #tpu.memory_space<vmem>>) semaphore(%arg23 : memref<!tpu.dma_semaphore, #tpu.memory_space<semaphore_mem>>)
    %scan3A_70 = arith.constant 0 : i32
    %scan3A_71 = arith.constant 0 : i32
    %scan3A_72 = arith.constant 40 : i32
    %scan3A_73 = arith.addi %scan3A_71, %scan3A_72 : i32
    %scan3A_74 = arith.constant 1 : i32
    %scan3A_75 = scf.for %scan3A_85 = %scan3A_71 to %scan3A_73 step %scan3A_74 iter_args(%scan3A_86 = %scan3A_70) -> (i32)  : i32 {
      %dma_wait3A_87 = arith.constant 0 : i32
      %dma_wait3A_88 = tpu.memref_slice %arg17[%mul3A_4, %dma_wait3A_87] : memref<10240x128xf32, #tpu.memory_space<vmem_shared>> -> memref<16x128xf32, #tpu.memory_space<vmem_shared>>
      %dma_wait3A_89 = arith.constant 0 : i32
      %dma_wait3A_90 = tpu.memref_slice %arg17[%mul3A_4, %dma_wait3A_89] : memref<10240x128xf32, #tpu.memory_space<vmem_shared>> -> memref<16x128xf32, #tpu.memory_space<vmem_shared>>
      tpu.wait_dma2 semaphore(%arg26 : memref<!tpu.dma_semaphore, #tpu.memory_space<semaphore_mem>>) src(%arg16 : memref<16x128xf32, #tpu.memory_space<vmem>>) dst(%dma_wait3A_90 : memref<16x128xf32, #tpu.memory_space<vmem_shared>>)
      %scan3A_91 = arith.constant 0 : i32
      scf.yield %scan3A_91 : i32
    }
    %scan3A_76 = arith.constant 40 : i32
    %barrier3A = arith.constant 0 : index
    tpu.barrier barrier_id(%barrier3A)
    %scan3A_77 = arith.constant 0 : i32
    %scan3A_78 = arith.constant 0 : i32
    %scan3A_79 = arith.constant 20 : i32
    %scan3A_80 = arith.addi %scan3A_78, %scan3A_79 : i32
    %scan3A_81 = arith.constant 1 : i32
    %scan3A_82 = scf.for %scan3A_85 = %scan3A_78 to %scan3A_80 step %scan3A_81 iter_args(%scan3A_86 = %scan3A_77) -> (i32)  : i32 {
      %mul3A_87 = arith.constant 4 : i32
      %mul3A_88 = arith.muli %mul3A_87, %scan3A_85 : i32
      %add3A_89 = arith.constant 0 : i32
      %add3A_90 = arith.addi %mul3A_88, %add3A_89 : i32
      %dma_wait3A_91 = arith.constant 0 : i32
      %dma_wait3A_92 = arith.constant 0 : i32
      %dma_wait3A_93 = tpu.memref_slice %arg2[%dma_wait3A_91, %dma_wait3A_92] : memref<10240x128xf32, #tpu.memory_space<hbm>> -> memref<10240x128xf32, #tpu.memory_space<hbm>>
      tpu.wait_indirect_dma semaphore(%arg22 : memref<!tpu.dma_semaphore, #tpu.memory_space<semaphore_mem>>) src(%dma_wait3A_93 : memref<10240x128xf32, #tpu.memory_space<hbm>>) dst(%arg14 : memref<128x128xf32, #tpu.memory_space<vmem>>)
      "tpu.region"() ({
        %run_scoped3A = tpu.sem_alloc : memref<!tpu.dma_semaphore, #tpu.memory_space<semaphore_mem>>
        %dma_start3A_169 = arith.constant 0 : i32
        %dma_start3A_170 = arith.constant 0 : i32
        %dma_start3A_171 = tpu.memref_slice %arg17[%dma_start3A_169, %dma_start3A_170] : memref<10240x128xf32, #tpu.memory_space<vmem_shared>> -> memref<10240x128xf32, #tpu.memory_space<vmem_shared>>
        tpu.enqueue_indirect_dma source(%arg14 : memref<128x128xf32, #tpu.memory_space<vmem>>) target(%dma_start3A_171 : memref<10240x128xf32, #tpu.memory_space<vmem_shared>>) offsets(%arg10 : memref<128xi32, #tpu.memory_space<vmem>>) semaphore(%run_scoped3A : memref<!tpu.dma_semaphore, #tpu.memory_space<semaphore_mem>>) {add = true}
        %dma_wait3A_172 = arith.constant 0 : i32
        %dma_wait3A_173 = arith.constant 0 : i32
        %dma_wait3A_174 = tpu.memref_slice %arg17[%dma_wait3A_172, %dma_wait3A_173] : memref<10240x128xf32, #tpu.memory_space<vmem_shared>> -> memref<10240x128xf32, #tpu.memory_space<vmem_shared>>
        tpu.wait_indirect_dma semaphore(%run_scoped3A : memref<!tpu.dma_semaphore, #tpu.memory_space<semaphore_mem>>) src(%arg14 : memref<128x128xf32, #tpu.memory_space<vmem>>) dst(%dma_wait3A_174 : memref<10240x128xf32, #tpu.memory_space<vmem_shared>>)
        tpu.yield
      }) : () -> ()
      %add3A_94 = arith.constant 4 : i32
      %add3A_95 = arith.addi %add3A_90, %add3A_94 : i32
      %lt3A = arith.constant 80 : i32
      %lt3A_96 = arith.cmpi slt, %add3A_95, %lt3A : i32
      %convert_element_type3A = arith.extui %lt3A_96 : i1 to i32
      %cond3A = arith.constant 0 : i32
      %cond3A_97 = arith.cmpi ne, %convert_element_type3A, %cond3A : i32
      scf.if %cond3A_97 {
        %add3A_169 = arith.constant 4 : i32
        %add3A_170 = arith.addi %add3A_90, %add3A_169 : i32
        %mul3A_171 = arith.constant 128 : i32
        %mul3A_172 = arith.muli %add3A_170, %mul3A_171 : i32
        %add3A_173 = arith.addi %mul3A_2, %mul3A_172 : i32
        %dma_start3A_174 = tpu.memref_slice %arg3[%add3A_173] : memref<327680xi32, #tpu.memory_space<hbm>> -> memref<128xi32, #tpu.memory_space<hbm>>
        %dma_start3A_175 = tpu.memref_slice %arg3[%add3A_173] : memref<327680xi32, #tpu.memory_space<hbm>> -> memref<128xi32, #tpu.memory_space<hbm>>
        tpu.enqueue_dma source(%dma_start3A_175 : memref<128xi32, #tpu.memory_space<hbm>>) target(%arg6 : memref<128xi32, #tpu.memory_space<vmem>>) target_semaphore(%arg18 : memref<!tpu.dma_semaphore, #tpu.memory_space<semaphore_mem>>)
        %mul3A_176 = arith.constant 128 : i32
        %mul3A_177 = arith.muli %add3A_170, %mul3A_176 : i32
        %add3A_178 = arith.addi %mul3A_2, %mul3A_177 : i32
        %dma_start3A_179 = tpu.memref_slice %arg4[%add3A_178] : memref<327680xi32, #tpu.memory_space<hbm>> -> memref<128xi32, #tpu.memory_space<hbm>>
        %dma_start3A_180 = tpu.memref_slice %arg4[%add3A_178] : memref<327680xi32, #tpu.memory_space<hbm>> -> memref<128xi32, #tpu.memory_space<hbm>>
        tpu.enqueue_dma source(%dma_start3A_180 : memref<128xi32, #tpu.memory_space<hbm>>) target(%arg10 : memref<128xi32, #tpu.memory_space<vmem>>) target_semaphore(%arg18 : memref<!tpu.dma_semaphore, #tpu.memory_space<semaphore_mem>>)
      } else {
      }
      %add3A_98 = arith.constant 2 : i32
      %add3A_99 = arith.addi %add3A_90, %add3A_98 : i32
      %lt3A_100 = arith.constant 80 : i32
      %lt3A_101 = arith.cmpi slt, %add3A_99, %lt3A_100 : i32
      %convert_element_type3A_102 = arith.extui %lt3A_101 : i1 to i32
      %cond3A_103 = arith.constant 0 : i32
      %cond3A_104 = arith.cmpi ne, %convert_element_type3A_102, %cond3A_103 : i32
      scf.if %cond3A_104 {
        %add3A_169 = arith.constant 2 : i32
        %add3A_170 = arith.addi %add3A_90, %add3A_169 : i32
        %mul3A_171 = arith.constant 128 : i32
        %mul3A_172 = arith.muli %add3A_170, %mul3A_171 : i32
        %add3A_173 = arith.addi %mul3A_2, %mul3A_172 : i32
        %dma_wait3A_174 = tpu.memref_slice %arg3[%add3A_173] : memref<327680xi32, #tpu.memory_space<hbm>> -> memref<128xi32, #tpu.memory_space<hbm>>
        %dma_wait3A_175 = tpu.memref_slice %arg3[%add3A_173] : memref<327680xi32, #tpu.memory_space<hbm>> -> memref<128xi32, #tpu.memory_space<hbm>>
        tpu.wait_dma2 semaphore(%arg20 : memref<!tpu.dma_semaphore, #tpu.memory_space<semaphore_mem>>) src(%dma_wait3A_175 : memref<128xi32, #tpu.memory_space<hbm>>) dst(%arg8 : memref<128xi32, #tpu.memory_space<vmem>>)
        %mul3A_176 = arith.constant 128 : i32
        %mul3A_177 = arith.muli %add3A_170, %mul3A_176 : i32
        %add3A_178 = arith.addi %mul3A_2, %mul3A_177 : i32
        %dma_wait3A_179 = tpu.memref_slice %arg4[%add3A_178] : memref<327680xi32, #tpu.memory_space<hbm>> -> memref<128xi32, #tpu.memory_space<hbm>>
        %dma_wait3A_180 = tpu.memref_slice %arg4[%add3A_178] : memref<327680xi32, #tpu.memory_space<hbm>> -> memref<128xi32, #tpu.memory_space<hbm>>
        tpu.wait_dma2 semaphore(%arg20 : memref<!tpu.dma_semaphore, #tpu.memory_space<semaphore_mem>>) src(%dma_wait3A_180 : memref<128xi32, #tpu.memory_space<hbm>>) dst(%arg12 : memref<128xi32, #tpu.memory_space<vmem>>)
        %dma_start3A_181 = arith.constant 0 : i32
        %dma_start3A_182 = arith.constant 0 : i32
        %dma_start3A_183 = tpu.memref_slice %arg2[%dma_start3A_181, %dma_start3A_182] : memref<10240x128xf32, #tpu.memory_space<hbm>> -> memref<10240x128xf32, #tpu.memory_space<hbm>>
        tpu.enqueue_indirect_dma source(%dma_start3A_183 : memref<10240x128xf32, #tpu.memory_space<hbm>>) target(%arg14 : memref<128x128xf32, #tpu.memory_space<vmem>>) offsets(%arg8 : memref<128xi32, #tpu.memory_space<vmem>>) semaphore(%arg22 : memref<!tpu.dma_semaphore, #tpu.memory_space<semaphore_mem>>)
      } else {
      }
      %mul3A_105 = arith.constant 4 : i32
      %mul3A_106 = arith.muli %mul3A_105, %scan3A_85 : i32
      %add3A_107 = arith.constant 1 : i32
      %add3A_108 = arith.addi %mul3A_106, %add3A_107 : i32
      %dma_wait3A_109 = arith.constant 0 : i32
      %dma_wait3A_110 = arith.constant 0 : i32
      %dma_wait3A_111 = tpu.memref_slice %arg2[%dma_wait3A_109, %dma_wait3A_110] : memref<10240x128xf32, #tpu.memory_space<hbm>> -> memref<10240x128xf32, #tpu.memory_space<hbm>>
      tpu.wait_indirect_dma semaphore(%arg23 : memref<!tpu.dma_semaphore, #tpu.memory_space<semaphore_mem>>) src(%dma_wait3A_111 : memref<10240x128xf32, #tpu.memory_space<hbm>>) dst(%arg15 : memref<128x128xf32, #tpu.memory_space<vmem>>)
      "tpu.region"() ({
        %run_scoped3A = tpu.sem_alloc : memref<!tpu.dma_semaphore, #tpu.memory_space<semaphore_mem>>
        %dma_start3A_169 = arith.constant 0 : i32
        %dma_start3A_170 = arith.constant 0 : i32
        %dma_start3A_171 = tpu.memref_slice %arg17[%dma_start3A_169, %dma_start3A_170] : memref<10240x128xf32, #tpu.memory_space<vmem_shared>> -> memref<10240x128xf32, #tpu.memory_space<vmem_shared>>
        tpu.enqueue_indirect_dma source(%arg15 : memref<128x128xf32, #tpu.memory_space<vmem>>) target(%dma_start3A_171 : memref<10240x128xf32, #tpu.memory_space<vmem_shared>>) offsets(%arg11 : memref<128xi32, #tpu.memory_space<vmem>>) semaphore(%run_scoped3A : memref<!tpu.dma_semaphore, #tpu.memory_space<semaphore_mem>>) {add = true}
        %dma_wait3A_172 = arith.constant 0 : i32
        %dma_wait3A_173 = arith.constant 0 : i32
        %dma_wait3A_174 = tpu.memref_slice %arg17[%dma_wait3A_172, %dma_wait3A_173] : memref<10240x128xf32, #tpu.memory_space<vmem_shared>> -> memref<10240x128xf32, #tpu.memory_space<vmem_shared>>
        tpu.wait_indirect_dma semaphore(%run_scoped3A : memref<!tpu.dma_semaphore, #tpu.memory_space<semaphore_mem>>) src(%arg15 : memref<128x128xf32, #tpu.memory_space<vmem>>) dst(%dma_wait3A_174 : memref<10240x128xf32, #tpu.memory_space<vmem_shared>>)
        tpu.yield
      }) : () -> ()
      %add3A_112 = arith.constant 4 : i32
      %add3A_113 = arith.addi %add3A_108, %add3A_112 : i32
      %lt3A_114 = arith.constant 80 : i32
      %lt3A_115 = arith.cmpi slt, %add3A_113, %lt3A_114 : i32
      %convert_element_type3A_116 = arith.extui %lt3A_115 : i1 to i32
      %cond3A_117 = arith.constant 0 : i32
      %cond3A_118 = arith.cmpi ne, %convert_element_type3A_116, %cond3A_117 : i32
      scf.if %cond3A_118 {
        %add3A_169 = arith.constant 4 : i32
        %add3A_170 = arith.addi %add3A_108, %add3A_169 : i32
        %mul3A_171 = arith.constant 128 : i32
        %mul3A_172 = arith.muli %add3A_170, %mul3A_171 : i32
        %add3A_173 = arith.addi %mul3A_2, %mul3A_172 : i32
        %dma_start3A_174 = tpu.memref_slice %arg3[%add3A_173] : memref<327680xi32, #tpu.memory_space<hbm>> -> memref<128xi32, #tpu.memory_space<hbm>>
        %dma_start3A_175 = tpu.memref_slice %arg3[%add3A_173] : memref<327680xi32, #tpu.memory_space<hbm>> -> memref<128xi32, #tpu.memory_space<hbm>>
        tpu.enqueue_dma source(%dma_start3A_175 : memref<128xi32, #tpu.memory_space<hbm>>) target(%arg7 : memref<128xi32, #tpu.memory_space<vmem>>) target_semaphore(%arg19 : memref<!tpu.dma_semaphore, #tpu.memory_space<semaphore_mem>>)
        %mul3A_176 = arith.constant 128 : i32
        %mul3A_177 = arith.muli %add3A_170, %mul3A_176 : i32
        %add3A_178 = arith.addi %mul3A_2, %mul3A_177 : i32
        %dma_start3A_179 = tpu.memref_slice %arg4[%add3A_178] : memref<327680xi32, #tpu.memory_space<hbm>> -> memref<128xi32, #tpu.memory_space<hbm>>
        %dma_start3A_180 = tpu.memref_slice %arg4[%add3A_178] : memref<327680xi32, #tpu.memory_space<hbm>> -> memref<128xi32, #tpu.memory_space<hbm>>
        tpu.enqueue_dma source(%dma_start3A_180 : memref<128xi32, #tpu.memory_space<hbm>>) target(%arg11 : memref<128xi32, #tpu.memory_space<vmem>>) target_semaphore(%arg19 : memref<!tpu.dma_semaphore, #tpu.memory_space<semaphore_mem>>)
      } else {
      }
      %add3A_119 = arith.constant 2 : i32
      %add3A_120 = arith.addi %add3A_108, %add3A_119 : i32
      %lt3A_121 = arith.constant 80 : i32
      %lt3A_122 = arith.cmpi slt, %add3A_120, %lt3A_121 : i32
      %convert_element_type3A_123 = arith.extui %lt3A_122 : i1 to i32
      %cond3A_124 = arith.constant 0 : i32
      %cond3A_125 = arith.cmpi ne, %convert_element_type3A_123, %cond3A_124 : i32
      scf.if %cond3A_125 {
        %add3A_169 = arith.constant 2 : i32
        %add3A_170 = arith.addi %add3A_108, %add3A_169 : i32
        %mul3A_171 = arith.constant 128 : i32
        %mul3A_172 = arith.muli %add3A_170, %mul3A_171 : i32
        %add3A_173 = arith.addi %mul3A_2, %mul3A_172 : i32
        %dma_wait3A_174 = tpu.memref_slice %arg3[%add3A_173] : memref<327680xi32, #tpu.memory_space<hbm>> -> memref<128xi32, #tpu.memory_space<hbm>>
        %dma_wait3A_175 = tpu.memref_slice %arg3[%add3A_173] : memref<327680xi32, #tpu.memory_space<hbm>> -> memref<128xi32, #tpu.memory_space<hbm>>
        tpu.wait_dma2 semaphore(%arg21 : memref<!tpu.dma_semaphore, #tpu.memory_space<semaphore_mem>>) src(%dma_wait3A_175 : memref<128xi32, #tpu.memory_space<hbm>>) dst(%arg9 : memref<128xi32, #tpu.memory_space<vmem>>)
        %mul3A_176 = arith.constant 128 : i32
        %mul3A_177 = arith.muli %add3A_170, %mul3A_176 : i32
        %add3A_178 = arith.addi %mul3A_2, %mul3A_177 : i32
        %dma_wait3A_179 = tpu.memref_slice %arg4[%add3A_178] : memref<327680xi32, #tpu.memory_space<hbm>> -> memref<128xi32, #tpu.memory_space<hbm>>
        %dma_wait3A_180 = tpu.memref_slice %arg4[%add3A_178] : memref<327680xi32, #tpu.memory_space<hbm>> -> memref<128xi32, #tpu.memory_space<hbm>>
        tpu.wait_dma2 semaphore(%arg21 : memref<!tpu.dma_semaphore, #tpu.memory_space<semaphore_mem>>) src(%dma_wait3A_180 : memref<128xi32, #tpu.memory_space<hbm>>) dst(%arg13 : memref<128xi32, #tpu.memory_space<vmem>>)
        %dma_start3A_181 = arith.constant 0 : i32
        %dma_start3A_182 = arith.constant 0 : i32
        %dma_start3A_183 = tpu.memref_slice %arg2[%dma_start3A_181, %dma_start3A_182] : memref<10240x128xf32, #tpu.memory_space<hbm>> -> memref<10240x128xf32, #tpu.memory_space<hbm>>
        tpu.enqueue_indirect_dma source(%dma_start3A_183 : memref<10240x128xf32, #tpu.memory_space<hbm>>) target(%arg15 : memref<128x128xf32, #tpu.memory_space<vmem>>) offsets(%arg9 : memref<128xi32, #tpu.memory_space<vmem>>) semaphore(%arg23 : memref<!tpu.dma_semaphore, #tpu.memory_space<semaphore_mem>>)
      } else {
      }
      %mul3A_126 = arith.constant 4 : i32
      %mul3A_127 = arith.muli %mul3A_126, %scan3A_85 : i32
      %add3A_128 = arith.constant 2 : i32
      %add3A_129 = arith.addi %mul3A_127, %add3A_128 : i32
      %dma_wait3A_130 = arith.constant 0 : i32
      %dma_wait3A_131 = arith.constant 0 : i32
      %dma_wait3A_132 = tpu.memref_slice %arg2[%dma_wait3A_130, %dma_wait3A_131] : memref<10240x128xf32, #tpu.memory_space<hbm>> -> memref<10240x128xf32, #tpu.memory_space<hbm>>
      tpu.wait_indirect_dma semaphore(%arg22 : memref<!tpu.dma_semaphore, #tpu.memory_space<semaphore_mem>>) src(%dma_wait3A_132 : memref<10240x128xf32, #tpu.memory_space<hbm>>) dst(%arg14 : memref<128x128xf32, #tpu.memory_space<vmem>>)
      "tpu.region"() ({
        %run_scoped3A = tpu.sem_alloc : memref<!tpu.dma_semaphore, #tpu.memory_space<semaphore_mem>>
        %dma_start3A_169 = arith.constant 0 : i32
        %dma_start3A_170 = arith.constant 0 : i32
        %dma_start3A_171 = tpu.memref_slice %arg17[%dma_start3A_169, %dma_start3A_170] : memref<10240x128xf32, #tpu.memory_space<vmem_shared>> -> memref<10240x128xf32, #tpu.memory_space<vmem_shared>>
        tpu.enqueue_indirect_dma source(%arg14 : memref<128x128xf32, #tpu.memory_space<vmem>>) target(%dma_start3A_171 : memref<10240x128xf32, #tpu.memory_space<vmem_shared>>) offsets(%arg12 : memref<128xi32, #tpu.memory_space<vmem>>) semaphore(%run_scoped3A : memref<!tpu.dma_semaphore, #tpu.memory_space<semaphore_mem>>) {add = true}
        %dma_wait3A_172 = arith.constant 0 : i32
        %dma_wait3A_173 = arith.constant 0 : i32
        %dma_wait3A_174 = tpu.memref_slice %arg17[%dma_wait3A_172, %dma_wait3A_173] : memref<10240x128xf32, #tpu.memory_space<vmem_shared>> -> memref<10240x128xf32, #tpu.memory_space<vmem_shared>>
        tpu.wait_indirect_dma semaphore(%run_scoped3A : memref<!tpu.dma_semaphore, #tpu.memory_space<semaphore_mem>>) src(%arg14 : memref<128x128xf32, #tpu.memory_space<vmem>>) dst(%dma_wait3A_174 : memref<10240x128xf32, #tpu.memory_space<vmem_shared>>)
        tpu.yield
      }) : () -> ()
      %add3A_133 = arith.constant 4 : i32
      %add3A_134 = arith.addi %add3A_129, %add3A_133 : i32
      %lt3A_135 = arith.constant 80 : i32
      %lt3A_136 = arith.cmpi slt, %add3A_134, %lt3A_135 : i32
      %convert_element_type3A_137 = arith.extui %lt3A_136 : i1 to i32
      %cond3A_138 = arith.constant 0 : i32
      %cond3A_139 = arith.cmpi ne, %convert_element_type3A_137, %cond3A_138 : i32
      scf.if %cond3A_139 {
        %add3A_169 = arith.constant 4 : i32
        %add3A_170 = arith.addi %add3A_129, %add3A_169 : i32
        %mul3A_171 = arith.constant 128 : i32
        %mul3A_172 = arith.muli %add3A_170, %mul3A_171 : i32
        %add3A_173 = arith.addi %mul3A_2, %mul3A_172 : i32
        %dma_start3A_174 = tpu.memref_slice %arg3[%add3A_173] : memref<327680xi32, #tpu.memory_space<hbm>> -> memref<128xi32, #tpu.memory_space<hbm>>
        %dma_start3A_175 = tpu.memref_slice %arg3[%add3A_173] : memref<327680xi32, #tpu.memory_space<hbm>> -> memref<128xi32, #tpu.memory_space<hbm>>
        tpu.enqueue_dma source(%dma_start3A_175 : memref<128xi32, #tpu.memory_space<hbm>>) target(%arg8 : memref<128xi32, #tpu.memory_space<vmem>>) target_semaphore(%arg20 : memref<!tpu.dma_semaphore, #tpu.memory_space<semaphore_mem>>)
        %mul3A_176 = arith.constant 128 : i32
        %mul3A_177 = arith.muli %add3A_170, %mul3A_176 : i32
        %add3A_178 = arith.addi %mul3A_2, %mul3A_177 : i32
        %dma_start3A_179 = tpu.memref_slice %arg4[%add3A_178] : memref<327680xi32, #tpu.memory_space<hbm>> -> memref<128xi32, #tpu.memory_space<hbm>>
        %dma_start3A_180 = tpu.memref_slice %arg4[%add3A_178] : memref<327680xi32, #tpu.memory_space<hbm>> -> memref<128xi32, #tpu.memory_space<hbm>>
        tpu.enqueue_dma source(%dma_start3A_180 : memref<128xi32, #tpu.memory_space<hbm>>) target(%arg12 : memref<128xi32, #tpu.memory_space<vmem>>) target_semaphore(%arg20 : memref<!tpu.dma_semaphore, #tpu.memory_space<semaphore_mem>>)
      } else {
      }
      %add3A_140 = arith.constant 2 : i32
      %add3A_141 = arith.addi %add3A_129, %add3A_140 : i32
      %lt3A_142 = arith.constant 80 : i32
      %lt3A_143 = arith.cmpi slt, %add3A_141, %lt3A_142 : i32
      %convert_element_type3A_144 = arith.extui %lt3A_143 : i1 to i32
      %cond3A_145 = arith.constant 0 : i32
      %cond3A_146 = arith.cmpi ne, %convert_element_type3A_144, %cond3A_145 : i32
      scf.if %cond3A_146 {
        %add3A_169 = arith.constant 2 : i32
        %add3A_170 = arith.addi %add3A_129, %add3A_169 : i32
        %mul3A_171 = arith.constant 128 : i32
        %mul3A_172 = arith.muli %add3A_170, %mul3A_171 : i32
        %add3A_173 = arith.addi %mul3A_2, %mul3A_172 : i32
        %dma_wait3A_174 = tpu.memref_slice %arg3[%add3A_173] : memref<327680xi32, #tpu.memory_space<hbm>> -> memref<128xi32, #tpu.memory_space<hbm>>
        %dma_wait3A_175 = tpu.memref_slice %arg3[%add3A_173] : memref<327680xi32, #tpu.memory_space<hbm>> -> memref<128xi32, #tpu.memory_space<hbm>>
        tpu.wait_dma2 semaphore(%arg18 : memref<!tpu.dma_semaphore, #tpu.memory_space<semaphore_mem>>) src(%dma_wait3A_175 : memref<128xi32, #tpu.memory_space<hbm>>) dst(%arg6 : memref<128xi32, #tpu.memory_space<vmem>>)
        %mul3A_176 = arith.constant 128 : i32
        %mul3A_177 = arith.muli %add3A_170, %mul3A_176 : i32
        %add3A_178 = arith.addi %mul3A_2, %mul3A_177 : i32
        %dma_wait3A_179 = tpu.memref_slice %arg4[%add3A_178] : memref<327680xi32, #tpu.memory_space<hbm>> -> memref<128xi32, #tpu.memory_space<hbm>>
        %dma_wait3A_180 = tpu.memref_slice %arg4[%add3A_178] : memref<327680xi32, #tpu.memory_space<hbm>> -> memref<128xi32, #tpu.memory_space<hbm>>
        tpu.wait_dma2 semaphore(%arg18 : memref<!tpu.dma_semaphore, #tpu.memory_space<semaphore_mem>>) src(%dma_wait3A_180 : memref<128xi32, #tpu.memory_space<hbm>>) dst(%arg10 : memref<128xi32, #tpu.memory_space<vmem>>)
        %dma_start3A_181 = arith.constant 0 : i32
        %dma_start3A_182 = arith.constant 0 : i32
        %dma_start3A_183 = tpu.memref_slice %arg2[%dma_start3A_181, %dma_start3A_182] : memref<10240x128xf32, #tpu.memory_space<hbm>> -> memref<10240x128xf32, #tpu.memory_space<hbm>>
        tpu.enqueue_indirect_dma source(%dma_start3A_183 : memref<10240x128xf32, #tpu.memory_space<hbm>>) target(%arg14 : memref<128x128xf32, #tpu.memory_space<vmem>>) offsets(%arg6 : memref<128xi32, #tpu.memory_space<vmem>>) semaphore(%arg22 : memref<!tpu.dma_semaphore, #tpu.memory_space<semaphore_mem>>)
      } else {
      }
      %mul3A_147 = arith.constant 4 : i32
      %mul3A_148 = arith.muli %mul3A_147, %scan3A_85 : i32
      %add3A_149 = arith.constant 3 : i32
      %add3A_150 = arith.addi %mul3A_148, %add3A_149 : i32
      %dma_wait3A_151 = arith.constant 0 : i32
      %dma_wait3A_152 = arith.constant 0 : i32
      %dma_wait3A_153 = tpu.memref_slice %arg2[%dma_wait3A_151, %dma_wait3A_152] : memref<10240x128xf32, #tpu.memory_space<hbm>> -> memref<10240x128xf32, #tpu.memory_space<hbm>>
      tpu.wait_indirect_dma semaphore(%arg23 : memref<!tpu.dma_semaphore, #tpu.memory_space<semaphore_mem>>) src(%dma_wait3A_153 : memref<10240x128xf32, #tpu.memory_space<hbm>>) dst(%arg15 : memref<128x128xf32, #tpu.memory_space<vmem>>)
      "tpu.region"() ({
        %run_scoped3A = tpu.sem_alloc : memref<!tpu.dma_semaphore, #tpu.memory_space<semaphore_mem>>
        %dma_start3A_169 = arith.constant 0 : i32
        %dma_start3A_170 = arith.constant 0 : i32
        %dma_start3A_171 = tpu.memref_slice %arg17[%dma_start3A_169, %dma_start3A_170] : memref<10240x128xf32, #tpu.memory_space<vmem_shared>> -> memref<10240x128xf32, #tpu.memory_space<vmem_shared>>
        tpu.enqueue_indirect_dma source(%arg15 : memref<128x128xf32, #tpu.memory_space<vmem>>) target(%dma_start3A_171 : memref<10240x128xf32, #tpu.memory_space<vmem_shared>>) offsets(%arg13 : memref<128xi32, #tpu.memory_space<vmem>>) semaphore(%run_scoped3A : memref<!tpu.dma_semaphore, #tpu.memory_space<semaphore_mem>>) {add = true}
        %dma_wait3A_172 = arith.constant 0 : i32
        %dma_wait3A_173 = arith.constant 0 : i32
        %dma_wait3A_174 = tpu.memref_slice %arg17[%dma_wait3A_172, %dma_wait3A_173] : memref<10240x128xf32, #tpu.memory_space<vmem_shared>> -> memref<10240x128xf32, #tpu.memory_space<vmem_shared>>
        tpu.wait_indirect_dma semaphore(%run_scoped3A : memref<!tpu.dma_semaphore, #tpu.memory_space<semaphore_mem>>) src(%arg15 : memref<128x128xf32, #tpu.memory_space<vmem>>) dst(%dma_wait3A_174 : memref<10240x128xf32, #tpu.memory_space<vmem_shared>>)
        tpu.yield
      }) : () -> ()
      %add3A_154 = arith.constant 4 : i32
      %add3A_155 = arith.addi %add3A_150, %add3A_154 : i32
      %lt3A_156 = arith.constant 80 : i32
      %lt3A_157 = arith.cmpi slt, %add3A_155, %lt3A_156 : i32
      %convert_element_type3A_158 = arith.extui %lt3A_157 : i1 to i32
      %cond3A_159 = arith.constant 0 : i32
      %cond3A_160 = arith.cmpi ne, %convert_element_type3A_158, %cond3A_159 : i32
      scf.if %cond3A_160 {
        %add3A_169 = arith.constant 4 : i32
        %add3A_170 = arith.addi %add3A_150, %add3A_169 : i32
        %mul3A_171 = arith.constant 128 : i32
        %mul3A_172 = arith.muli %add3A_170, %mul3A_171 : i32
        %add3A_173 = arith.addi %mul3A_2, %mul3A_172 : i32
        %dma_start3A_174 = tpu.memref_slice %arg3[%add3A_173] : memref<327680xi32, #tpu.memory_space<hbm>> -> memref<128xi32, #tpu.memory_space<hbm>>
        %dma_start3A_175 = tpu.memref_slice %arg3[%add3A_173] : memref<327680xi32, #tpu.memory_space<hbm>> -> memref<128xi32, #tpu.memory_space<hbm>>
        tpu.enqueue_dma source(%dma_start3A_175 : memref<128xi32, #tpu.memory_space<hbm>>) target(%arg9 : memref<128xi32, #tpu.memory_space<vmem>>) target_semaphore(%arg21 : memref<!tpu.dma_semaphore, #tpu.memory_space<semaphore_mem>>)
        %mul3A_176 = arith.constant 128 : i32
        %mul3A_177 = arith.muli %add3A_170, %mul3A_176 : i32
        %add3A_178 = arith.addi %mul3A_2, %mul3A_177 : i32
        %dma_start3A_179 = tpu.memref_slice %arg4[%add3A_178] : memref<327680xi32, #tpu.memory_space<hbm>> -> memref<128xi32, #tpu.memory_space<hbm>>
        %dma_start3A_180 = tpu.memref_slice %arg4[%add3A_178] : memref<327680xi32, #tpu.memory_space<hbm>> -> memref<128xi32, #tpu.memory_space<hbm>>
        tpu.enqueue_dma source(%dma_start3A_180 : memref<128xi32, #tpu.memory_space<hbm>>) target(%arg13 : memref<128xi32, #tpu.memory_space<vmem>>) target_semaphore(%arg21 : memref<!tpu.dma_semaphore, #tpu.memory_space<semaphore_mem>>)
      } else {
      }
      %add3A_161 = arith.constant 2 : i32
      %add3A_162 = arith.addi %add3A_150, %add3A_161 : i32
      %lt3A_163 = arith.constant 80 : i32
      %lt3A_164 = arith.cmpi slt, %add3A_162, %lt3A_163 : i32
      %convert_element_type3A_165 = arith.extui %lt3A_164 : i1 to i32
      %cond3A_166 = arith.constant 0 : i32
      %cond3A_167 = arith.cmpi ne, %convert_element_type3A_165, %cond3A_166 : i32
      scf.if %cond3A_167 {
        %add3A_169 = arith.constant 2 : i32
        %add3A_170 = arith.addi %add3A_150, %add3A_169 : i32
        %mul3A_171 = arith.constant 128 : i32
        %mul3A_172 = arith.muli %add3A_170, %mul3A_171 : i32
        %add3A_173 = arith.addi %mul3A_2, %mul3A_172 : i32
        %dma_wait3A_174 = tpu.memref_slice %arg3[%add3A_173] : memref<327680xi32, #tpu.memory_space<hbm>> -> memref<128xi32, #tpu.memory_space<hbm>>
        %dma_wait3A_175 = tpu.memref_slice %arg3[%add3A_173] : memref<327680xi32, #tpu.memory_space<hbm>> -> memref<128xi32, #tpu.memory_space<hbm>>
        tpu.wait_dma2 semaphore(%arg19 : memref<!tpu.dma_semaphore, #tpu.memory_space<semaphore_mem>>) src(%dma_wait3A_175 : memref<128xi32, #tpu.memory_space<hbm>>) dst(%arg7 : memref<128xi32, #tpu.memory_space<vmem>>)
        %mul3A_176 = arith.constant 128 : i32
        %mul3A_177 = arith.muli %add3A_170, %mul3A_176 : i32
        %add3A_178 = arith.addi %mul3A_2, %mul3A_177 : i32
        %dma_wait3A_179 = tpu.memref_slice %arg4[%add3A_178] : memref<327680xi32, #tpu.memory_space<hbm>> -> memref<128xi32, #tpu.memory_space<hbm>>
        %dma_wait3A_180 = tpu.memref_slice %arg4[%add3A_178] : memref<327680xi32, #tpu.memory_space<hbm>> -> memref<128xi32, #tpu.memory_space<hbm>>
        tpu.wait_dma2 semaphore(%arg19 : memref<!tpu.dma_semaphore, #tpu.memory_space<semaphore_mem>>) src(%dma_wait3A_180 : memref<128xi32, #tpu.memory_space<hbm>>) dst(%arg11 : memref<128xi32, #tpu.memory_space<vmem>>)
        %dma_start3A_181 = arith.constant 0 : i32
        %dma_start3A_182 = arith.constant 0 : i32
        %dma_start3A_183 = tpu.memref_slice %arg2[%dma_start3A_181, %dma_start3A_182] : memref<10240x128xf32, #tpu.memory_space<hbm>> -> memref<10240x128xf32, #tpu.memory_space<hbm>>
        tpu.enqueue_indirect_dma source(%dma_start3A_183 : memref<10240x128xf32, #tpu.memory_space<hbm>>) target(%arg15 : memref<128x128xf32, #tpu.memory_space<vmem>>) offsets(%arg7 : memref<128xi32, #tpu.memory_space<vmem>>) semaphore(%arg23 : memref<!tpu.dma_semaphore, #tpu.memory_space<semaphore_mem>>)
      } else {
      }
      %scan3A_168 = arith.constant 0 : i32
      scf.yield %scan3A_168 : i32
    }
    %scan3A_83 = arith.constant 20 : i32
    %barrier3A_84 = arith.constant 0 : index
    tpu.barrier barrier_id(%barrier3A_84)
    "tpu.region"() ({
      %run_scoped3A = tpu.sem_alloc : memref<!tpu.dma_semaphore, #tpu.memory_space<semaphore_mem>>
      %dma_start3A_85 = arith.constant 0 : i32
      %dma_start3A_86 = tpu.memref_slice %arg5[%arg0, %mul3A_4, %dma_start3A_85] : memref<2x10240x128xf32, #tpu.memory_space<hbm>> -> memref<1x640x128xf32, #tpu.memory_space<hbm>>
      %dma_start3A_87 = tpu.memref_squeeze %dma_start3A_86 : memref<1x640x128xf32, #tpu.memory_space<hbm>> -> memref<640x128xf32, #tpu.memory_space<hbm>>
      %dma_start3A_88 = arith.constant 0 : i32
      %dma_start3A_89 = tpu.memref_slice %arg17[%mul3A_4, %dma_start3A_88] : memref<10240x128xf32, #tpu.memory_space<vmem_shared>> -> memref<640x128xf32, #tpu.memory_space<vmem_shared>>
      tpu.enqueue_dma source(%dma_start3A_89 : memref<640x128xf32, #tpu.memory_space<vmem_shared>>) target(%dma_start3A_87 : memref<640x128xf32, #tpu.memory_space<hbm>>) target_semaphore(%run_scoped3A : memref<!tpu.dma_semaphore, #tpu.memory_space<semaphore_mem>>)
      %dma_wait3A_90 = arith.constant 0 : i32
      %dma_wait3A_91 = tpu.memref_slice %arg5[%arg0, %mul3A_4, %dma_wait3A_90] : memref<2x10240x128xf32, #tpu.memory_space<hbm>> -> memref<1x640x128xf32, #tpu.memory_space<hbm>>
      %dma_wait3A_92 = tpu.memref_squeeze %dma_wait3A_91 : memref<1x640x128xf32, #tpu.memory_space<hbm>> -> memref<640x128xf32, #tpu.memory_space<hbm>>
      %dma_wait3A_93 = arith.constant 0 : i32
      %dma_wait3A_94 = tpu.memref_slice %arg17[%mul3A_4, %dma_wait3A_93] : memref<10240x128xf32, #tpu.memory_space<vmem_shared>> -> memref<640x128xf32, #tpu.memory_space<vmem_shared>>
      tpu.wait_dma2 semaphore(%run_scoped3A : memref<!tpu.dma_semaphore, #tpu.memory_space<semaphore_mem>>) src(%dma_wait3A_94 : memref<640x128xf32, #tpu.memory_space<vmem_shared>>) dst(%dma_wait3A_92 : memref<640x128xf32, #tpu.memory_space<hbm>>)
      tpu.yield
    }) : () -> ()
    return
  }
}

module attributes {stable_mosaic.version = 14 : i64} {
  func.func @body(%arg0: i32, %arg1: memref<2x1024x1xf32, #tpu.memory_space<vmem>>, %arg2: memref<1024x128xf32, #tpu.memory_space<vmem>>, %arg3: memref<1024x128xf32, #tpu.memory_space<vmem>>, %arg4: memref<1024x1xf32, #tpu.memory_space<vmem>>) attributes {dimension_semantics = [#tpu.dimension_semantics<arbitrary>], iteration_bounds = array<i64: 10>, scalar_prefetch = 0 : i64, scratch_operands = 0 : i64, tpu.core_type = #tpu.core_type<tc>, window_params = [{transform_indices = @transform_0, window_bounds = array<i64: 2, 1024, 1>}, {transform_indices = @transform_1, window_bounds = array<i64: 1024, 128>}, {transform_indices = @transform_2, window_bounds = array<i64: 1024, 128>}, {transform_indices = @transform_3, window_bounds = array<i64: 1024, 1>}]} {
    %get3A = arith.constant 0 : index
    %get3A_0 = arith.constant 0 : index
    %get3A_1 = arith.constant 0 : index
    %get3A_2 = vector.load %arg1[%get3A, %get3A_0, %get3A_1] : memref<2x1024x1xf32, #tpu.memory_space<vmem>>, vector<1x1024x1xf32>
    %get3A_3 = vector.shape_cast %get3A_2 : vector<1x1024x1xf32> to vector<1024x1xf32>
    %get3A_4 = arith.constant 1 : index
    %get3A_5 = arith.constant 0 : index
    %get3A_6 = arith.constant 0 : index
    %get3A_7 = vector.load %arg1[%get3A_4, %get3A_5, %get3A_6] : memref<2x1024x1xf32, #tpu.memory_space<vmem>>, vector<1x1024x1xf32>
    %get3A_8 = vector.shape_cast %get3A_7 : vector<1x1024x1xf32> to vector<1024x1xf32>
    %add3A = arith.addf %get3A_3, %get3A_8 : vector<1024x1xf32>
    %gt3A = arith.constant 0.000000e+00 : f32
    %gt3A_9 = vector.broadcast %gt3A : f32 to vector<1024x1xf32>
    %gt3A_10 = arith.cmpf ogt, %add3A, %gt3A_9 : vector<1024x1xf32>
    %max3A = arith.constant 1.000000e+00 : f32
    %max3A_11 = vector.broadcast %max3A : f32 to vector<1024x1xf32>
    %max3A_12 = arith.maximumf %add3A, %max3A_11 : vector<1024x1xf32>
    %rsqrt3A = math.rsqrt %max3A_12 : vector<1024x1xf32>
    %jit3A = arith.constant 0.000000e+00 : f32
    %broadcast_in_dim3A = vector.broadcast %jit3A : f32 to vector<1024x1xf32>
    %select_n3A = arith.select %gt3A_10, %rsqrt3A, %broadcast_in_dim3A : vector<1024x1xi1>, vector<1024x1xf32>
    %get3A_13 = arith.constant 0 : index
    %get3A_14 = arith.constant 0 : index
    %get3A_15 = vector.load %arg2[%get3A_13, %get3A_14] : memref<1024x128xf32, #tpu.memory_space<vmem>>, vector<1024x128xf32>
    %mul3A = vector.broadcast %select_n3A : vector<1024x1xf32> to vector<1024x128xf32>
    %mul3A_16 = arith.mulf %get3A_15, %mul3A : vector<1024x128xf32>
    %swap3A = arith.constant 0 : index
    %swap3A_17 = arith.constant 0 : index
    %swap3A_18 = vector.load %arg3[%swap3A, %swap3A_17] : memref<1024x128xf32, #tpu.memory_space<vmem>>, vector<1024x128xf32>
    tpu.vector_store %arg3[%swap3A, %swap3A_17], %mul3A_16 {strides = array<i32>} : memref<1024x128xf32, #tpu.memory_space<vmem>>, vector<1024x128xf32>,
    %swap3A_19 = arith.constant 0 : index
    %swap3A_20 = arith.constant 0 : index
    %swap3A_21 = vector.load %arg4[%swap3A_19, %swap3A_20] : memref<1024x1xf32, #tpu.memory_space<vmem>>, vector<1024x1xf32>
    tpu.vector_store %arg4[%swap3A_19, %swap3A_20], %select_n3A {strides = array<i32>} : memref<1024x1xf32, #tpu.memory_space<vmem>>, vector<1024x1xf32>,
    return
  }
  func.func @transform_0(%arg0: i32) -> (i32, i32, i32) {
    %c0_i32 = arith.constant 0 : i32
    %c0_i32_0 = arith.constant 0 : i32
    %c0_i32_1 = arith.constant 0 : i32
    return %c0_i32, %arg0, %c0_i32_0 : i32, i32, i32
  }
  func.func @transform_1(%arg0: i32) -> (i32, i32) {
    %c0_i32 = arith.constant 0 : i32
    %c0_i32_0 = arith.constant 0 : i32
    return %arg0, %c0_i32 : i32, i32
  }
  func.func @transform_2(%arg0: i32) -> (i32, i32) {
    %c0_i32 = arith.constant 0 : i32
    %c0_i32_0 = arith.constant 0 : i32
    return %arg0, %c0_i32 : i32, i32
  }
  func.func @transform_3(%arg0: i32) -> (i32, i32) {
    %c0_i32 = arith.constant 0 : i32
    %c0_i32_0 = arith.constant 0 : i32
    return %arg0, %c0_i32 : i32, i32
  }
}

module attributes {stable_mosaic.version = 14 : i64} {
  func.func @body(%arg0: i32, %arg1: memref<2x1024x128xf32, #tpu.memory_space<vmem>>, %arg2: memref<1024x1xf32, #tpu.memory_space<vmem>>, %arg3: memref<128x128xf32, #tpu.memory_space<vmem>>, %arg4: memref<1x128xf32, #tpu.memory_space<vmem>>, %arg5: memref<1024x128xf32, #tpu.memory_space<vmem>>) attributes {dimension_semantics = [#tpu.dimension_semantics<arbitrary>], iteration_bounds = array<i64: 10>, scalar_prefetch = 0 : i64, scratch_operands = 0 : i64, tpu.core_type = #tpu.core_type<tc>, window_params = [{transform_indices = @transform_0, window_bounds = array<i64: 2, 1024, 128>}, {transform_indices = @transform_1, window_bounds = array<i64: 1024, 1>}, {pipeline_mode = #tpu.pipeline_mode<synchronous>, transform_indices = @transform_2, window_bounds = array<i64: 128, 128>}, {pipeline_mode = #tpu.pipeline_mode<synchronous>, transform_indices = @transform_3, window_bounds = array<i64: 1, 128>}, {transform_indices = @transform_4, window_bounds = array<i64: 1024, 128>}]} {
    %get3A = arith.constant 0 : index
    %get3A_0 = arith.constant 0 : index
    %get3A_1 = arith.constant 0 : index
    %get3A_2 = vector.load %arg1[%get3A, %get3A_0, %get3A_1] : memref<2x1024x128xf32, #tpu.memory_space<vmem>>, vector<1x1024x128xf32>
    %get3A_3 = vector.shape_cast %get3A_2 : vector<1x1024x128xf32> to vector<1024x128xf32>
    %get3A_4 = arith.constant 1 : index
    %get3A_5 = arith.constant 0 : index
    %get3A_6 = arith.constant 0 : index
    %get3A_7 = vector.load %arg1[%get3A_4, %get3A_5, %get3A_6] : memref<2x1024x128xf32, #tpu.memory_space<vmem>>, vector<1x1024x128xf32>
    %get3A_8 = vector.shape_cast %get3A_7 : vector<1x1024x128xf32> to vector<1024x128xf32>
    %add3A = arith.addf %get3A_3, %get3A_8 : vector<1024x128xf32>
    %get3A_9 = arith.constant 0 : index
    %get3A_10 = arith.constant 0 : index
    %get3A_11 = vector.load %arg2[%get3A_9, %get3A_10] : memref<1024x1xf32, #tpu.memory_space<vmem>>, vector<1024x1xf32>
    %mul3A = vector.broadcast %get3A_11 : vector<1024x1xf32> to vector<1024x128xf32>
    %mul3A_12 = arith.mulf %add3A, %mul3A : vector<1024x128xf32>
    %get3A_13 = arith.constant 0 : index
    %get3A_14 = arith.constant 0 : index
    %get3A_15 = vector.load %arg3[%get3A_13, %get3A_14] : memref<128x128xf32, #tpu.memory_space<vmem>>, vector<128x128xf32>
    %dot_general3A = arith.constant dense<0.000000e+00> : vector<1024x128xf32>
    %dot_general3A_16 = tpu.matmul %mul3A_12, %get3A_15, %dot_general3A {dimension_numbers = #tpu.dot_dimension_numbers<[1], [0], [0], [1], [0, 0, 1, 1], [], []>, transpose_lhs_hint = false} : vector<1024x128xf32>, vector<128x128xf32>, vector<1024x128xf32> -> vector<1024x128xf32>
    %get3A_17 = arith.constant 0 : index
    %get3A_18 = arith.constant 0 : index
    %get3A_19 = vector.load %arg4[%get3A_17, %get3A_18] : memref<1x128xf32, #tpu.memory_space<vmem>>, vector<1x128xf32>
    %add3A_20 = vector.broadcast %get3A_19 : vector<1x128xf32> to vector<1024x128xf32>
    %add3A_21 = arith.addf %dot_general3A_16, %add3A_20 : vector<1024x128xf32>
    %swap3A = arith.constant 0 : index
    %swap3A_22 = arith.constant 0 : index
    %swap3A_23 = vector.load %arg5[%swap3A, %swap3A_22] : memref<1024x128xf32, #tpu.memory_space<vmem>>, vector<1024x128xf32>
    tpu.vector_store %arg5[%swap3A, %swap3A_22], %add3A_21 {strides = array<i32>} : memref<1024x128xf32, #tpu.memory_space<vmem>>, vector<1024x128xf32>,
    return
  }
  func.func @transform_0(%arg0: i32) -> (i32, i32, i32) {
    %c0_i32 = arith.constant 0 : i32
    %c0_i32_0 = arith.constant 0 : i32
    %c0_i32_1 = arith.constant 0 : i32
    return %c0_i32, %arg0, %c0_i32_0 : i32, i32, i32
  }
  func.func @transform_1(%arg0: i32) -> (i32, i32) {
    %c0_i32 = arith.constant 0 : i32
    %c0_i32_0 = arith.constant 0 : i32
    return %arg0, %c0_i32 : i32, i32
  }
  func.func @transform_2(%arg0: i32) -> (i32, i32) {
    %c0_i32 = arith.constant 0 : i32
    %c0_i32_0 = arith.constant 0 : i32
    %c0_i32_1 = arith.constant 0 : i32
    return %c0_i32, %c0_i32_0 : i32, i32
  }
  func.func @transform_3(%arg0: i32) -> (i32, i32) {
    %c0_i32 = arith.constant 0 : i32
    %c0_i32_0 = arith.constant 0 : i32
    %c0_i32_1 = arith.constant 0 : i32
    return %c0_i32, %c0_i32_0 : i32, i32
  }
  func.func @transform_4(%arg0: i32) -> (i32, i32) {
    %c0_i32 = arith.constant 0 : i32
    %c0_i32_0 = arith.constant 0 : i32
    return %arg0, %c0_i32 : i32, i32
  }
}

module attributes {stable_mosaic.version = 14 : i64} {
  func.func @body(%arg0: i32, %arg1: memref<2x1024x128xf32, #tpu.memory_space<vmem>>, %arg2: memref<1024x1xf32, #tpu.memory_space<vmem>>, %arg3: memref<1024x128xf32, #tpu.memory_space<vmem>>) attributes {dimension_semantics = [#tpu.dimension_semantics<arbitrary>], iteration_bounds = array<i64: 10>, scalar_prefetch = 0 : i64, scratch_operands = 0 : i64, tpu.core_type = #tpu.core_type<tc>, window_params = [{transform_indices = @transform_0, window_bounds = array<i64: 2, 1024, 128>}, {transform_indices = @transform_1, window_bounds = array<i64: 1024, 1>}, {transform_indices = @transform_2, window_bounds = array<i64: 1024, 128>}]} {
    %get3A = arith.constant 0 : index
    %get3A_0 = arith.constant 0 : index
    %get3A_1 = vector.load %arg2[%get3A, %get3A_0] : memref<1024x1xf32, #tpu.memory_space<vmem>>, vector<1024x1xf32>
    %get3A_2 = arith.constant 0 : index
    %get3A_3 = arith.constant 0 : index
    %get3A_4 = arith.constant 0 : index
    %get3A_5 = vector.load %arg1[%get3A_2, %get3A_3, %get3A_4] : memref<2x1024x128xf32, #tpu.memory_space<vmem>>, vector<1x1024x128xf32>
    %get3A_6 = vector.shape_cast %get3A_5 : vector<1x1024x128xf32> to vector<1024x128xf32>
    %get3A_7 = arith.constant 1 : index
    %get3A_8 = arith.constant 0 : index
    %get3A_9 = arith.constant 0 : index
    %get3A_10 = vector.load %arg1[%get3A_7, %get3A_8, %get3A_9] : memref<2x1024x128xf32, #tpu.memory_space<vmem>>, vector<1x1024x128xf32>
    %get3A_11 = vector.shape_cast %get3A_10 : vector<1x1024x128xf32> to vector<1024x128xf32>
    %add3A = arith.addf %get3A_6, %get3A_11 : vector<1024x128xf32>
    %mul3A = arith.mulf %get3A_1, %get3A_1 : vector<1024x1xf32>
    %mul3A_12 = vector.broadcast %mul3A : vector<1024x1xf32> to vector<1024x128xf32>
    %mul3A_13 = arith.mulf %add3A, %mul3A_12 : vector<1024x128xf32>
    %swap3A = arith.constant 0 : index
    %swap3A_14 = arith.constant 0 : index
    %swap3A_15 = vector.load %arg3[%swap3A, %swap3A_14] : memref<1024x128xf32, #tpu.memory_space<vmem>>, vector<1024x128xf32>
    tpu.vector_store %arg3[%swap3A, %swap3A_14], %mul3A_13 {strides = array<i32>} : memref<1024x128xf32, #tpu.memory_space<vmem>>, vector<1024x128xf32>,
    return
  }
  func.func @transform_0(%arg0: i32) -> (i32, i32, i32) {
    %c0_i32 = arith.constant 0 : i32
    %c0_i32_0 = arith.constant 0 : i32
    %c0_i32_1 = arith.constant 0 : i32
    return %c0_i32, %arg0, %c0_i32_0 : i32, i32, i32
  }
  func.func @transform_1(%arg0: i32) -> (i32, i32) {
    %c0_i32 = arith.constant 0 : i32
    %c0_i32_0 = arith.constant 0 : i32
    return %arg0, %c0_i32 : i32, i32
  }
  func.func @transform_2(%arg0: i32) -> (i32, i32) {
    %c0_i32 = arith.constant 0 : i32
    %c0_i32_0 = arith.constant 0 : i32
    return %arg0, %c0_i32 : i32, i32
  }
}

</mosaic_0001>

<sc_bundles>
// kernel: kernel.11.cloned.1.call-start
scs
__scs_entry_jumppad:
0x0: {  	(pc) =	sbr.rel $0x88, $3  }
0x1: {  	(tag) =	ssettag $0x0;
	lr =	simm.s32 $0x1  }
0x2: {  	[smem:$0x3F9D] =	sst lr;
	_ =	strace $0xD0000000  }
0x3: {  	_ = 	snop  }
0x4: {  	_ = 	snop  }
0x5: {  	_ = 	snop  }
0x6: {  	_ = 	snop  }
0x7: {  	_ = 	snop  }
__scs_overlays_trampoline_lowered:
0x8: {  	[smem:$0x3FAC] =	sst s0  }
0x9: {  	[smem:$0x3FAD] =	sst s1  }
0xa: {  	[smem:$0x3FAE] =	sst s2  }
0xb: {  	[smem:$0x3FAF] =	sst s3  }
0xc: {  	[smem:$0x3FB0] =	sst s4  }
0xd: {  	[smem:$0x3FB1] =	sst s5  }
0xe: {  	[smem:$0x3FB2] =	sst s6  }
0xf: {  	[smem:$0x3FB3] =	sst s7  }
0x10: {  	[smem:$0x3FB4] =	sst s8  }
0x11: {  	[smem:$0x3FB5] =	sst s9;
	s0 =	simm.s32 @!p0 $0x0  }
0x12: {  	s1 =	sld [smem:$0x3F9B];
	s0 =	simm.s32 @p0 $0x1  }
0x13: {  	[smem:$0x3FB6] =	sst s0;
	s0 =	simm.s32 @!p1 $0x0  }
0x14: {  	s2 =	sld [smem:$0x3F9A];
	s0 =	simm.s32 @p1 $0x1  }
0x15: {  	[smem:$0x3FB7] =	sst s0;
	s0 =	simm.s32 @!p2 $0x0  }
0x16: {  	s3 =	sld [smem:$0x3FDB];
	s0 =	simm.s32 @p2 $0x1  }
0x17: {  	s4 =	simm.s32 $0x1BF5;
	[smem:$0x3FB9] =	sst s0  }
0x18: {  	s0 =	sld [smem:$0x3F9C];
	_ =	swait.ge [sflag:s4], $0x0  }
0x19: {  	s7 =	sld [smem:$0x3F9D]  }
0x1a: {  	s8 =	sadd.s32 $0xFFFFE003, lr  }
0x1b: {  	s9 =	sadd.s32 $0xFFFFFEF7, lr;
	s5 =	simm.s32 $0xFFFFFFFF;
	p2 =	slt.u32 s8, $0xFFFFF086  }
0x1c: {  	p1 =	slt.u32 s9, $0xF7A;
	s5 =	simm.s32 @!p2 $0x0  }
0x1d: {  	s5 =	simm.s32 @p1 $0x1;
	p0 =	seq.s32 s7, s2  }
0x1e: {  	s7 =	smul.u32 @!p0 $0xF7A, s2;
	p2 =	seq.s32 @!p0 s5, $0x0  }
0x1f: {  	s9 =	smul.u32 $0xF7A, s1;
	s8 =	simm.s32 @!p0 $0x1BF5;
	p2 =	por !p2, p0  }
0x20: {  	[sflag:s8] =	ssyncset.s32 @!p0 $0xFFFFF086;
	s6 =	sadd.s32 @!p0 s3, s7;
	s7 =	simm.s32 @!p0 $0x108  }
0x21: {  	s3 =	sadd.s32 s3, s9;
	s6 =	sadd.s32 @!p0 $0x88, s6;
	s7 =	simm.s32 @p2 $0x1082  }
0x22: {  	[simem:s7], [sflag:s8] =	dma.local @!p0 [hbm:s6], $0xF7A  }
0x23: {  	s9 =	sor.u32 $0xD0000000, s2;
	s6 =	simm.s32 $0x108;
	_ =	swait.ge @!p0 [sflag:s8], $0x0  }
0x24: {  	s3 =	sadd.s32 $0x88, s3;
	s6 =	simm.s32 @!p1 $0x1082;
	[sflag:s4] =	ssyncset.s32 $0xFFFFF086  }
0x25: {  	[simem:s6], [sflag:s4] =	dma.local [hbm:s3], $0xF7A  }
0x26: {  	[smem:$0x3F9D] =	sst s1;
	(tag) =	ssettag s2;
	_ =	strace s9  }
0x27: {  	s1 =	sld [smem:$0x3FAD]  }
0x28: {  	s2 =	sld [smem:$0x3FAE]  }
0x29: {  	s4 =	sld [smem:$0x3FB0]  }
0x2a: {  	p0 =	seq.s32 s5, $0x0;
	s5 =	sld [smem:$0x3FB1]  }
0x2b: {  	s6 =	sld [smem:$0x3FB2]  }
0x2c: {  	s7 =	sld [smem:$0x3FB3]  }
0x2d: {  	s3 =	simm.s32 $0x108;
	s8 =	sld [smem:$0x3FB4]  }
0x2e: {  	s3 =	simm.s32 @!p0 $0x1082;
	s9 =	sld [smem:$0x3FB5]  }
0x2f: {  	lr =	sadd.s32 s0, s3;
	s0 =	sld [smem:$0x3FAC]  }
0x30: {  	s3 =	sld [smem:$0x3FAF]  }
0x31: {  	[smem:$0x3FB8] =	sst s10  }
0x32: {  	s10 =	sld [smem:$0x3FB6];
	_ =	sdelay $0x3  }
0x33: {  	p0 =	seq.s32 s10, $0x1;
	s10 =	sld [smem:$0x3FB8];
	_ =	sdelay $0x3  }
0x34: {  	[smem:$0x3FB8] =	sst s10  }
0x35: {  	s10 =	sld [smem:$0x3FB7];
	_ =	sdelay $0x3  }
0x36: {  	p1 =	seq.s32 s10, $0x1;
	s10 =	sld [smem:$0x3FB8];
	_ =	sdelay $0x3  }
0x37: {  	[smem:$0x3FB8] =	sst s10  }
0x38: {  	s10 =	sld [smem:$0x3FB9]  }
0x39: {  	_ = 	snop;
	(pc) =	sbr.ind lr, $3  }
0x3a: {  	_ = 	snop  }
0x3b: {  	_ = 	snop  }
0x3c: {  	p2 =	seq.s32 s10, $0x1;
	s10 =	sld [smem:$0x3FB8]  }
0x3d: {  	_ =	shalt  }
0x3e: {  	_ =	shalt  }
0x3f: {  	_ =	shalt  }
0x40: {  	_ =	shalt  }
0x41: {  	_ =	shalt  }
0x42: {  	_ =	shalt  }
0x43: {  	_ =	shalt  }
0x44: {  	_ =	shalt  }
0x45: {  	_ =	shalt  }
0x46: {  	_ =	shalt  }
0x47: {  	_ =	shalt  }
0x48: {  	_ =	shalt  }
0x49: {  	_ =	shalt  }
0x4a: {  	_ =	shalt  }
0x4b: {  	_ =	shalt  }
0x4c: {  	_ =	shalt  }
0x4d: {  	_ =	shalt  }
0x4e: {  	_ =	shalt  }
0x4f: {  	_ =	shalt  }
0x50: {  	_ =	shalt  }
0x51: {  	_ =	shalt  }
0x52: {  	_ =	shalt  }
0x53: {  	_ =	shalt  }
0x54: {  	_ =	shalt  }
0x55: {  	_ =	shalt  }
0x56: {  	_ =	shalt  }
0x57: {  	_ =	shalt  }
0x58: {  	_ =	shalt  }
0x59: {  	_ =	shalt  }
0x5a: {  	_ =	shalt  }
0x5b: {  	_ =	shalt  }
0x5c: {  	_ =	shalt  }
0x5d: {  	_ =	shalt  }
0x5e: {  	_ =	shalt  }
0x5f: {  	_ =	shalt  }
0x60: {  	_ =	shalt  }
0x61: {  	_ =	shalt  }
0x62: {  	_ =	shalt  }
0x63: {  	_ =	shalt  }
0x64: {  	_ =	shalt  }
0x65: {  	_ =	shalt  }
0x66: {  	_ =	shalt  }
0x67: {  	_ =	shalt  }
0x68: {  	_ =	shalt  }
0x69: {  	_ =	shalt  }
0x6a: {  	_ =	shalt  }
0x6b: {  	_ =	shalt  }
0x6c: {  	_ =	shalt  }
0x6d: {  	_ =	shalt  }
0x6e: {  	_ =	shalt  }
0x6f: {  	_ =	shalt  }
0x70: {  	_ =	shalt  }
0x71: {  	_ =	shalt  }
0x72: {  	_ =	shalt  }
0x73: {  	_ =	shalt  }
0x74: {  	_ =	shalt  }
0x75: {  	_ =	shalt  }
0x76: {  	_ =	shalt  }
0x77: {  	_ =	shalt  }
0x78: {  	_ =	shalt  }
0x79: {  	_ =	shalt  }
0x7a: {  	_ =	shalt  }
0x7b: {  	_ =	shalt  }
0x7c: {  	_ =	shalt  }
0x7d: {  	_ =	shalt  }
0x7e: {  	_ =	shalt  }
0x7f: {  	_ =	shalt  }
0x80: {  	_ =	shalt  }
0x81: {  	_ =	shalt  }
0x82: {  	_ =	shalt  }
0x83: {  	_ =	shalt  }
0x84: {  	_ =	shalt  }
0x85: {  	_ =	shalt  }
0x86: {  	_ =	shalt  }
0x87: {  	_ =	shalt  }
.Lfunc_end0:
.L_simem_size_0:
called_computation.1_lowered:
.L_overlay_start_0:
0x88: {  	s2 =	sld [smem:$0x3FD9]  }
0x89: {  	s3 =	sld [smem:$0x3FFE];
	_ =	sdelay $0x1  }
0x8a: {  	s1 =	srdreg.scid  }
0x8b: {  	s0 =	sand.u32 $0x1, s1  }
0x8c: {  	s17 =	sshll.u32 s0, $0xA;
	s2 =	sadd.s32 s3, s2  }
0x8d: {  	s2 =	sadd.s32 s2, s17  }
0x8e: {  	[smem:$0x3FC4] =	sst s2  }
0x8f: {  	_ = 	snop  }
0x90: {  	s2 =	sld [smem:$0x3FD0];
	(tm) =	ssettm $0x1  }
0x91: {  	s18 =	sld [smem:$0x3FFB];
	_ =	sdelay $0x3  }
0x92: {  	_ =	strace s18  }
0x93: {  	s3 =	sld [smem:$0x3FFC];
	_ =	sdelay $0x3  }
0x94: {  	_ =	strace s3  }
0x95: {  	s3 =	sld [smem:$0x3FFD];
	_ =	sdelay $0x3  }
0x96: {  	_ =	strace s3  }
0x97: {  	_ =	strace $0x8FFFFFFF  }
0x98: {  	s19 =	sld [smem:$0x3FDB];
	_ =	sdelay $0x1  }
0x99: {  	s4 =	simm.s32 $_scs_section_size  }
0x9a: {  	s5 =	simm.s32 $_size__tile_overlayer_lowered;
	s6 =	simm.s32 $_tile_overlayer_lowered  }
0x9b: {  	s22 =	simm.s32 $0x1BFF;
	s21 =	sshll.u32 s6, $0x1;
	s3 =	sadd.s32 s4, s19  }
0x9c: {  	s7 =	simm.s32 $0x0;
	s20 =	sshll.u32 s5, $0x1;
	s5 =	sadd.s32 s21, s3  }
0x9d: {  	[timem:s7], [sflag:s22] =	dma.local [hbm:s5], s20  }
0x9e: {  	_ =	swait.ge [sflag:s22], s20  }
0x9f: {  	s4 =	ssub.s32 $0x0, s20;
	[sflag:s22] =	ssyncset.done $0x0  }
0xa0: {  	[sflag:s22] =	ssyncadd.s32 s4;
	_ =	sdelay $0x1  }
0xa1: {  	s23 =	simm.s32 $0x1B8B  }
0xa2: {  	_ =	swait.ge [sflag:s23], $0x1  }
0xa3: {  	[sflag:s23] =	ssyncset.done $0x0  }
0xa4: {  	s25 =	simm.s32 $0x1B8E;
	s24 =	sld [smem:$0x3FFE];
	[sflag:s23] =	ssyncadd.s32 $0xFFFFFFFF  }
0xa5: {  	s26 =	simm.s32 $execute0_lowered;
	[smem:$0x3FD2] =	sst s25  }
0xa6: {  	s5 =	sshll.u32 s26, $0x1;
	_ =	strace $0x80000049;
	[dreg:$0x1] =	wrdreg $0xFFFFFFFF  }
0xa7: {  	s28 =	simm.s32 $_size_execute0_lowered;
	s3 =	sadd.s32 s3, s5;
	[dreg:$0x0] =	wrdreg $0x0  }
0xa8: {  	s5 =	sshll.u32 s28, $0x1;
	[dreg:$0x2] =	wrdreg s3  }
0xa9: {  	[dreg:$0x3] =	wrdreg s5  }
0xaa: {  	[dreg:$0x4] =	wrdreg $0xC0  }
0xab: {  	_ =	task [dreg:s7], $0x5FFFF  }
0xac: {  	[dreg:$0x1] =	wrdreg $0xFFFFFFFF  }
0xad: {  	[dreg:$0x0] =	wrdreg $0x60  }
0xae: {  	[dreg:$0x2] =	wrdreg s24  }
0xaf: {  	[dreg:$0x3] =	wrdreg s2  }
0xb0: {  	[dreg:$0x4] =	wrdreg $0x8C000  }
0xb1: {  	[dreg:$0x5] =	wrdreg $0x9  }
0xb2: {  	_ =	task.clear_ibuf [dreg:s7], $0x6FFFF;
	_ =	strace $0x90000049  }
0xb3: {  	s29 =	simm.s32 $0x9;
	_ =	strace $0x8000004B  }
0xb4: {  	_ =	swait.ge [sflag:s29], $0x1  }
0xb5: {  	[sflag:s29] =	ssyncadd.s32 $0xFFFFFFFF  }
0xb6: {  	_ =	strace $0x9000004B  }
0xb7: {  	_ =	sfence  }
0xb8: {  	s30 =	sld [smem:$0x0];
	_ =	sdelay $0x2  }
0xb9: {  	s31 =	sshll.u32 s1, $0xD;
	s1 =	sshrl.u32 s1, $0x2  }
0xba: {  	s3 =	sand.u32 $0x4000, s31;
	s1 =	sadd.s32 s1, s30  }
0xbb: {  	s0 =	sor.u32 s3, s0;
	s1 =	sshll.u32 s1, $0x11  }
0xbc: {  	s0 =	sor.u32 s1, s0  }
0xbd: {  	s0 =	sadd.s32 $0x8F2B, s0  }
0xbe: {  	[sflag:s0] =	ssyncadd.remote.s32 $0x1  }
0xbf: {  	_ =	sfence.sel $0xFFFF  }
0xc0: {  	[dreg:$0x0] =	wrdreg $0xFFFFFFFF;
	(pc) =	sbr.abs _section_cstart, $3  }
0xc1: {  	[dreg:$0x1] =	wrdreg $0xFFFFFFFF  }
0xc2: {  	_ =	task.clear_ibuf [dreg:s7], $0x2FFFF;
	_ =	strace $0x9FFFFFFF  }
0xc3: {  	(tm) =	ssettm $0x7FFFFFFF  }
tec
execute0_lowered:
.L_overlay_start_1:
0x0: {  	(tag) =	ssettag $0x1  }
0x1: {  	s0 =	rddreg [dreg:$0x0]  }
0x2: {  	s2 =	rddreg [dreg:$0x1]  }
0x3: {  	s1 =	rddreg [dreg:$0x2];
	s11 =	stileid.u32  }
0x4: {  	s3 =	srdreg.scid;
	s7 =	smul.u32 $0x14000, s11  }
0x5: {  	s5 =	sand.u32 $0x1, s3;
	s3 =	simm.s32 $0x0;
	s16 =	smul.u32 $0x50000, s11  }
0x6: {  	s6 =	smul.u32 $0x140000, s5;
	[smem:$0x7FF] =	sst s3  }
0x7: {  	s8 =	sshll.u32 s5, $0x4;
	s12 =	ssub.s32 $0x2, s5;
	s5 =	smul.u32 $0x28000, s5  }
0x8: {  	_ =	strace $0x8000004A;
	s10 =	sshrl.u32 s12, $0x1;
	s21 =	sshrl.u32 s16, $0x2  }
0x9: {  	s8 =	sor.u32 s11, s8;
	s13 =	ssub.s32 s12, s10;
	s25 =	sadd.s32 s21, s1  }
0xa: {  	s11 =	smul.u32 $0x2800, s11;
	s23 =	smax.u32 s13, $0x1;
	[dreg:$0xc] =	wrdreg s25  }
0xb: {  	s26 =	sadd.s32 $0x800, s25;
	[dreg:$0xe] =	wrdreg s23  }
0xc: {  	s5 =	sadd.s32 s11, s5;
	s11 =	sadd.s32 $0x1000, s25;
	[dreg:$0xf] =	wrdreg s26  }
0xd: {  	s4 =	sadd.s32 $0xBC00, s0;
	s13 =	sadd.s32 $0x2000, s25;
	[dreg:$0x10] =	wrdreg s11  }
0xe: {  	s9 =	sadd.s32 $0x1C00, s0;
	s16 =	sadd.s32 $0x3800, s25;
	[dreg:$0x12] =	wrdreg s13  }
0xf: {  	s6 =	sadd.s32 s7, s6;
	[dreg:$0x15] =	wrdreg s16;
	s26 =	sadd.s32 $0x4000, s25  }
0x10: {  	s8 =	smul.u32 $0x2800, s8;
	s11 =	sadd.s32 $0x8800, s25;
	[dreg:$0x16] =	wrdreg s26  }
0x11: {  	s6 =	sshrl.u32 s6, $0x3;
	s13 =	sadd.s32 $0x9800, s25;
	[dreg:$0x1f] =	wrdreg s11  }
0x12: {  	s14 =	sshrl.u32 s8, $0x3;
	s16 =	sadd.s32 $0xB000, s25;
	[smem:$0x7E9] =	sst s13  }
0x13: {  	s0 =	sadd.s32 s6, s0;
	s8 =	sadd.s32 s9, s14;
	[smem:$0x7EC] =	sst s16  }
0x14: {  	s15 =	sor.u32 $0x10, s14;
	s12 =	sadd.s32 s2, s14;
	[dreg:$0x4] =	wrdreg s8  }
0x15: {  	s18 =	sor.u32 $0x20, s14;
	s0 =	sadd.s32 $0x33C00, s0;
	[dreg:$0x5] =	wrdreg s12  }
0x16: {  	s7 =	sor.u32 $0x30, s14;
	s14 =	sadd.s32 $0x2800, s25;
	[dreg:$0xd] =	wrdreg s0  }
0x17: {  	s26 =	sadd.s32 $0xB800, s25;
	[dreg:$0x13] =	wrdreg s14  }
0x18: {  	s11 =	sadd.s32 $0x10000, s25;
	[smem:$0x7ED] =	sst s26  }
0x19: {  	s13 =	sadd.s32 $0x11000, s25;
	[smem:$0x7F6] =	sst s11  }
0x1a: {  	s16 =	sadd.s32 $0x12800, s25;
	[smem:$0x7F8] =	sst s13  }
0x1b: {  	s17 =	sadd.s32 s9, s15;
	[smem:$0x7FB] =	sst s16  }
0x1c: {  	s8 =	sadd.s32 s2, s15;
	[dreg:$0x6] =	wrdreg s17  }
0x1d: {  	s19 =	sadd.s32 s9, s18;
	[dreg:$0x7] =	wrdreg s8  }
0x1e: {  	s29 =	simm.s32 $0x100;
	s20 =	sadd.s32 s9, s7;
	[dreg:$0x8] =	wrdreg s19  }
0x1f: {  	s30 =	simm.s32 $0x300;
	s7 =	sadd.s32 s2, s7;
	[dreg:$0xa] =	wrdreg s20  }
0x20: {  	s31 =	simm.s32 $0x180;
	s12 =	sadd.s32 $0x1800, s25;
	[dreg:$0xb] =	wrdreg s7  }
0x21: {  	s22 =	sor.u32 $0x380, s5;
	s15 =	sadd.s32 $0x3000, s25;
	[dreg:$0x11] =	wrdreg s12  }
0x22: {  	s28 =	sor.u32 $0x300, s5;
	s14 =	sadd.s32 $0xA000, s25;
	[dreg:$0x14] =	wrdreg s15  }
0x23: {  	s24 =	sshrl.u32 s22, $0x3;
	s26 =	sadd.s32 $0x13000, s25;
	[smem:$0x7EA] =	sst s14  }
0x24: {  	s0 =	simm.s32 $0x380;
	s8 =	sadd.s32 s2, s18;
	[smem:$0x7FC] =	sst s26  }
0x25: {  	s7 =	sshrl.u32 s28, $0x3;
	s28 =	sadd.s32 $0x4800, s25;
	[dreg:$0x9] =	wrdreg s8  }
0x26: {  	s11 =	simm.s32 $0x8;
	s12 =	sadd.s32 $0x9000, s25;
	[dreg:$0x17] =	wrdreg s28  }
0x27: {  	s16 =	simm.s32 $0x0;
	s15 =	sadd.s32 $0xA800, s25;
	[smem:$0x7E8] =	sst s12  }
0x28: {  	s14 =	sadd.s32 $0x11800, s25;
	s19 =	sadd.s32 s7, s2;
	[smem:$0x7EB] =	sst s15  }
0x29: {  	s20 =	sadd.s32 s7, s9;
	s7 =	sadd.s32 $0x6800, s25;
	[smem:$0x7F9] =	sst s14  }
0x2a: {  	s17 =	sadd.s32 s24, s2;
	s28 =	sadd.s32 $0xC000, s25;
	[dreg:$0x1b] =	wrdreg s7  }
0x2b: {  	s8 =	sor.u32 $0x280, s5;
	s12 =	sadd.s32 $0x10800, s25;
	[smem:$0x7EE] =	sst s28  }
0x2c: {  	s5 =	sor.u32 $0x200, s5;
	s15 =	sadd.s32 $0x12000, s25;
	[smem:$0x7F7] =	sst s12  }
0x2d: {  	s10 =	sshrl.u32 s5, $0x3;
	s5 =	sadd.s32 $0x5800, s25;
	[smem:$0x7FA] =	sst s15  }
0x2e: {  	s6 =	sshrl.u32 s8, $0x3;
	s8 =	sadd.s32 $0x7000, s25;
	[dreg:$0x19] =	wrdreg s5  }
0x2f: {  	s18 =	sadd.s32 s24, s9;
	s7 =	sadd.s32 $0xE000, s25;
	[dreg:$0x1c] =	wrdreg s8  }
0x30: {  	s28 =	sadd.s32 $0x13800, s25;
	s21 =	sadd.s32 s6, s2;
	[smem:$0x7F2] =	sst s7  }
0x31: {  	s23 =	sadd.s32 s10, s2;
	s2 =	sadd.s32 $0x5000, s25;
	[smem:$0x7FD] =	sst s28  }
0x32: {  	s22 =	sadd.s32 s6, s9;
	s6 =	sadd.s32 $0x6000, s25;
	[dreg:$0x18] =	wrdreg s2  }
0x33: {  	s24 =	sadd.s32 s10, s9;
	s9 =	sadd.s32 $0x7800, s25;
	[dreg:$0x1a] =	wrdreg s6  }
0x34: {  	s26 =	simm.s32 $0x80;
	s10 =	sadd.s32 $0x8000, s25;
	[dreg:$0x1d] =	wrdreg s9  }
0x35: {  	s14 =	simm.s32 $0x6;
	s5 =	sadd.s32 $0xD000, s25;
	[dreg:$0x1e] =	wrdreg s10  }
0x36: {  	s12 =	simm.s32 $0x3;
	s8 =	sadd.s32 $0xE800, s25;
	[smem:$0x7F0] =	sst s5  }
0x37: {  	s15 =	simm.s32 $0x4;
	s2 =	sadd.s32 $0xC800, s25;
	[smem:$0x7F3] =	sst s8  }
.Ltmp0:
0x38: {  	s6 =	sadd.s32 $0xD800, s25;
	[smem:$0x7EF] =	sst s2;
	(pc) =	sbr.rel .LBB2_1-.Ltmp0, $4  }
0x39: {  	s7 =	simm.s32 $0x2;
	s9 =	sadd.s32 $0xF000, s25;
	[smem:$0x7F1] =	sst s6  }
0x3a: {  	s10 =	sadd.s32 $0xF800, s25;
	s5 =	simm.s32 $0x1;
	[smem:$0x7F4] =	sst s9  }
0x3b: {  	s8 =	simm.s32 $0x4400;
	[smem:$0x7F5] =	sst s10;
	s2 =	simm.s32 $0x8400  }
0x3c: {  	v0 =	vimm.f32 $0.0e+00;
	s6 =	simm.s32 $0x400;
	s9 =	simm.s32 $0x7;
	s10 =	simm.s32 $0x5  }
.LBB2_8:
0x3d: {  	_ =	swait.ge [sflag:s14], $0x4000  }
0x3e: {  	[sflag:s14] =	ssyncset.done $0x0  }
0x3f: {  	[sflag:s14] =	ssyncadd.s32 $0xFFFFC000  }
0x40: {  	[spmem:s1] =	stream.indirect.scatter.add.f32 [tilespmem:s8], [sflag:$0x8], $0x80, s0, s26, $0xb8;
	[tilespmem:$0x1CC00] =	vst v63  }
0x41: {  	_ =	swait.ge [sflag:s11], $0x4000  }
0x42: {  	[sflag:s11] =	ssyncset.done $0x0  }
0x43: {  	[sflag:s11] =	ssyncadd.s32 $0xFFFFC000  }
0x44: {  	s13 =	stileid.u32;
	[bflag:$0x0] =	sbarrier.arrive $0xFFFF  }
0x45: {  	s13 =	sshll.u32 s13, $0x6;
	s25 =	rddreg [dreg:$0xc]  }
0x46: {  	s13 =	sor.u32 $0x1C08, s13;
	s28 =	rddreg [dreg:$0xd];
	s16 =	sshrl.u32 s25, $0x3  }
0x47: {  	[hbm:s28], [sflag:s13] =	dma.local [spmem:s16], $0x2800  }
0x48: {  	_ =	swait.ge [sflag:s11], $0x2800  }
0x49: {  	s13 =	sld [smem:$0x7E7];
	_ =	sdelay $0x2  }
0x4a: {  	s28 =	rddreg [dreg:$0xe];
	s16 =	sadd.s32 $0x1, s13  }
0x4b: {  	p0 =	sne.s32 s16, s28  }
.Ltmp1:
0x4c: {  	_ = 	snop;
	(pc) =	sbr.rel @!p0 .LBB2_9-.Ltmp1, $3  }
0x4d: {  	_ =	sdelay $0x1  }
0x4e: {  	[sflag:s11] =	ssyncset.done $0x0  }
0x4f: {  	[sflag:s11] =	ssyncadd.s32 $0xFFFFD800  }
.LBB2_1:
0x50: {  	[smem:$0x7E7] =	sst s16  }
0x51: {  	s13 =	rddreg [dreg:$0x4]  }
0x52: {  	[tilespmem:s3], [sflag:$0x1] =	stream.linear.gather [hbm4b:s13+s3], $0x80, $0x38;
	[tilespmem:$0x1CC00] =	vst v63  }
0x53: {  	s16 =	rddreg [dreg:$0x5];
	s28 =	simm.s32 $0x200  }
0x54: {  	[tilespmem:s28], [sflag:$0x1] =	stream.linear.gather [hbm4b:s16+s3], $0x80, $0x38;
	[tilespmem:$0x1CC00] =	vst v63  }
0x55: {  	s28 =	rddreg [dreg:$0x6]  }
0x56: {  	[tilespmem:s26], [sflag:$0x2] =	stream.linear.gather [hbm4b:s28+s3], $0x80, $0x38;
	[tilespmem:$0x1CC00] =	vst v63  }
0x57: {  	s16 =	rddreg [dreg:$0x7];
	s28 =	simm.s32 $0x280  }
0x58: {  	[tilespmem:s28], [sflag:$0x2] =	stream.linear.gather [hbm4b:s16+s3], $0x80, $0x38;
	[tilespmem:$0x1CC00] =	vst v63  }
0x59: {  	s16 =	rddreg [dreg:$0x8]  }
0x5a: {  	[tilespmem:s29], [sflag:$0x3] =	stream.linear.gather [hbm4b:s16+s3], $0x80, $0x38;
	[tilespmem:$0x1CC00] =	vst v63  }
0x5b: {  	s28 =	rddreg [dreg:$0x9]  }
0x5c: {  	[tilespmem:s30], [sflag:$0x3] =	stream.linear.gather [hbm4b:s28+s3], $0x80, $0x38;
	[tilespmem:$0x1CC00] =	vst v63  }
0x5d: {  	s16 =	rddreg [dreg:$0xa]  }
0x5e: {  	[tilespmem:s31], [sflag:$0x4] =	stream.linear.gather [hbm4b:s16+s3], $0x80, $0x38;
	[tilespmem:$0x1CC00] =	vst v63  }
0x5f: {  	s13 =	simm.s32 $0x0;
	s28 =	rddreg [dreg:$0xb];
	s16 =	simm.s32 $0x200  }
0x60: {  	[tilespmem:s0], [sflag:$0x4] =	stream.linear.gather [hbm4b:s28+s3], $0x80, $0x38;
	[tilespmem:$0x1CC00] =	vst v63  }
.LBB2_2:
0x61: {  	p0 =	sne.s32 s16, $0x1E00;
	[tilespmem:s13+$0x8470] =	vst v0  }
0x62: {  	[tilespmem:s13+$0x8400] =	vst v0  }
0x63: {  	[tilespmem:s13+$0x8410] =	vst v0  }
.Ltmp2:
0x64: {  	[tilespmem:s13+$0x8420] =	vst v0;
	(pc) =	sbr.rel @p0 .LBB2_2-.Ltmp2, $4  }
0x65: {  	[tilespmem:s13+$0x8430] =	vst v0  }
0x66: {  	[tilespmem:s13+$0x8440] =	vst v0  }
0x67: {  	[tilespmem:s13+$0x8450] =	vst v0  }
0x68: {  	[tilespmem:s13+$0x8460] =	vst v0;
	s13 =	sshra.s32 s16, $0x2;
	s16 =	sadd.s32 $0x200, s16  }
0x69: {  	[tilespmem:s13+$0x8470] =	vst v0  }
0x6a: {  	[tilespmem:s13+$0x8400] =	vst v0  }
0x6b: {  	[tilespmem:s13+$0x8410] =	vst v0  }
0x6c: {  	[tilespmem:s13+$0x8420] =	vst v0  }
0x6d: {  	[tilespmem:s13+$0x8430] =	vst v0  }
0x6e: {  	[tilespmem:s13+$0x8440] =	vst v0  }
0x6f: {  	[tilespmem:s13+$0x8450] =	vst v0  }
0x70: {  	[tilespmem:s13+$0x8460] =	vst v0;
	s16 =	rddreg [dreg:$0xf]  }
0x71: {  	[spmem:s25] =	stream.linear.scatter [tilespmem:s2], [sflag:$0x7], $0x800, $0x38;
	[tilespmem:$0x1CC00] =	vst v63  }
0x72: {  	s28 =	rddreg [dreg:$0x11]  }
0x73: {  	[spmem:s16] =	stream.linear.scatter [tilespmem:s2], [sflag:$0x7], $0x800, $0x38;
	[tilespmem:$0x1CC00] =	vst v63  }
0x74: {  	s25 =	rddreg [dreg:$0x10]  }
0x75: {  	[spmem:s25] =	stream.linear.scatter [tilespmem:s2], [sflag:$0x7], $0x800, $0x38;
	[tilespmem:$0x1CC00] =	vst v63  }
0x76: {  	s16 =	rddreg [dreg:$0x12]  }
0x77: {  	[spmem:s28] =	stream.linear.scatter [tilespmem:s2], [sflag:$0x7], $0x800, $0x38;
	[tilespmem:$0x1CC00] =	vst v63  }
0x78: {  	s25 =	rddreg [dreg:$0x13]  }
0x79: {  	[spmem:s16] =	stream.linear.scatter [tilespmem:s2], [sflag:$0x7], $0x800, $0x38;
	[tilespmem:$0x1CC00] =	vst v63  }
0x7a: {  	s28 =	rddreg [dreg:$0x14]  }
0x7b: {  	[spmem:s25] =	stream.linear.scatter [tilespmem:s2], [sflag:$0x7], $0x800, $0x38;
	[tilespmem:$0x1CC00] =	vst v63  }
0x7c: {  	s16 =	rddreg [dreg:$0x15]  }
0x7d: {  	[spmem:s28] =	stream.linear.scatter [tilespmem:s2], [sflag:$0x7], $0x800, $0x38;
	[tilespmem:$0x1CC00] =	vst v63  }
0x7e: {  	s25 =	rddreg [dreg:$0x16]  }
0x7f: {  	[spmem:s16] =	stream.linear.scatter [tilespmem:s2], [sflag:$0x7], $0x800, $0x38;
	[tilespmem:$0x1CC00] =	vst v63  }
0x80: {  	s28 =	rddreg [dreg:$0x17]  }
0x81: {  	[spmem:s25] =	stream.linear.scatter [tilespmem:s2], [sflag:$0x7], $0x800, $0x38;
	[tilespmem:$0x1CC00] =	vst v63  }
0x82: {  	s16 =	rddreg [dreg:$0x18]  }
0x83: {  	[spmem:s28] =	stream.linear.scatter [tilespmem:s2], [sflag:$0x7], $0x800, $0x38;
	[tilespmem:$0x1CC00] =	vst v63  }
0x84: {  	s25 =	rddreg [dreg:$0x19]  }
0x85: {  	[spmem:s16] =	stream.linear.scatter [tilespmem:s2], [sflag:$0x7], $0x800, $0x38;
	[tilespmem:$0x1CC00] =	vst v63  }
0x86: {  	s28 =	rddreg [dreg:$0x1a]  }
0x87: {  	[spmem:s25] =	stream.linear.scatter [tilespmem:s2], [sflag:$0x7], $0x800, $0x38;
	[tilespmem:$0x1CC00] =	vst v63  }
0x88: {  	s16 =	rddreg [dreg:$0x1b]  }
0x89: {  	[spmem:s28] =	stream.linear.scatter [tilespmem:s2], [sflag:$0x7], $0x800, $0x38;
	[tilespmem:$0x1CC00] =	vst v63  }
0x8a: {  	s25 =	rddreg [dreg:$0x1c]  }
0x8b: {  	[spmem:s16] =	stream.linear.scatter [tilespmem:s2], [sflag:$0x7], $0x800, $0x38;
	[tilespmem:$0x1CC00] =	vst v63  }
0x8c: {  	s28 =	rddreg [dreg:$0x1d]  }
0x8d: {  	[spmem:s25] =	stream.linear.scatter [tilespmem:s2], [sflag:$0x7], $0x800, $0x38;
	[tilespmem:$0x1CC00] =	vst v63  }
0x8e: {  	s16 =	rddreg [dreg:$0x1e]  }
0x8f: {  	[spmem:s28] =	stream.linear.scatter [tilespmem:s2], [sflag:$0x7], $0x800, $0x38;
	[tilespmem:$0x1CC00] =	vst v63  }
0x90: {  	s25 =	rddreg [dreg:$0x1f]  }
0x91: {  	[spmem:s16] =	stream.linear.scatter [tilespmem:s2], [sflag:$0x7], $0x800, $0x38;
	[tilespmem:$0x1CC00] =	vst v63  }
0x92: {  	s28 =	sld [smem:$0x7E8]  }
0x93: {  	[spmem:s25] =	stream.linear.scatter [tilespmem:s2], [sflag:$0x7], $0x800, $0x38;
	[tilespmem:$0x1CC00] =	vst v63  }
0x94: {  	s16 =	sld [smem:$0x7E9]  }
0x95: {  	[spmem:s28] =	stream.linear.scatter [tilespmem:s2], [sflag:$0x7], $0x800, $0x38;
	[tilespmem:$0x1CC00] =	vst v63  }
0x96: {  	s25 =	sld [smem:$0x7EA]  }
0x97: {  	[spmem:s16] =	stream.linear.scatter [tilespmem:s2], [sflag:$0x7], $0x800, $0x38;
	[tilespmem:$0x1CC00] =	vst v63  }
0x98: {  	s28 =	sld [smem:$0x7EB]  }
0x99: {  	[spmem:s25] =	stream.linear.scatter [tilespmem:s2], [sflag:$0x7], $0x800, $0x38;
	[tilespmem:$0x1CC00] =	vst v63  }
0x9a: {  	s16 =	sld [smem:$0x7EC]  }
0x9b: {  	[spmem:s28] =	stream.linear.scatter [tilespmem:s2], [sflag:$0x7], $0x800, $0x38;
	[tilespmem:$0x1CC00] =	vst v63  }
0x9c: {  	s25 =	sld [smem:$0x7ED]  }
0x9d: {  	[spmem:s16] =	stream.linear.scatter [tilespmem:s2], [sflag:$0x7], $0x800, $0x38;
	[tilespmem:$0x1CC00] =	vst v63  }
0x9e: {  	s28 =	sld [smem:$0x7EE]  }
0x9f: {  	[spmem:s25] =	stream.linear.scatter [tilespmem:s2], [sflag:$0x7], $0x800, $0x38;
	[tilespmem:$0x1CC00] =	vst v63  }
0xa0: {  	s16 =	sld [smem:$0x7EF]  }
0xa1: {  	[spmem:s28] =	stream.linear.scatter [tilespmem:s2], [sflag:$0x7], $0x800, $0x38;
	[tilespmem:$0x1CC00] =	vst v63  }
0xa2: {  	s25 =	sld [smem:$0x7F0]  }
0xa3: {  	[spmem:s16] =	stream.linear.scatter [tilespmem:s2], [sflag:$0x7], $0x800, $0x38;
	[tilespmem:$0x1CC00] =	vst v63  }
0xa4: {  	s28 =	sld [smem:$0x7F1]  }
0xa5: {  	[spmem:s25] =	stream.linear.scatter [tilespmem:s2], [sflag:$0x7], $0x800, $0x38;
	[tilespmem:$0x1CC00] =	vst v63  }
0xa6: {  	s16 =	sld [smem:$0x7F2]  }
0xa7: {  	[spmem:s28] =	stream.linear.scatter [tilespmem:s2], [sflag:$0x7], $0x800, $0x38;
	[tilespmem:$0x1CC00] =	vst v63  }
0xa8: {  	s25 =	sld [smem:$0x7F3]  }
0xa9: {  	[spmem:s16] =	stream.linear.scatter [tilespmem:s2], [sflag:$0x7], $0x800, $0x38;
	[tilespmem:$0x1CC00] =	vst v63  }
0xaa: {  	s28 =	sld [smem:$0x7F4]  }
0xab: {  	[spmem:s25] =	stream.linear.scatter [tilespmem:s2], [sflag:$0x7], $0x800, $0x38;
	[tilespmem:$0x1CC00] =	vst v63  }
0xac: {  	s16 =	sld [smem:$0x7F5]  }
0xad: {  	[spmem:s28] =	stream.linear.scatter [tilespmem:s2], [sflag:$0x7], $0x800, $0x38;
	[tilespmem:$0x1CC00] =	vst v63  }
0xae: {  	s25 =	sld [smem:$0x7F6]  }
0xaf: {  	[spmem:s16] =	stream.linear.scatter [tilespmem:s2], [sflag:$0x7], $0x800, $0x38;
	[tilespmem:$0x1CC00] =	vst v63  }
0xb0: {  	s28 =	sld [smem:$0x7F7]  }
0xb1: {  	[spmem:s25] =	stream.linear.scatter [tilespmem:s2], [sflag:$0x7], $0x800, $0x38;
	[tilespmem:$0x1CC00] =	vst v63  }
0xb2: {  	s16 =	sld [smem:$0x7F8]  }
0xb3: {  	[spmem:s28] =	stream.linear.scatter [tilespmem:s2], [sflag:$0x7], $0x800, $0x38;
	[tilespmem:$0x1CC00] =	vst v63  }
0xb4: {  	s25 =	sld [smem:$0x7F9]  }
0xb5: {  	[spmem:s16] =	stream.linear.scatter [tilespmem:s2], [sflag:$0x7], $0x800, $0x38;
	[tilespmem:$0x1CC00] =	vst v63  }
0xb6: {  	s28 =	sld [smem:$0x7FA]  }
0xb7: {  	[spmem:s25] =	stream.linear.scatter [tilespmem:s2], [sflag:$0x7], $0x800, $0x38;
	[tilespmem:$0x1CC00] =	vst v63  }
0xb8: {  	s16 =	sld [smem:$0x7FB]  }
0xb9: {  	[spmem:s28] =	stream.linear.scatter [tilespmem:s2], [sflag:$0x7], $0x800, $0x38;
	[tilespmem:$0x1CC00] =	vst v63  }
0xba: {  	s25 =	sld [smem:$0x7FC]  }
0xbb: {  	[spmem:s16] =	stream.linear.scatter [tilespmem:s2], [sflag:$0x7], $0x800, $0x38;
	[tilespmem:$0x1CC00] =	vst v63  }
0xbc: {  	s28 =	sld [smem:$0x7FD]  }
0xbd: {  	[spmem:s25] =	stream.linear.scatter [tilespmem:s2], [sflag:$0x7], $0x800, $0x38;
	[tilespmem:$0x1CC00] =	vst v63  }
0xbe: {  	_ = 	snop  }
0xbf: {  	[spmem:s28] =	stream.linear.scatter [tilespmem:s2], [sflag:$0x7], $0x800, $0x38;
	[tilespmem:$0x1CC00] =	vst v63  }
0xc0: {  	_ =	swait.ge [sflag:s5], $0x80  }
0xc1: {  	[sflag:s5] =	ssyncset.done $0x0  }
0xc2: {  	[sflag:s5] =	ssyncadd.s32 $0xFFFFFF80  }
0xc3: {  	_ =	swait.ge [sflag:s5], $0x80  }
0xc4: {  	[sflag:s5] =	ssyncset.done $0x0  }
0xc5: {  	[sflag:s5] =	ssyncadd.s32 $0xFFFFFF80  }
0xc6: {  	[tilespmem:s6], [sflag:$0x5] =	stream.indirect.gather [hbm4b:s4+s26], $0x80, s3, s26, $0xb8;
	[tilespmem:$0x1CC00] =	vst v63  }
0xc7: {  	_ =	swait.ge [sflag:s7], $0x80  }
0xc8: {  	[sflag:s7] =	ssyncset.done $0x0  }
0xc9: {  	[sflag:s7] =	ssyncadd.s32 $0xFFFFFF80  }
0xca: {  	_ =	swait.ge [sflag:s7], $0x80  }
0xcb: {  	[sflag:s7] =	ssyncset.done $0x0  }
0xcc: {  	[sflag:s7] =	ssyncadd.s32 $0xFFFFFF80  }
0xcd: {  	[tilespmem:s8], [sflag:$0x6] =	stream.indirect.gather [hbm4b:s4+s26], $0x80, s26, s26, $0xb8;
	[tilespmem:$0x1CC00] =	vst v63  }
0xce: {  	_ =	swait.ge [sflag:s9], $0x800  }
0xcf: {  	s13 =	simm.s32 $0x27;
	[sflag:s9] =	ssyncset.done $0x0  }
.LBB2_4:
0xd0: {  	p0 =	sne.s32 s13, $0x1;
	s13 =	sadd.s32 $0xFFFFFFFF, s13;
	[sflag:s9] =	ssyncadd.s32 $0xFFFFF800  }
.Ltmp3:
0xd1: {  	(pc) =	sbr.rel @p0 .LBB2_4-.Ltmp3, $3  }
0xd2: {  	_ =	sdelay $0x1  }
0xd3: {  	_ =	swait.ge [sflag:s9], $0x800  }
0xd4: {  	[sflag:s9] =	ssyncset.done $0x0  }
0xd5: {  	[sflag:s9] =	ssyncadd.s32 $0xFFFFF800  }
0xd6: {  	s13 =	simm.s32 $0x0;
	[bflag:$0x0] =	sbarrier.arrive $0xFFFF  }
.LBB2_6:
0xd7: {  	_ =	swait.ge [sflag:s10], $0x4000  }
0xd8: {  	[sflag:s10] =	ssyncset.done $0x0  }
0xd9: {  	s16 =	simm.s32 $0x200;
	[sflag:s10] =	ssyncadd.s32 $0xFFFFC000  }
0xda: {  	[spmem:s1] =	stream.indirect.scatter.add.f32 [tilespmem:s6], [sflag:$0x8], $0x80, s16, s26, $0xb8;
	[tilespmem:$0x1CC00] =	vst v63  }
0xdb: {  	_ =	swait.ge [sflag:s11], $0x4000  }
0xdc: {  	p0 =	seq.s32 s13, $0x4C0;
	[sflag:s11] =	ssyncset.done $0x0  }
0xdd: {  	s25 =	simm.s32 @!p0 $0x0;
	s16 =	sadd.s32 @!p0 s13, s24;
	[sflag:s11] =	ssyncadd.s32 $0xFFFFC000  }
0xde: {  	[tilespmem:s25], [sflag:$0x1] =	stream.linear.gather @!p0 [hbm4b:s16+s25], $0x80, $0x38;
	[tilespmem:$0x1CC00] =	vst v63  }
0xdf: {  	s28 =	simm.s32 @!p0 $0x200;
	s16 =	sadd.s32 @!p0 s13, s23  }
0xe0: {  	[tilespmem:s28], [sflag:$0x1] =	stream.linear.gather @!p0 [hbm4b:s16+s25], $0x80, $0x38;
	[tilespmem:$0x1CC00] =	vst v63  }
0xe1: {  	_ =	swait.ge [sflag:s12], $0x80  }
0xe2: {  	[sflag:s12] =	ssyncset.done $0x0  }
0xe3: {  	[sflag:s12] =	ssyncadd.s32 $0xFFFFFF80  }
0xe4: {  	_ =	swait.ge [sflag:s12], $0x80  }
0xe5: {  	[sflag:s12] =	ssyncset.done $0x0  }
0xe6: {  	[sflag:s12] =	ssyncadd.s32 $0xFFFFFF80  }
0xe7: {  	[tilespmem:s6], [sflag:$0x5] =	stream.indirect.gather [hbm4b:s4+s26], $0x80, s29, s26, $0xb8;
	[tilespmem:$0x1CC00] =	vst v63  }
0xe8: {  	_ =	swait.ge [sflag:s14], $0x4000  }
0xe9: {  	[sflag:s14] =	ssyncset.done $0x0  }
0xea: {  	s28 =	simm.s32 $0x280;
	[sflag:s14] =	ssyncadd.s32 $0xFFFFC000  }
0xeb: {  	[spmem:s1] =	stream.indirect.scatter.add.f32 [tilespmem:s8], [sflag:$0x8], $0x80, s28, s26, $0xb8;
	[tilespmem:$0x1CC00] =	vst v63  }
0xec: {  	_ =	swait.ge [sflag:s11], $0x4000  }
0xed: {  	[sflag:s11] =	ssyncset.done $0x0  }
0xee: {  	s16 =	sadd.s32 @!p0 s13, s22;
	s28 =	simm.s32 @!p0 $0x80;
	[sflag:s11] =	ssyncadd.s32 $0xFFFFC000  }
0xef: {  	[tilespmem:s28], [sflag:$0x2] =	stream.linear.gather @!p0 [hbm4b:s16+s25], $0x80, $0x38;
	[tilespmem:$0x1CC00] =	vst v63  }
0xf0: {  	s16 =	sadd.s32 @!p0 s13, s21;
	s28 =	simm.s32 @!p0 $0x280  }
0xf1: {  	[tilespmem:s28], [sflag:$0x2] =	stream.linear.gather @!p0 [hbm4b:s16+s25], $0x80, $0x38;
	[tilespmem:$0x1CC00] =	vst v63  }
0xf2: {  	_ =	swait.ge [sflag:s15], $0x80  }
0xf3: {  	[sflag:s15] =	ssyncset.done $0x0  }
0xf4: {  	[sflag:s15] =	ssyncadd.s32 $0xFFFFFF80  }
0xf5: {  	_ =	swait.ge [sflag:s15], $0x80  }
0xf6: {  	[sflag:s15] =	ssyncset.done $0x0  }
0xf7: {  	[sflag:s15] =	ssyncadd.s32 $0xFFFFFF80  }
0xf8: {  	[tilespmem:s8], [sflag:$0x6] =	stream.indirect.gather [hbm4b:s4+s26], $0x80, s31, s26, $0xb8;
	[tilespmem:$0x1CC00] =	vst v63  }
0xf9: {  	_ =	swait.ge [sflag:s10], $0x4000  }
0xfa: {  	[sflag:s10] =	ssyncset.done $0x0  }
.Ltmp4:
0xfb: {  	[sflag:s10] =	ssyncadd.s32 $0xFFFFC000;
	(pc) =	sbr.rel @p0 .LBB2_8-.Ltmp4, $4  }
0xfc: {  	[spmem:s1] =	stream.indirect.scatter.add.f32 [tilespmem:s6], [sflag:$0x8], $0x80, s30, s26, $0xb8;
	[tilespmem:$0x1CC00] =	vst v63  }
0xfd: {  	_ =	swait.ge [sflag:s11], $0x4000  }
0xfe: {  	[sflag:s11] =	ssyncset.done $0x0  }
0xff: {  	[sflag:s11] =	ssyncadd.s32 $0xFFFFC000  }
0x100: {  	s16 =	sadd.s32 s13, s20  }
0x101: {  	[tilespmem:s29], [sflag:$0x3] =	stream.linear.gather [hbm4b:s16+s3], $0x80, $0x38;
	[tilespmem:$0x1CC00] =	vst v63  }
0x102: {  	s28 =	sadd.s32 s13, s19  }
0x103: {  	[tilespmem:s30], [sflag:$0x3] =	stream.linear.gather [hbm4b:s28+s3], $0x80, $0x38;
	[tilespmem:$0x1CC00] =	vst v63  }
0x104: {  	_ =	swait.ge [sflag:s5], $0x80  }
0x105: {  	[sflag:s5] =	ssyncset.done $0x0  }
0x106: {  	[sflag:s5] =	ssyncadd.s32 $0xFFFFFF80  }
0x107: {  	_ =	swait.ge [sflag:s5], $0x80  }
0x108: {  	[sflag:s5] =	ssyncset.done $0x0  }
0x109: {  	[sflag:s5] =	ssyncadd.s32 $0xFFFFFF80  }
0x10a: {  	[tilespmem:s6], [sflag:$0x5] =	stream.indirect.gather [hbm4b:s4+s26], $0x80, s3, s26, $0xb8;
	[tilespmem:$0x1CC00] =	vst v63  }
0x10b: {  	_ =	swait.ge [sflag:s14], $0x4000  }
0x10c: {  	[sflag:s14] =	ssyncset.done $0x0  }
0x10d: {  	[sflag:s14] =	ssyncadd.s32 $0xFFFFC000  }
0x10e: {  	[spmem:s1] =	stream.indirect.scatter.add.f32 [tilespmem:s8], [sflag:$0x8], $0x80, s0, s26, $0xb8;
	[tilespmem:$0x1CC00] =	vst v63  }
0x10f: {  	_ =	swait.ge [sflag:s11], $0x4000  }
0x110: {  	[sflag:s11] =	ssyncset.done $0x0  }
0x111: {  	s25 =	sadd.s32 s13, s18;
	[sflag:s11] =	ssyncadd.s32 $0xFFFFC000  }
0x112: {  	[tilespmem:s31], [sflag:$0x4] =	stream.linear.gather [hbm4b:s25+s3], $0x80, $0x38;
	[tilespmem:$0x1CC00] =	vst v63  }
0x113: {  	s28 =	sadd.s32 s13, s17  }
0x114: {  	[tilespmem:s0], [sflag:$0x4] =	stream.linear.gather [hbm4b:s28+s3], $0x80, $0x38;
	[tilespmem:$0x1CC00] =	vst v63  }
0x115: {  	_ =	swait.ge [sflag:s7], $0x80  }
0x116: {  	[sflag:s7] =	ssyncset.done $0x0  }
.Ltmp5:
0x117: {  	[sflag:s7] =	ssyncadd.s32 $0xFFFFFF80;
	(pc) =	sbr.rel .LBB2_6-.Ltmp5, $4  }
0x118: {  	_ =	swait.ge [sflag:s7], $0x80  }
0x119: {  	[sflag:s7] =	ssyncset.done $0x0  }
0x11a: {  	s13 =	sadd.s32 $0x40, s13;
	[sflag:s7] =	ssyncadd.s32 $0xFFFFFF80  }
0x11b: {  	[tilespmem:s8], [sflag:$0x6] =	stream.indirect.gather [hbm4b:s4+s26], $0x80, s26, s26, $0xb8;
	[tilespmem:$0x1CC00] =	vst v63  }
.LBB2_9:
0x11c: {  	_ =	sfence.sel $0x180000  }
0x11d: {  	[bflag:$0x0] =	sbarrier.arrive $0xFFFF  }
0x11e: {  	_ =	strace $0x9000004A  }
0x11f: {  	s0 =	stileid.u32;
	[bflag:$0x2] =	sbarrier.arrive $0xFFFF  }
0x120: {  	p0 =	sne.s32 s0, $0x0;
	s0 =	rddreg [dreg:$0x3]  }
0x121: {  	s0 =	sadd.s32 @!p0 $0x100000, s0  }
0x122: {  	[sflag:s0] =	ssyncadd.tile.s32 @!p0 $0x1;
	_ =	shalt  }
.Lfunc_end2:
_tile_overlayer_lowered:
.L_overlay_start_2:
0x123: {  	(tag) =	ssettag $0x2  }
0x124: {  	s0 =	rddreg [dreg:$0x0];
	s2 =	stileid.u32  }
0x125: {  	s1 =	rddreg [dreg:$0x1];
	p0 =	sne.s32 s2, $0x0  }
0x126: {  	s3 =	rddreg [dreg:$0x2];
	[bflag:$0x3] =	sbarrier.arrive $0xFFFF;
	s2 =	simm.s32 @!p0 $0x1C08  }
0x127: {  	[timem:s3], [sflag:s2] =	dma.local @!p0 [hbm:s0], s1  }
0x128: {  	s0 =	simm.s32 @!p0 $0x8  }
0x129: {  	_ =	swait.ge @!p0 [sflag:s0], s1  }
0x12a: {  	s1 =	ssub.s32 @!p0 $0x0, s1;
	[sflag:s0] =	ssyncset.done @!p0 $0x0  }
0x12b: {  	[sflag:s0] =	ssyncadd.s32 @!p0 s1  }
0x12c: {  	[bflag:$0x3] =	sbarrier.arrive $0xFFFF  }
0x12d: {  	_ =	shalt  }

// kernel: kernel.14.cloned.1.call-start
scs
__scs_entry_jumppad:
0x0: {  	(pc) =	sbr.rel $0x88, $3  }
0x1: {  	(tag) =	ssettag $0x0;
	lr =	simm.s32 $0x1  }
0x2: {  	[smem:$0x3F9D] =	sst lr;
	_ =	strace $0xD0000000  }
0x3: {  	_ = 	snop  }
0x4: {  	_ = 	snop  }
0x5: {  	_ = 	snop  }
0x6: {  	_ = 	snop  }
0x7: {  	_ = 	snop  }
__scs_overlays_trampoline_lowered:
0x8: {  	[smem:$0x3FAC] =	sst s0  }
0x9: {  	[smem:$0x3FAD] =	sst s1  }
0xa: {  	[smem:$0x3FAE] =	sst s2  }
0xb: {  	[smem:$0x3FAF] =	sst s3  }
0xc: {  	[smem:$0x3FB0] =	sst s4  }
0xd: {  	[smem:$0x3FB1] =	sst s5  }
0xe: {  	[smem:$0x3FB2] =	sst s6  }
0xf: {  	[smem:$0x3FB3] =	sst s7  }
0x10: {  	[smem:$0x3FB4] =	sst s8  }
0x11: {  	[smem:$0x3FB5] =	sst s9;
	s0 =	simm.s32 @!p0 $0x0  }
0x12: {  	s1 =	sld [smem:$0x3F9B];
	s0 =	simm.s32 @p0 $0x1  }
0x13: {  	[smem:$0x3FB6] =	sst s0;
	s0 =	simm.s32 @!p1 $0x0  }
0x14: {  	s2 =	sld [smem:$0x3F9A];
	s0 =	simm.s32 @p1 $0x1  }
0x15: {  	[smem:$0x3FB7] =	sst s0;
	s0 =	simm.s32 @!p2 $0x0  }
0x16: {  	s3 =	sld [smem:$0x3FDB];
	s0 =	simm.s32 @p2 $0x1  }
0x17: {  	s4 =	simm.s32 $0x1BF5;
	[smem:$0x3FB9] =	sst s0  }
0x18: {  	s0 =	sld [smem:$0x3F9C];
	_ =	swait.ge [sflag:s4], $0x0  }
0x19: {  	s7 =	sld [smem:$0x3F9D]  }
0x1a: {  	s8 =	sadd.s32 $0xFFFFE003, lr  }
0x1b: {  	s9 =	sadd.s32 $0xFFFFFEF7, lr;
	s5 =	simm.s32 $0xFFFFFFFF;
	p2 =	slt.u32 s8, $0xFFFFF086  }
0x1c: {  	p1 =	slt.u32 s9, $0xF7A;
	s5 =	simm.s32 @!p2 $0x0  }
0x1d: {  	s5 =	simm.s32 @p1 $0x1;
	p0 =	seq.s32 s7, s2  }
0x1e: {  	s7 =	smul.u32 @!p0 $0xF7A, s2;
	p2 =	seq.s32 @!p0 s5, $0x0  }
0x1f: {  	s9 =	smul.u32 $0xF7A, s1;
	s8 =	simm.s32 @!p0 $0x1BF5;
	p2 =	por !p2, p0  }
0x20: {  	[sflag:s8] =	ssyncset.s32 @!p0 $0xFFFFF086;
	s6 =	sadd.s32 @!p0 s3, s7;
	s7 =	simm.s32 @!p0 $0x108  }
0x21: {  	s3 =	sadd.s32 s3, s9;
	s6 =	sadd.s32 @!p0 $0x88, s6;
	s7 =	simm.s32 @p2 $0x1082  }
0x22: {  	[simem:s7], [sflag:s8] =	dma.local @!p0 [hbm:s6], $0xF7A  }
0x23: {  	s9 =	sor.u32 $0xD0000000, s2;
	s6 =	simm.s32 $0x108;
	_ =	swait.ge @!p0 [sflag:s8], $0x0  }
0x24: {  	s3 =	sadd.s32 $0x88, s3;
	s6 =	simm.s32 @!p1 $0x1082;
	[sflag:s4] =	ssyncset.s32 $0xFFFFF086  }
0x25: {  	[simem:s6], [sflag:s4] =	dma.local [hbm:s3], $0xF7A  }
0x26: {  	[smem:$0x3F9D] =	sst s1;
	(tag) =	ssettag s2;
	_ =	strace s9  }
0x27: {  	s1 =	sld [smem:$0x3FAD]  }
0x28: {  	s2 =	sld [smem:$0x3FAE]  }
0x29: {  	s4 =	sld [smem:$0x3FB0]  }
0x2a: {  	p0 =	seq.s32 s5, $0x0;
	s5 =	sld [smem:$0x3FB1]  }
0x2b: {  	s6 =	sld [smem:$0x3FB2]  }
0x2c: {  	s7 =	sld [smem:$0x3FB3]  }
0x2d: {  	s3 =	simm.s32 $0x108;
	s8 =	sld [smem:$0x3FB4]  }
0x2e: {  	s3 =	simm.s32 @!p0 $0x1082;
	s9 =	sld [smem:$0x3FB5]  }
0x2f: {  	lr =	sadd.s32 s0, s3;
	s0 =	sld [smem:$0x3FAC]  }
0x30: {  	s3 =	sld [smem:$0x3FAF]  }
0x31: {  	[smem:$0x3FB8] =	sst s10  }
0x32: {  	s10 =	sld [smem:$0x3FB6];
	_ =	sdelay $0x3  }
0x33: {  	p0 =	seq.s32 s10, $0x1;
	s10 =	sld [smem:$0x3FB8];
	_ =	sdelay $0x3  }
0x34: {  	[smem:$0x3FB8] =	sst s10  }
0x35: {  	s10 =	sld [smem:$0x3FB7];
	_ =	sdelay $0x3  }
0x36: {  	p1 =	seq.s32 s10, $0x1;
	s10 =	sld [smem:$0x3FB8];
	_ =	sdelay $0x3  }
0x37: {  	[smem:$0x3FB8] =	sst s10  }
0x38: {  	s10 =	sld [smem:$0x3FB9]  }
0x39: {  	_ = 	snop;
	(pc) =	sbr.ind lr, $3  }
0x3a: {  	_ = 	snop  }
0x3b: {  	_ = 	snop  }
0x3c: {  	p2 =	seq.s32 s10, $0x1;
	s10 =	sld [smem:$0x3FB8]  }
0x3d: {  	_ =	shalt  }
0x3e: {  	_ =	shalt  }
0x3f: {  	_ =	shalt  }
0x40: {  	_ =	shalt  }
0x41: {  	_ =	shalt  }
0x42: {  	_ =	shalt  }
0x43: {  	_ =	shalt  }
0x44: {  	_ =	shalt  }
0x45: {  	_ =	shalt  }
0x46: {  	_ =	shalt  }
0x47: {  	_ =	shalt  }
0x48: {  	_ =	shalt  }
0x49: {  	_ =	shalt  }
0x4a: {  	_ =	shalt  }
0x4b: {  	_ =	shalt  }
0x4c: {  	_ =	shalt  }
0x4d: {  	_ =	shalt  }
0x4e: {  	_ =	shalt  }
0x4f: {  	_ =	shalt  }
0x50: {  	_ =	shalt  }
0x51: {  	_ =	shalt  }
0x52: {  	_ =	shalt  }
0x53: {  	_ =	shalt  }
0x54: {  	_ =	shalt  }
0x55: {  	_ =	shalt  }
0x56: {  	_ =	shalt  }
0x57: {  	_ =	shalt  }
0x58: {  	_ =	shalt  }
0x59: {  	_ =	shalt  }
0x5a: {  	_ =	shalt  }
0x5b: {  	_ =	shalt  }
0x5c: {  	_ =	shalt  }
0x5d: {  	_ =	shalt  }
0x5e: {  	_ =	shalt  }
0x5f: {  	_ =	shalt  }
0x60: {  	_ =	shalt  }
0x61: {  	_ =	shalt  }
0x62: {  	_ =	shalt  }
0x63: {  	_ =	shalt  }
0x64: {  	_ =	shalt  }
0x65: {  	_ =	shalt  }
0x66: {  	_ =	shalt  }
0x67: {  	_ =	shalt  }
0x68: {  	_ =	shalt  }
0x69: {  	_ =	shalt  }
0x6a: {  	_ =	shalt  }
0x6b: {  	_ =	shalt  }
0x6c: {  	_ =	shalt  }
0x6d: {  	_ =	shalt  }
0x6e: {  	_ =	shalt  }
0x6f: {  	_ =	shalt  }
0x70: {  	_ =	shalt  }
0x71: {  	_ =	shalt  }
0x72: {  	_ =	shalt  }
0x73: {  	_ =	shalt  }
0x74: {  	_ =	shalt  }
0x75: {  	_ =	shalt  }
0x76: {  	_ =	shalt  }
0x77: {  	_ =	shalt  }
0x78: {  	_ =	shalt  }
0x79: {  	_ =	shalt  }
0x7a: {  	_ =	shalt  }
0x7b: {  	_ =	shalt  }
0x7c: {  	_ =	shalt  }
0x7d: {  	_ =	shalt  }
0x7e: {  	_ =	shalt  }
0x7f: {  	_ =	shalt  }
0x80: {  	_ =	shalt  }
0x81: {  	_ =	shalt  }
0x82: {  	_ =	shalt  }
0x83: {  	_ =	shalt  }
0x84: {  	_ =	shalt  }
0x85: {  	_ =	shalt  }
0x86: {  	_ =	shalt  }
0x87: {  	_ =	shalt  }
.Lfunc_end0:
.L_simem_size_0:
called_computation.2_lowered:
.L_overlay_start_0:
0x88: {  	s2 =	sld [smem:$0x3FD9]  }
0x89: {  	s3 =	sld [smem:$0x3FFE];
	_ =	sdelay $0x1  }
0x8a: {  	s1 =	srdreg.scid  }
0x8b: {  	s0 =	sand.u32 $0x1, s1  }
0x8c: {  	s17 =	sshll.u32 s0, $0xA;
	s2 =	sadd.s32 s3, s2  }
0x8d: {  	s2 =	sadd.s32 s2, s17  }
0x8e: {  	[smem:$0x3FC4] =	sst s2  }
0x8f: {  	_ = 	snop  }
0x90: {  	s2 =	sld [smem:$0x3FD0];
	(tm) =	ssettm $0x1  }
0x91: {  	s18 =	sld [smem:$0x3FFB];
	_ =	sdelay $0x3  }
0x92: {  	_ =	strace s18  }
0x93: {  	s3 =	sld [smem:$0x3FFC];
	_ =	sdelay $0x3  }
0x94: {  	_ =	strace s3  }
0x95: {  	s3 =	sld [smem:$0x3FFD];
	_ =	sdelay $0x3  }
0x96: {  	_ =	strace s3  }
0x97: {  	_ =	strace $0x8FFFFFFF  }
0x98: {  	s19 =	sld [smem:$0x3FDB];
	_ =	sdelay $0x1  }
0x99: {  	s4 =	simm.s32 $_scs_section_size  }
0x9a: {  	s5 =	simm.s32 $_size__tile_overlayer_lowered;
	s6 =	simm.s32 $_tile_overlayer_lowered  }
0x9b: {  	s22 =	simm.s32 $0x1BFF;
	s21 =	sshll.u32 s6, $0x1;
	s3 =	sadd.s32 s4, s19  }
0x9c: {  	s7 =	simm.s32 $0x0;
	s20 =	sshll.u32 s5, $0x1;
	s5 =	sadd.s32 s21, s3  }
0x9d: {  	[timem:s7], [sflag:s22] =	dma.local [hbm:s5], s20  }
0x9e: {  	_ =	swait.ge [sflag:s22], s20  }
0x9f: {  	s4 =	ssub.s32 $0x0, s20;
	[sflag:s22] =	ssyncset.done $0x0  }
0xa0: {  	[sflag:s22] =	ssyncadd.s32 s4;
	_ =	sdelay $0x1  }
0xa1: {  	s23 =	simm.s32 $0x1B8B  }
0xa2: {  	_ =	swait.ge [sflag:s23], $0x1  }
0xa3: {  	[sflag:s23] =	ssyncset.done $0x0  }
0xa4: {  	s25 =	simm.s32 $0x1B8E;
	s24 =	sld [smem:$0x3FFE];
	[sflag:s23] =	ssyncadd.s32 $0xFFFFFFFF  }
0xa5: {  	s26 =	simm.s32 $execute0_lowered;
	[smem:$0x3FD2] =	sst s25  }
0xa6: {  	s5 =	sshll.u32 s26, $0x1;
	_ =	strace $0x8000004C;
	[dreg:$0x1] =	wrdreg $0xFFFFFFFF  }
0xa7: {  	s28 =	simm.s32 $_size_execute0_lowered;
	s3 =	sadd.s32 s3, s5;
	[dreg:$0x0] =	wrdreg $0x0  }
0xa8: {  	s5 =	sshll.u32 s28, $0x1;
	[dreg:$0x2] =	wrdreg s3  }
0xa9: {  	[dreg:$0x3] =	wrdreg s5  }
0xaa: {  	[dreg:$0x4] =	wrdreg $0xC0  }
0xab: {  	_ =	task [dreg:s7], $0x5FFFF  }
0xac: {  	[dreg:$0x1] =	wrdreg $0xFFFFFFFF  }
0xad: {  	[dreg:$0x0] =	wrdreg $0x60  }
0xae: {  	[dreg:$0x2] =	wrdreg s24  }
0xaf: {  	[dreg:$0x3] =	wrdreg s2  }
0xb0: {  	[dreg:$0x4] =	wrdreg $0x8C000  }
0xb1: {  	[dreg:$0x5] =	wrdreg $0x9  }
0xb2: {  	_ =	task.clear_ibuf [dreg:s7], $0x6FFFF;
	_ =	strace $0x9000004C  }
0xb3: {  	s29 =	simm.s32 $0x9;
	_ =	strace $0x8000004E  }
0xb4: {  	_ =	swait.ge [sflag:s29], $0x1  }
0xb5: {  	[sflag:s29] =	ssyncadd.s32 $0xFFFFFFFF  }
0xb6: {  	_ =	strace $0x9000004E  }
0xb7: {  	_ =	sfence  }
0xb8: {  	s30 =	sld [smem:$0x0];
	_ =	sdelay $0x2  }
0xb9: {  	s31 =	sshll.u32 s1, $0xD;
	s1 =	sshrl.u32 s1, $0x2  }
0xba: {  	s3 =	sand.u32 $0x4000, s31;
	s1 =	sadd.s32 s1, s30  }
0xbb: {  	s0 =	sor.u32 s3, s0;
	s1 =	sshll.u32 s1, $0x11  }
0xbc: {  	s0 =	sor.u32 s1, s0  }
0xbd: {  	s0 =	sadd.s32 $0x8F2B, s0  }
0xbe: {  	[sflag:s0] =	ssyncadd.remote.s32 $0x1  }
0xbf: {  	_ =	sfence.sel $0xFFFF  }
0xc0: {  	[dreg:$0x0] =	wrdreg $0xFFFFFFFF;
	(pc) =	sbr.abs _section_cstart, $3  }
0xc1: {  	[dreg:$0x1] =	wrdreg $0xFFFFFFFF  }
0xc2: {  	_ =	task.clear_ibuf [dreg:s7], $0x2FFFF;
	_ =	strace $0x9FFFFFFF  }
0xc3: {  	(tm) =	ssettm $0x7FFFFFFF  }
tec
execute0_lowered:
.L_overlay_start_1:
0x0: {  	(tag) =	ssettag $0x1  }
0x1: {  	s0 =	rddreg [dreg:$0x0]  }
0x2: {  	s2 =	rddreg [dreg:$0x1]  }
0x3: {  	s1 =	rddreg [dreg:$0x2];
	s11 =	stileid.u32  }
0x4: {  	s3 =	srdreg.scid;
	s7 =	smul.u32 $0x14000, s11  }
0x5: {  	s5 =	sand.u32 $0x1, s3;
	s3 =	simm.s32 $0x0;
	s16 =	smul.u32 $0x50000, s11  }
0x6: {  	s6 =	smul.u32 $0x140000, s5;
	[smem:$0x7FF] =	sst s3  }
0x7: {  	s8 =	sshll.u32 s5, $0x4;
	s12 =	ssub.s32 $0x2, s5;
	s5 =	smul.u32 $0x28000, s5  }
0x8: {  	_ =	strace $0x8000004D;
	s10 =	sshrl.u32 s12, $0x1;
	s21 =	sshrl.u32 s16, $0x2  }
0x9: {  	s8 =	sor.u32 s11, s8;
	s13 =	ssub.s32 s12, s10;
	s25 =	sadd.s32 s21, s1  }
0xa: {  	s11 =	smul.u32 $0x2800, s11;
	s23 =	smax.u32 s13, $0x1;
	[dreg:$0xc] =	wrdreg s25  }
0xb: {  	s26 =	sadd.s32 $0x800, s25;
	[dreg:$0xe] =	wrdreg s23  }
0xc: {  	s5 =	sadd.s32 s11, s5;
	s11 =	sadd.s32 $0x1000, s25;
	[dreg:$0xf] =	wrdreg s26  }
0xd: {  	s4 =	sadd.s32 $0xBC00, s0;
	s13 =	sadd.s32 $0x2000, s25;
	[dreg:$0x10] =	wrdreg s11  }
0xe: {  	s9 =	sadd.s32 $0x1C00, s0;
	s16 =	sadd.s32 $0x3800, s25;
	[dreg:$0x12] =	wrdreg s13  }
0xf: {  	s6 =	sadd.s32 s7, s6;
	[dreg:$0x15] =	wrdreg s16;
	s26 =	sadd.s32 $0x4000, s25  }
0x10: {  	s8 =	smul.u32 $0x2800, s8;
	s11 =	sadd.s32 $0x8800, s25;
	[dreg:$0x16] =	wrdreg s26  }
0x11: {  	s6 =	sshrl.u32 s6, $0x3;
	s13 =	sadd.s32 $0x9800, s25;
	[dreg:$0x1f] =	wrdreg s11  }
0x12: {  	s14 =	sshrl.u32 s8, $0x3;
	s16 =	sadd.s32 $0xB000, s25;
	[smem:$0x7E9] =	sst s13  }
0x13: {  	s0 =	sadd.s32 s6, s0;
	s8 =	sadd.s32 s9, s14;
	[smem:$0x7EC] =	sst s16  }
0x14: {  	s15 =	sor.u32 $0x10, s14;
	s12 =	sadd.s32 s2, s14;
	[dreg:$0x4] =	wrdreg s8  }
0x15: {  	s18 =	sor.u32 $0x20, s14;
	s0 =	sadd.s32 $0x33C00, s0;
	[dreg:$0x5] =	wrdreg s12  }
0x16: {  	s7 =	sor.u32 $0x30, s14;
	s14 =	sadd.s32 $0x2800, s25;
	[dreg:$0xd] =	wrdreg s0  }
0x17: {  	s26 =	sadd.s32 $0xB800, s25;
	[dreg:$0x13] =	wrdreg s14  }
0x18: {  	s11 =	sadd.s32 $0x10000, s25;
	[smem:$0x7ED] =	sst s26  }
0x19: {  	s13 =	sadd.s32 $0x11000, s25;
	[smem:$0x7F6] =	sst s11  }
0x1a: {  	s16 =	sadd.s32 $0x12800, s25;
	[smem:$0x7F8] =	sst s13  }
0x1b: {  	s17 =	sadd.s32 s9, s15;
	[smem:$0x7FB] =	sst s16  }
0x1c: {  	s8 =	sadd.s32 s2, s15;
	[dreg:$0x6] =	wrdreg s17  }
0x1d: {  	s19 =	sadd.s32 s9, s18;
	[dreg:$0x7] =	wrdreg s8  }
0x1e: {  	s29 =	simm.s32 $0x100;
	s20 =	sadd.s32 s9, s7;
	[dreg:$0x8] =	wrdreg s19  }
0x1f: {  	s30 =	simm.s32 $0x300;
	s7 =	sadd.s32 s2, s7;
	[dreg:$0xa] =	wrdreg s20  }
0x20: {  	s31 =	simm.s32 $0x180;
	s12 =	sadd.s32 $0x1800, s25;
	[dreg:$0xb] =	wrdreg s7  }
0x21: {  	s22 =	sor.u32 $0x380, s5;
	s15 =	sadd.s32 $0x3000, s25;
	[dreg:$0x11] =	wrdreg s12  }
0x22: {  	s28 =	sor.u32 $0x300, s5;
	s14 =	sadd.s32 $0xA000, s25;
	[dreg:$0x14] =	wrdreg s15  }
0x23: {  	s24 =	sshrl.u32 s22, $0x3;
	s26 =	sadd.s32 $0x13000, s25;
	[smem:$0x7EA] =	sst s14  }
0x24: {  	s0 =	simm.s32 $0x380;
	s8 =	sadd.s32 s2, s18;
	[smem:$0x7FC] =	sst s26  }
0x25: {  	s7 =	sshrl.u32 s28, $0x3;
	s28 =	sadd.s32 $0x4800, s25;
	[dreg:$0x9] =	wrdreg s8  }
0x26: {  	s11 =	simm.s32 $0x8;
	s12 =	sadd.s32 $0x9000, s25;
	[dreg:$0x17] =	wrdreg s28  }
0x27: {  	s16 =	simm.s32 $0x0;
	s15 =	sadd.s32 $0xA800, s25;
	[smem:$0x7E8] =	sst s12  }
0x28: {  	s14 =	sadd.s32 $0x11800, s25;
	s19 =	sadd.s32 s7, s2;
	[smem:$0x7EB] =	sst s15  }
0x29: {  	s20 =	sadd.s32 s7, s9;
	s7 =	sadd.s32 $0x6800, s25;
	[smem:$0x7F9] =	sst s14  }
0x2a: {  	s17 =	sadd.s32 s24, s2;
	s28 =	sadd.s32 $0xC000, s25;
	[dreg:$0x1b] =	wrdreg s7  }
0x2b: {  	s8 =	sor.u32 $0x280, s5;
	s12 =	sadd.s32 $0x10800, s25;
	[smem:$0x7EE] =	sst s28  }
0x2c: {  	s5 =	sor.u32 $0x200, s5;
	s15 =	sadd.s32 $0x12000, s25;
	[smem:$0x7F7] =	sst s12  }
0x2d: {  	s10 =	sshrl.u32 s5, $0x3;
	s5 =	sadd.s32 $0x5800, s25;
	[smem:$0x7FA] =	sst s15  }
0x2e: {  	s6 =	sshrl.u32 s8, $0x3;
	s8 =	sadd.s32 $0x7000, s25;
	[dreg:$0x19] =	wrdreg s5  }
0x2f: {  	s18 =	sadd.s32 s24, s9;
	s7 =	sadd.s32 $0xE000, s25;
	[dreg:$0x1c] =	wrdreg s8  }
0x30: {  	s28 =	sadd.s32 $0x13800, s25;
	s21 =	sadd.s32 s6, s2;
	[smem:$0x7F2] =	sst s7  }
0x31: {  	s23 =	sadd.s32 s10, s2;
	s2 =	sadd.s32 $0x5000, s25;
	[smem:$0x7FD] =	sst s28  }
0x32: {  	s22 =	sadd.s32 s6, s9;
	s6 =	sadd.s32 $0x6000, s25;
	[dreg:$0x18] =	wrdreg s2  }
0x33: {  	s24 =	sadd.s32 s10, s9;
	s9 =	sadd.s32 $0x7800, s25;
	[dreg:$0x1a] =	wrdreg s6  }
0x34: {  	s26 =	simm.s32 $0x80;
	s10 =	sadd.s32 $0x8000, s25;
	[dreg:$0x1d] =	wrdreg s9  }
0x35: {  	s14 =	simm.s32 $0x6;
	s5 =	sadd.s32 $0xD000, s25;
	[dreg:$0x1e] =	wrdreg s10  }
0x36: {  	s12 =	simm.s32 $0x3;
	s8 =	sadd.s32 $0xE800, s25;
	[smem:$0x7F0] =	sst s5  }
0x37: {  	s15 =	simm.s32 $0x4;
	s2 =	sadd.s32 $0xC800, s25;
	[smem:$0x7F3] =	sst s8  }
.Ltmp0:
0x38: {  	s6 =	sadd.s32 $0xD800, s25;
	[smem:$0x7EF] =	sst s2;
	(pc) =	sbr.rel .LBB2_1-.Ltmp0, $4  }
0x39: {  	s7 =	simm.s32 $0x2;
	s9 =	sadd.s32 $0xF000, s25;
	[smem:$0x7F1] =	sst s6  }
0x3a: {  	s10 =	sadd.s32 $0xF800, s25;
	s5 =	simm.s32 $0x1;
	[smem:$0x7F4] =	sst s9  }
0x3b: {  	s8 =	simm.s32 $0x4400;
	[smem:$0x7F5] =	sst s10;
	s2 =	simm.s32 $0x8400  }
0x3c: {  	v0 =	vimm.f32 $0.0e+00;
	s6 =	simm.s32 $0x400;
	s9 =	simm.s32 $0x7;
	s10 =	simm.s32 $0x5  }
.LBB2_8:
0x3d: {  	_ =	swait.ge [sflag:s14], $0x4000  }
0x3e: {  	[sflag:s14] =	ssyncset.done $0x0  }
0x3f: {  	[sflag:s14] =	ssyncadd.s32 $0xFFFFC000  }
0x40: {  	[spmem:s1] =	stream.indirect.scatter.add.f32 [tilespmem:s8], [sflag:$0x8], $0x80, s0, s26, $0xb8;
	[tilespmem:$0x1CC00] =	vst v63  }
0x41: {  	_ =	swait.ge [sflag:s11], $0x4000  }
0x42: {  	[sflag:s11] =	ssyncset.done $0x0  }
0x43: {  	[sflag:s11] =	ssyncadd.s32 $0xFFFFC000  }
0x44: {  	s13 =	stileid.u32;
	[bflag:$0x0] =	sbarrier.arrive $0xFFFF  }
0x45: {  	s13 =	sshll.u32 s13, $0x6;
	s25 =	rddreg [dreg:$0xc]  }
0x46: {  	s13 =	sor.u32 $0x1C08, s13;
	s28 =	rddreg [dreg:$0xd];
	s16 =	sshrl.u32 s25, $0x3  }
0x47: {  	[hbm:s28], [sflag:s13] =	dma.local [spmem:s16], $0x2800  }
0x48: {  	_ =	swait.ge [sflag:s11], $0x2800  }
0x49: {  	s13 =	sld [smem:$0x7E7];
	_ =	sdelay $0x2  }
0x4a: {  	s28 =	rddreg [dreg:$0xe];
	s16 =	sadd.s32 $0x1, s13  }
0x4b: {  	p0 =	sne.s32 s16, s28  }
.Ltmp1:
0x4c: {  	_ = 	snop;
	(pc) =	sbr.rel @!p0 .LBB2_9-.Ltmp1, $3  }
0x4d: {  	_ =	sdelay $0x1  }
0x4e: {  	[sflag:s11] =	ssyncset.done $0x0  }
0x4f: {  	[sflag:s11] =	ssyncadd.s32 $0xFFFFD800  }
.LBB2_1:
0x50: {  	[smem:$0x7E7] =	sst s16  }
0x51: {  	s13 =	rddreg [dreg:$0x4]  }
0x52: {  	[tilespmem:s3], [sflag:$0x1] =	stream.linear.gather [hbm4b:s13+s3], $0x80, $0x38;
	[tilespmem:$0x1CC00] =	vst v63  }
0x53: {  	s16 =	rddreg [dreg:$0x5];
	s28 =	simm.s32 $0x200  }
0x54: {  	[tilespmem:s28], [sflag:$0x1] =	stream.linear.gather [hbm4b:s16+s3], $0x80, $0x38;
	[tilespmem:$0x1CC00] =	vst v63  }
0x55: {  	s28 =	rddreg [dreg:$0x6]  }
0x56: {  	[tilespmem:s26], [sflag:$0x2] =	stream.linear.gather [hbm4b:s28+s3], $0x80, $0x38;
	[tilespmem:$0x1CC00] =	vst v63  }
0x57: {  	s16 =	rddreg [dreg:$0x7];
	s28 =	simm.s32 $0x280  }
0x58: {  	[tilespmem:s28], [sflag:$0x2] =	stream.linear.gather [hbm4b:s16+s3], $0x80, $0x38;
	[tilespmem:$0x1CC00] =	vst v63  }
0x59: {  	s16 =	rddreg [dreg:$0x8]  }
0x5a: {  	[tilespmem:s29], [sflag:$0x3] =	stream.linear.gather [hbm4b:s16+s3], $0x80, $0x38;
	[tilespmem:$0x1CC00] =	vst v63  }
0x5b: {  	s28 =	rddreg [dreg:$0x9]  }
0x5c: {  	[tilespmem:s30], [sflag:$0x3] =	stream.linear.gather [hbm4b:s28+s3], $0x80, $0x38;
	[tilespmem:$0x1CC00] =	vst v63  }
0x5d: {  	s16 =	rddreg [dreg:$0xa]  }
0x5e: {  	[tilespmem:s31], [sflag:$0x4] =	stream.linear.gather [hbm4b:s16+s3], $0x80, $0x38;
	[tilespmem:$0x1CC00] =	vst v63  }
0x5f: {  	s13 =	simm.s32 $0x0;
	s28 =	rddreg [dreg:$0xb];
	s16 =	simm.s32 $0x200  }
0x60: {  	[tilespmem:s0], [sflag:$0x4] =	stream.linear.gather [hbm4b:s28+s3], $0x80, $0x38;
	[tilespmem:$0x1CC00] =	vst v63  }
.LBB2_2:
0x61: {  	p0 =	sne.s32 s16, $0x1E00;
	[tilespmem:s13+$0x8470] =	vst v0  }
0x62: {  	[tilespmem:s13+$0x8400] =	vst v0  }
0x63: {  	[tilespmem:s13+$0x8410] =	vst v0  }
.Ltmp2:
0x64: {  	[tilespmem:s13+$0x8420] =	vst v0;
	(pc) =	sbr.rel @p0 .LBB2_2-.Ltmp2, $4  }
0x65: {  	[tilespmem:s13+$0x8430] =	vst v0  }
0x66: {  	[tilespmem:s13+$0x8440] =	vst v0  }
0x67: {  	[tilespmem:s13+$0x8450] =	vst v0  }
0x68: {  	[tilespmem:s13+$0x8460] =	vst v0;
	s13 =	sshra.s32 s16, $0x2;
	s16 =	sadd.s32 $0x200, s16  }
0x69: {  	[tilespmem:s13+$0x8470] =	vst v0  }
0x6a: {  	[tilespmem:s13+$0x8400] =	vst v0  }
0x6b: {  	[tilespmem:s13+$0x8410] =	vst v0  }
0x6c: {  	[tilespmem:s13+$0x8420] =	vst v0  }
0x6d: {  	[tilespmem:s13+$0x8430] =	vst v0  }
0x6e: {  	[tilespmem:s13+$0x8440] =	vst v0  }
0x6f: {  	[tilespmem:s13+$0x8450] =	vst v0  }
0x70: {  	[tilespmem:s13+$0x8460] =	vst v0;
	s16 =	rddreg [dreg:$0xf]  }
0x71: {  	[spmem:s25] =	stream.linear.scatter [tilespmem:s2], [sflag:$0x7], $0x800, $0x38;
	[tilespmem:$0x1CC00] =	vst v63  }
0x72: {  	s28 =	rddreg [dreg:$0x11]  }
0x73: {  	[spmem:s16] =	stream.linear.scatter [tilespmem:s2], [sflag:$0x7], $0x800, $0x38;
	[tilespmem:$0x1CC00] =	vst v63  }
0x74: {  	s25 =	rddreg [dreg:$0x10]  }
0x75: {  	[spmem:s25] =	stream.linear.scatter [tilespmem:s2], [sflag:$0x7], $0x800, $0x38;
	[tilespmem:$0x1CC00] =	vst v63  }
0x76: {  	s16 =	rddreg [dreg:$0x12]  }
0x77: {  	[spmem:s28] =	stream.linear.scatter [tilespmem:s2], [sflag:$0x7], $0x800, $0x38;
	[tilespmem:$0x1CC00] =	vst v63  }
0x78: {  	s25 =	rddreg [dreg:$0x13]  }
0x79: {  	[spmem:s16] =	stream.linear.scatter [tilespmem:s2], [sflag:$0x7], $0x800, $0x38;
	[tilespmem:$0x1CC00] =	vst v63  }
0x7a: {  	s28 =	rddreg [dreg:$0x14]  }
0x7b: {  	[spmem:s25] =	stream.linear.scatter [tilespmem:s2], [sflag:$0x7], $0x800, $0x38;
	[tilespmem:$0x1CC00] =	vst v63  }
0x7c: {  	s16 =	rddreg [dreg:$0x15]  }
0x7d: {  	[spmem:s28] =	stream.linear.scatter [tilespmem:s2], [sflag:$0x7], $0x800, $0x38;
	[tilespmem:$0x1CC00] =	vst v63  }
0x7e: {  	s25 =	rddreg [dreg:$0x16]  }
0x7f: {  	[spmem:s16] =	stream.linear.scatter [tilespmem:s2], [sflag:$0x7], $0x800, $0x38;
	[tilespmem:$0x1CC00] =	vst v63  }
0x80: {  	s28 =	rddreg [dreg:$0x17]  }
0x81: {  	[spmem:s25] =	stream.linear.scatter [tilespmem:s2], [sflag:$0x7], $0x800, $0x38;
	[tilespmem:$0x1CC00] =	vst v63  }
0x82: {  	s16 =	rddreg [dreg:$0x18]  }
0x83: {  	[spmem:s28] =	stream.linear.scatter [tilespmem:s2], [sflag:$0x7], $0x800, $0x38;
	[tilespmem:$0x1CC00] =	vst v63  }
0x84: {  	s25 =	rddreg [dreg:$0x19]  }
0x85: {  	[spmem:s16] =	stream.linear.scatter [tilespmem:s2], [sflag:$0x7], $0x800, $0x38;
	[tilespmem:$0x1CC00] =	vst v63  }
0x86: {  	s28 =	rddreg [dreg:$0x1a]  }
0x87: {  	[spmem:s25] =	stream.linear.scatter [tilespmem:s2], [sflag:$0x7], $0x800, $0x38;
	[tilespmem:$0x1CC00] =	vst v63  }
0x88: {  	s16 =	rddreg [dreg:$0x1b]  }
0x89: {  	[spmem:s28] =	stream.linear.scatter [tilespmem:s2], [sflag:$0x7], $0x800, $0x38;
	[tilespmem:$0x1CC00] =	vst v63  }
0x8a: {  	s25 =	rddreg [dreg:$0x1c]  }
0x8b: {  	[spmem:s16] =	stream.linear.scatter [tilespmem:s2], [sflag:$0x7], $0x800, $0x38;
	[tilespmem:$0x1CC00] =	vst v63  }
0x8c: {  	s28 =	rddreg [dreg:$0x1d]  }
0x8d: {  	[spmem:s25] =	stream.linear.scatter [tilespmem:s2], [sflag:$0x7], $0x800, $0x38;
	[tilespmem:$0x1CC00] =	vst v63  }
0x8e: {  	s16 =	rddreg [dreg:$0x1e]  }
0x8f: {  	[spmem:s28] =	stream.linear.scatter [tilespmem:s2], [sflag:$0x7], $0x800, $0x38;
	[tilespmem:$0x1CC00] =	vst v63  }
0x90: {  	s25 =	rddreg [dreg:$0x1f]  }
0x91: {  	[spmem:s16] =	stream.linear.scatter [tilespmem:s2], [sflag:$0x7], $0x800, $0x38;
	[tilespmem:$0x1CC00] =	vst v63  }
0x92: {  	s28 =	sld [smem:$0x7E8]  }
0x93: {  	[spmem:s25] =	stream.linear.scatter [tilespmem:s2], [sflag:$0x7], $0x800, $0x38;
	[tilespmem:$0x1CC00] =	vst v63  }
0x94: {  	s16 =	sld [smem:$0x7E9]  }
0x95: {  	[spmem:s28] =	stream.linear.scatter [tilespmem:s2], [sflag:$0x7], $0x800, $0x38;
	[tilespmem:$0x1CC00] =	vst v63  }
0x96: {  	s25 =	sld [smem:$0x7EA]  }
0x97: {  	[spmem:s16] =	stream.linear.scatter [tilespmem:s2], [sflag:$0x7], $0x800, $0x38;
	[tilespmem:$0x1CC00] =	vst v63  }
0x98: {  	s28 =	sld [smem:$0x7EB]  }
0x99: {  	[spmem:s25] =	stream.linear.scatter [tilespmem:s2], [sflag:$0x7], $0x800, $0x38;
	[tilespmem:$0x1CC00] =	vst v63  }
0x9a: {  	s16 =	sld [smem:$0x7EC]  }
0x9b: {  	[spmem:s28] =	stream.linear.scatter [tilespmem:s2], [sflag:$0x7], $0x800, $0x38;
	[tilespmem:$0x1CC00] =	vst v63  }
0x9c: {  	s25 =	sld [smem:$0x7ED]  }
0x9d: {  	[spmem:s16] =	stream.linear.scatter [tilespmem:s2], [sflag:$0x7], $0x800, $0x38;
	[tilespmem:$0x1CC00] =	vst v63  }
0x9e: {  	s28 =	sld [smem:$0x7EE]  }
0x9f: {  	[spmem:s25] =	stream.linear.scatter [tilespmem:s2], [sflag:$0x7], $0x800, $0x38;
	[tilespmem:$0x1CC00] =	vst v63  }
0xa0: {  	s16 =	sld [smem:$0x7EF]  }
0xa1: {  	[spmem:s28] =	stream.linear.scatter [tilespmem:s2], [sflag:$0x7], $0x800, $0x38;
	[tilespmem:$0x1CC00] =	vst v63  }
0xa2: {  	s25 =	sld [smem:$0x7F0]  }
0xa3: {  	[spmem:s16] =	stream.linear.scatter [tilespmem:s2], [sflag:$0x7], $0x800, $0x38;
	[tilespmem:$0x1CC00] =	vst v63  }
0xa4: {  	s28 =	sld [smem:$0x7F1]  }
0xa5: {  	[spmem:s25] =	stream.linear.scatter [tilespmem:s2], [sflag:$0x7], $0x800, $0x38;
	[tilespmem:$0x1CC00] =	vst v63  }
0xa6: {  	s16 =	sld [smem:$0x7F2]  }
0xa7: {  	[spmem:s28] =	stream.linear.scatter [tilespmem:s2], [sflag:$0x7], $0x800, $0x38;
	[tilespmem:$0x1CC00] =	vst v63  }
0xa8: {  	s25 =	sld [smem:$0x7F3]  }
0xa9: {  	[spmem:s16] =	stream.linear.scatter [tilespmem:s2], [sflag:$0x7], $0x800, $0x38;
	[tilespmem:$0x1CC00] =	vst v63  }
0xaa: {  	s28 =	sld [smem:$0x7F4]  }
0xab: {  	[spmem:s25] =	stream.linear.scatter [tilespmem:s2], [sflag:$0x7], $0x800, $0x38;
	[tilespmem:$0x1CC00] =	vst v63  }
0xac: {  	s16 =	sld [smem:$0x7F5]  }
0xad: {  	[spmem:s28] =	stream.linear.scatter [tilespmem:s2], [sflag:$0x7], $0x800, $0x38;
	[tilespmem:$0x1CC00] =	vst v63  }
0xae: {  	s25 =	sld [smem:$0x7F6]  }
0xaf: {  	[spmem:s16] =	stream.linear.scatter [tilespmem:s2], [sflag:$0x7], $0x800, $0x38;
	[tilespmem:$0x1CC00] =	vst v63  }
0xb0: {  	s28 =	sld [smem:$0x7F7]  }
0xb1: {  	[spmem:s25] =	stream.linear.scatter [tilespmem:s2], [sflag:$0x7], $0x800, $0x38;
	[tilespmem:$0x1CC00] =	vst v63  }
0xb2: {  	s16 =	sld [smem:$0x7F8]  }
0xb3: {  	[spmem:s28] =	stream.linear.scatter [tilespmem:s2], [sflag:$0x7], $0x800, $0x38;
	[tilespmem:$0x1CC00] =	vst v63  }
0xb4: {  	s25 =	sld [smem:$0x7F9]  }
0xb5: {  	[spmem:s16] =	stream.linear.scatter [tilespmem:s2], [sflag:$0x7], $0x800, $0x38;
	[tilespmem:$0x1CC00] =	vst v63  }
0xb6: {  	s28 =	sld [smem:$0x7FA]  }
0xb7: {  	[spmem:s25] =	stream.linear.scatter [tilespmem:s2], [sflag:$0x7], $0x800, $0x38;
	[tilespmem:$0x1CC00] =	vst v63  }
0xb8: {  	s16 =	sld [smem:$0x7FB]  }
0xb9: {  	[spmem:s28] =	stream.linear.scatter [tilespmem:s2], [sflag:$0x7], $0x800, $0x38;
	[tilespmem:$0x1CC00] =	vst v63  }
0xba: {  	s25 =	sld [smem:$0x7FC]  }
0xbb: {  	[spmem:s16] =	stream.linear.scatter [tilespmem:s2], [sflag:$0x7], $0x800, $0x38;
	[tilespmem:$0x1CC00] =	vst v63  }
0xbc: {  	s28 =	sld [smem:$0x7FD]  }
0xbd: {  	[spmem:s25] =	stream.linear.scatter [tilespmem:s2], [sflag:$0x7], $0x800, $0x38;
	[tilespmem:$0x1CC00] =	vst v63  }
0xbe: {  	_ = 	snop  }
0xbf: {  	[spmem:s28] =	stream.linear.scatter [tilespmem:s2], [sflag:$0x7], $0x800, $0x38;
	[tilespmem:$0x1CC00] =	vst v63  }
0xc0: {  	_ =	swait.ge [sflag:s5], $0x80  }
0xc1: {  	[sflag:s5] =	ssyncset.done $0x0  }
0xc2: {  	[sflag:s5] =	ssyncadd.s32 $0xFFFFFF80  }
0xc3: {  	_ =	swait.ge [sflag:s5], $0x80  }
0xc4: {  	[sflag:s5] =	ssyncset.done $0x0  }
0xc5: {  	[sflag:s5] =	ssyncadd.s32 $0xFFFFFF80  }
0xc6: {  	[tilespmem:s6], [sflag:$0x5] =	stream.indirect.gather [hbm4b:s4+s26], $0x80, s3, s26, $0xb8;
	[tilespmem:$0x1CC00] =	vst v63  }
0xc7: {  	_ =	swait.ge [sflag:s7], $0x80  }
0xc8: {  	[sflag:s7] =	ssyncset.done $0x0  }
0xc9: {  	[sflag:s7] =	ssyncadd.s32 $0xFFFFFF80  }
0xca: {  	_ =	swait.ge [sflag:s7], $0x80  }
0xcb: {  	[sflag:s7] =	ssyncset.done $0x0  }
0xcc: {  	[sflag:s7] =	ssyncadd.s32 $0xFFFFFF80  }
0xcd: {  	[tilespmem:s8], [sflag:$0x6] =	stream.indirect.gather [hbm4b:s4+s26], $0x80, s26, s26, $0xb8;
	[tilespmem:$0x1CC00] =	vst v63  }
0xce: {  	_ =	swait.ge [sflag:s9], $0x800  }
0xcf: {  	s13 =	simm.s32 $0x27;
	[sflag:s9] =	ssyncset.done $0x0  }
.LBB2_4:
0xd0: {  	p0 =	sne.s32 s13, $0x1;
	s13 =	sadd.s32 $0xFFFFFFFF, s13;
	[sflag:s9] =	ssyncadd.s32 $0xFFFFF800  }
.Ltmp3:
0xd1: {  	(pc) =	sbr.rel @p0 .LBB2_4-.Ltmp3, $3  }
0xd2: {  	_ =	sdelay $0x1  }
0xd3: {  	_ =	swait.ge [sflag:s9], $0x800  }
0xd4: {  	[sflag:s9] =	ssyncset.done $0x0  }
0xd5: {  	[sflag:s9] =	ssyncadd.s32 $0xFFFFF800  }
0xd6: {  	s13 =	simm.s32 $0x0;
	[bflag:$0x0] =	sbarrier.arrive $0xFFFF  }
.LBB2_6:
0xd7: {  	_ =	swait.ge [sflag:s10], $0x4000  }
0xd8: {  	[sflag:s10] =	ssyncset.done $0x0  }
0xd9: {  	s16 =	simm.s32 $0x200;
	[sflag:s10] =	ssyncadd.s32 $0xFFFFC000  }
0xda: {  	[spmem:s1] =	stream.indirect.scatter.add.f32 [tilespmem:s6], [sflag:$0x8], $0x80, s16, s26, $0xb8;
	[tilespmem:$0x1CC00] =	vst v63  }
0xdb: {  	_ =	swait.ge [sflag:s11], $0x4000  }
0xdc: {  	p0 =	seq.s32 s13, $0x4C0;
	[sflag:s11] =	ssyncset.done $0x0  }
0xdd: {  	s25 =	simm.s32 @!p0 $0x0;
	s16 =	sadd.s32 @!p0 s13, s24;
	[sflag:s11] =	ssyncadd.s32 $0xFFFFC000  }
0xde: {  	[tilespmem:s25], [sflag:$0x1] =	stream.linear.gather @!p0 [hbm4b:s16+s25], $0x80, $0x38;
	[tilespmem:$0x1CC00] =	vst v63  }
0xdf: {  	s28 =	simm.s32 @!p0 $0x200;
	s16 =	sadd.s32 @!p0 s13, s23  }
0xe0: {  	[tilespmem:s28], [sflag:$0x1] =	stream.linear.gather @!p0 [hbm4b:s16+s25], $0x80, $0x38;
	[tilespmem:$0x1CC00] =	vst v63  }
0xe1: {  	_ =	swait.ge [sflag:s12], $0x80  }
0xe2: {  	[sflag:s12] =	ssyncset.done $0x0  }
0xe3: {  	[sflag:s12] =	ssyncadd.s32 $0xFFFFFF80  }
0xe4: {  	_ =	swait.ge [sflag:s12], $0x80  }
0xe5: {  	[sflag:s12] =	ssyncset.done $0x0  }
0xe6: {  	[sflag:s12] =	ssyncadd.s32 $0xFFFFFF80  }
0xe7: {  	[tilespmem:s6], [sflag:$0x5] =	stream.indirect.gather [hbm4b:s4+s26], $0x80, s29, s26, $0xb8;
	[tilespmem:$0x1CC00] =	vst v63  }
0xe8: {  	_ =	swait.ge [sflag:s14], $0x4000  }
0xe9: {  	[sflag:s14] =	ssyncset.done $0x0  }
0xea: {  	s28 =	simm.s32 $0x280;
	[sflag:s14] =	ssyncadd.s32 $0xFFFFC000  }
0xeb: {  	[spmem:s1] =	stream.indirect.scatter.add.f32 [tilespmem:s8], [sflag:$0x8], $0x80, s28, s26, $0xb8;
	[tilespmem:$0x1CC00] =	vst v63  }
0xec: {  	_ =	swait.ge [sflag:s11], $0x4000  }
0xed: {  	[sflag:s11] =	ssyncset.done $0x0  }
0xee: {  	s16 =	sadd.s32 @!p0 s13, s22;
	s28 =	simm.s32 @!p0 $0x80;
	[sflag:s11] =	ssyncadd.s32 $0xFFFFC000  }
0xef: {  	[tilespmem:s28], [sflag:$0x2] =	stream.linear.gather @!p0 [hbm4b:s16+s25], $0x80, $0x38;
	[tilespmem:$0x1CC00] =	vst v63  }
0xf0: {  	s16 =	sadd.s32 @!p0 s13, s21;
	s28 =	simm.s32 @!p0 $0x280  }
0xf1: {  	[tilespmem:s28], [sflag:$0x2] =	stream.linear.gather @!p0 [hbm4b:s16+s25], $0x80, $0x38;
	[tilespmem:$0x1CC00] =	vst v63  }
0xf2: {  	_ =	swait.ge [sflag:s15], $0x80  }
0xf3: {  	[sflag:s15] =	ssyncset.done $0x0  }
0xf4: {  	[sflag:s15] =	ssyncadd.s32 $0xFFFFFF80  }
0xf5: {  	_ =	swait.ge [sflag:s15], $0x80  }
0xf6: {  	[sflag:s15] =	ssyncset.done $0x0  }
0xf7: {  	[sflag:s15] =	ssyncadd.s32 $0xFFFFFF80  }
0xf8: {  	[tilespmem:s8], [sflag:$0x6] =	stream.indirect.gather [hbm4b:s4+s26], $0x80, s31, s26, $0xb8;
	[tilespmem:$0x1CC00] =	vst v63  }
0xf9: {  	_ =	swait.ge [sflag:s10], $0x4000  }
0xfa: {  	[sflag:s10] =	ssyncset.done $0x0  }
.Ltmp4:
0xfb: {  	[sflag:s10] =	ssyncadd.s32 $0xFFFFC000;
	(pc) =	sbr.rel @p0 .LBB2_8-.Ltmp4, $4  }
0xfc: {  	[spmem:s1] =	stream.indirect.scatter.add.f32 [tilespmem:s6], [sflag:$0x8], $0x80, s30, s26, $0xb8;
	[tilespmem:$0x1CC00] =	vst v63  }
0xfd: {  	_ =	swait.ge [sflag:s11], $0x4000  }
0xfe: {  	[sflag:s11] =	ssyncset.done $0x0  }
0xff: {  	[sflag:s11] =	ssyncadd.s32 $0xFFFFC000  }
0x100: {  	s16 =	sadd.s32 s13, s20  }
0x101: {  	[tilespmem:s29], [sflag:$0x3] =	stream.linear.gather [hbm4b:s16+s3], $0x80, $0x38;
	[tilespmem:$0x1CC00] =	vst v63  }
0x102: {  	s28 =	sadd.s32 s13, s19  }
0x103: {  	[tilespmem:s30], [sflag:$0x3] =	stream.linear.gather [hbm4b:s28+s3], $0x80, $0x38;
	[tilespmem:$0x1CC00] =	vst v63  }
0x104: {  	_ =	swait.ge [sflag:s5], $0x80  }
0x105: {  	[sflag:s5] =	ssyncset.done $0x0  }
0x106: {  	[sflag:s5] =	ssyncadd.s32 $0xFFFFFF80  }
0x107: {  	_ =	swait.ge [sflag:s5], $0x80  }
0x108: {  	[sflag:s5] =	ssyncset.done $0x0  }
0x109: {  	[sflag:s5] =	ssyncadd.s32 $0xFFFFFF80  }
0x10a: {  	[tilespmem:s6], [sflag:$0x5] =	stream.indirect.gather [hbm4b:s4+s26], $0x80, s3, s26, $0xb8;
	[tilespmem:$0x1CC00] =	vst v63  }
0x10b: {  	_ =	swait.ge [sflag:s14], $0x4000  }
0x10c: {  	[sflag:s14] =	ssyncset.done $0x0  }
0x10d: {  	[sflag:s14] =	ssyncadd.s32 $0xFFFFC000  }
0x10e: {  	[spmem:s1] =	stream.indirect.scatter.add.f32 [tilespmem:s8], [sflag:$0x8], $0x80, s0, s26, $0xb8;
	[tilespmem:$0x1CC00] =	vst v63  }
0x10f: {  	_ =	swait.ge [sflag:s11], $0x4000  }
0x110: {  	[sflag:s11] =	ssyncset.done $0x0  }
0x111: {  	s25 =	sadd.s32 s13, s18;
	[sflag:s11] =	ssyncadd.s32 $0xFFFFC000  }
0x112: {  	[tilespmem:s31], [sflag:$0x4] =	stream.linear.gather [hbm4b:s25+s3], $0x80, $0x38;
	[tilespmem:$0x1CC00] =	vst v63  }
0x113: {  	s28 =	sadd.s32 s13, s17  }
0x114: {  	[tilespmem:s0], [sflag:$0x4] =	stream.linear.gather [hbm4b:s28+s3], $0x80, $0x38;
	[tilespmem:$0x1CC00] =	vst v63  }
0x115: {  	_ =	swait.ge [sflag:s7], $0x80  }
0x116: {  	[sflag:s7] =	ssyncset.done $0x0  }
.Ltmp5:
0x117: {  	[sflag:s7] =	ssyncadd.s32 $0xFFFFFF80;
	(pc) =	sbr.rel .LBB2_6-.Ltmp5, $4  }
0x118: {  	_ =	swait.ge [sflag:s7], $0x80  }
0x119: {  	[sflag:s7] =	ssyncset.done $0x0  }
0x11a: {  	s13 =	sadd.s32 $0x40, s13;
	[sflag:s7] =	ssyncadd.s32 $0xFFFFFF80  }
0x11b: {  	[tilespmem:s8], [sflag:$0x6] =	stream.indirect.gather [hbm4b:s4+s26], $0x80, s26, s26, $0xb8;
	[tilespmem:$0x1CC00] =	vst v63  }
.LBB2_9:
0x11c: {  	_ =	sfence.sel $0x180000  }
0x11d: {  	[bflag:$0x0] =	sbarrier.arrive $0xFFFF  }
0x11e: {  	_ =	strace $0x9000004D  }
0x11f: {  	s0 =	stileid.u32;
	[bflag:$0x2] =	sbarrier.arrive $0xFFFF  }
0x120: {  	p0 =	sne.s32 s0, $0x0;
	s0 =	rddreg [dreg:$0x3]  }
0x121: {  	s0 =	sadd.s32 @!p0 $0x100000, s0  }
0x122: {  	[sflag:s0] =	ssyncadd.tile.s32 @!p0 $0x1;
	_ =	shalt  }
.Lfunc_end2:
_tile_overlayer_lowered:
.L_overlay_start_2:
0x123: {  	(tag) =	ssettag $0x2  }
0x124: {  	s0 =	rddreg [dreg:$0x0];
	s2 =	stileid.u32  }
0x125: {  	s1 =	rddreg [dreg:$0x1];
	p0 =	sne.s32 s2, $0x0  }
0x126: {  	s3 =	rddreg [dreg:$0x2];
	[bflag:$0x3] =	sbarrier.arrive $0xFFFF;
	s2 =	simm.s32 @!p0 $0x1C08  }
0x127: {  	[timem:s3], [sflag:s2] =	dma.local @!p0 [hbm:s0], s1  }
0x128: {  	s0 =	simm.s32 @!p0 $0x8  }
0x129: {  	_ =	swait.ge @!p0 [sflag:s0], s1  }
0x12a: {  	s1 =	ssub.s32 @!p0 $0x0, s1;
	[sflag:s0] =	ssyncset.done @!p0 $0x0  }
0x12b: {  	[sflag:s0] =	ssyncadd.s32 @!p0 s1  }
0x12c: {  	[bflag:$0x3] =	sbarrier.arrive $0xFFFF  }
0x12d: {  	_ =	shalt  }

// kernel: kernel.8.cloned.1.call-start
scs
__scs_entry_jumppad:
0x0: {  	(pc) =	sbr.rel $0x88, $3  }
0x1: {  	(tag) =	ssettag $0x0;
	lr =	simm.s32 $0x1  }
0x2: {  	[smem:$0x3F9D] =	sst lr;
	_ =	strace $0xD0000000  }
0x3: {  	_ = 	snop  }
0x4: {  	_ = 	snop  }
0x5: {  	_ = 	snop  }
0x6: {  	_ = 	snop  }
0x7: {  	_ = 	snop  }
__scs_overlays_trampoline_lowered:
0x8: {  	[smem:$0x3FAC] =	sst s0  }
0x9: {  	[smem:$0x3FAD] =	sst s1  }
0xa: {  	[smem:$0x3FAE] =	sst s2  }
0xb: {  	[smem:$0x3FAF] =	sst s3  }
0xc: {  	[smem:$0x3FB0] =	sst s4  }
0xd: {  	[smem:$0x3FB1] =	sst s5  }
0xe: {  	[smem:$0x3FB2] =	sst s6  }
0xf: {  	[smem:$0x3FB3] =	sst s7  }
0x10: {  	[smem:$0x3FB4] =	sst s8  }
0x11: {  	[smem:$0x3FB5] =	sst s9;
	s0 =	simm.s32 @!p0 $0x0  }
0x12: {  	s1 =	sld [smem:$0x3F9B];
	s0 =	simm.s32 @p0 $0x1  }
0x13: {  	[smem:$0x3FB6] =	sst s0;
	s0 =	simm.s32 @!p1 $0x0  }
0x14: {  	s2 =	sld [smem:$0x3F9A];
	s0 =	simm.s32 @p1 $0x1  }
0x15: {  	[smem:$0x3FB7] =	sst s0;
	s0 =	simm.s32 @!p2 $0x0  }
0x16: {  	s3 =	sld [smem:$0x3FDB];
	s0 =	simm.s32 @p2 $0x1  }
0x17: {  	s4 =	simm.s32 $0x1BF5;
	[smem:$0x3FB9] =	sst s0  }
0x18: {  	s0 =	sld [smem:$0x3F9C];
	_ =	swait.ge [sflag:s4], $0x0  }
0x19: {  	s7 =	sld [smem:$0x3F9D]  }
0x1a: {  	s8 =	sadd.s32 $0xFFFFE003, lr  }
0x1b: {  	s9 =	sadd.s32 $0xFFFFFEF7, lr;
	s5 =	simm.s32 $0xFFFFFFFF;
	p2 =	slt.u32 s8, $0xFFFFF086  }
0x1c: {  	p1 =	slt.u32 s9, $0xF7A;
	s5 =	simm.s32 @!p2 $0x0  }
0x1d: {  	s5 =	simm.s32 @p1 $0x1;
	p0 =	seq.s32 s7, s2  }
0x1e: {  	s7 =	smul.u32 @!p0 $0xF7A, s2;
	p2 =	seq.s32 @!p0 s5, $0x0  }
0x1f: {  	s9 =	smul.u32 $0xF7A, s1;
	s8 =	simm.s32 @!p0 $0x1BF5;
	p2 =	por !p2, p0  }
0x20: {  	[sflag:s8] =	ssyncset.s32 @!p0 $0xFFFFF086;
	s6 =	sadd.s32 @!p0 s3, s7;
	s7 =	simm.s32 @!p0 $0x108  }
0x21: {  	s3 =	sadd.s32 s3, s9;
	s6 =	sadd.s32 @!p0 $0x88, s6;
	s7 =	simm.s32 @p2 $0x1082  }
0x22: {  	[simem:s7], [sflag:s8] =	dma.local @!p0 [hbm:s6], $0xF7A  }
0x23: {  	s9 =	sor.u32 $0xD0000000, s2;
	s6 =	simm.s32 $0x108;
	_ =	swait.ge @!p0 [sflag:s8], $0x0  }
0x24: {  	s3 =	sadd.s32 $0x88, s3;
	s6 =	simm.s32 @!p1 $0x1082;
	[sflag:s4] =	ssyncset.s32 $0xFFFFF086  }
0x25: {  	[simem:s6], [sflag:s4] =	dma.local [hbm:s3], $0xF7A  }
0x26: {  	[smem:$0x3F9D] =	sst s1;
	(tag) =	ssettag s2;
	_ =	strace s9  }
0x27: {  	s1 =	sld [smem:$0x3FAD]  }
0x28: {  	s2 =	sld [smem:$0x3FAE]  }
0x29: {  	s4 =	sld [smem:$0x3FB0]  }
0x2a: {  	p0 =	seq.s32 s5, $0x0;
	s5 =	sld [smem:$0x3FB1]  }
0x2b: {  	s6 =	sld [smem:$0x3FB2]  }
0x2c: {  	s7 =	sld [smem:$0x3FB3]  }
0x2d: {  	s3 =	simm.s32 $0x108;
	s8 =	sld [smem:$0x3FB4]  }
0x2e: {  	s3 =	simm.s32 @!p0 $0x1082;
	s9 =	sld [smem:$0x3FB5]  }
0x2f: {  	lr =	sadd.s32 s0, s3;
	s0 =	sld [smem:$0x3FAC]  }
0x30: {  	s3 =	sld [smem:$0x3FAF]  }
0x31: {  	[smem:$0x3FB8] =	sst s10  }
0x32: {  	s10 =	sld [smem:$0x3FB6];
	_ =	sdelay $0x3  }
0x33: {  	p0 =	seq.s32 s10, $0x1;
	s10 =	sld [smem:$0x3FB8];
	_ =	sdelay $0x3  }
0x34: {  	[smem:$0x3FB8] =	sst s10  }
0x35: {  	s10 =	sld [smem:$0x3FB7];
	_ =	sdelay $0x3  }
0x36: {  	p1 =	seq.s32 s10, $0x1;
	s10 =	sld [smem:$0x3FB8];
	_ =	sdelay $0x3  }
0x37: {  	[smem:$0x3FB8] =	sst s10  }
0x38: {  	s10 =	sld [smem:$0x3FB9]  }
0x39: {  	_ = 	snop;
	(pc) =	sbr.ind lr, $3  }
0x3a: {  	_ = 	snop  }
0x3b: {  	_ = 	snop  }
0x3c: {  	p2 =	seq.s32 s10, $0x1;
	s10 =	sld [smem:$0x3FB8]  }
0x3d: {  	_ =	shalt  }
0x3e: {  	_ =	shalt  }
0x3f: {  	_ =	shalt  }
0x40: {  	_ =	shalt  }
0x41: {  	_ =	shalt  }
0x42: {  	_ =	shalt  }
0x43: {  	_ =	shalt  }
0x44: {  	_ =	shalt  }
0x45: {  	_ =	shalt  }
0x46: {  	_ =	shalt  }
0x47: {  	_ =	shalt  }
0x48: {  	_ =	shalt  }
0x49: {  	_ =	shalt  }
0x4a: {  	_ =	shalt  }
0x4b: {  	_ =	shalt  }
0x4c: {  	_ =	shalt  }
0x4d: {  	_ =	shalt  }
0x4e: {  	_ =	shalt  }
0x4f: {  	_ =	shalt  }
0x50: {  	_ =	shalt  }
0x51: {  	_ =	shalt  }
0x52: {  	_ =	shalt  }
0x53: {  	_ =	shalt  }
0x54: {  	_ =	shalt  }
0x55: {  	_ =	shalt  }
0x56: {  	_ =	shalt  }
0x57: {  	_ =	shalt  }
0x58: {  	_ =	shalt  }
0x59: {  	_ =	shalt  }
0x5a: {  	_ =	shalt  }
0x5b: {  	_ =	shalt  }
0x5c: {  	_ =	shalt  }
0x5d: {  	_ =	shalt  }
0x5e: {  	_ =	shalt  }
0x5f: {  	_ =	shalt  }
0x60: {  	_ =	shalt  }
0x61: {  	_ =	shalt  }
0x62: {  	_ =	shalt  }
0x63: {  	_ =	shalt  }
0x64: {  	_ =	shalt  }
0x65: {  	_ =	shalt  }
0x66: {  	_ =	shalt  }
0x67: {  	_ =	shalt  }
0x68: {  	_ =	shalt  }
0x69: {  	_ =	shalt  }
0x6a: {  	_ =	shalt  }
0x6b: {  	_ =	shalt  }
0x6c: {  	_ =	shalt  }
0x6d: {  	_ =	shalt  }
0x6e: {  	_ =	shalt  }
0x6f: {  	_ =	shalt  }
0x70: {  	_ =	shalt  }
0x71: {  	_ =	shalt  }
0x72: {  	_ =	shalt  }
0x73: {  	_ =	shalt  }
0x74: {  	_ =	shalt  }
0x75: {  	_ =	shalt  }
0x76: {  	_ =	shalt  }
0x77: {  	_ =	shalt  }
0x78: {  	_ =	shalt  }
0x79: {  	_ =	shalt  }
0x7a: {  	_ =	shalt  }
0x7b: {  	_ =	shalt  }
0x7c: {  	_ =	shalt  }
0x7d: {  	_ =	shalt  }
0x7e: {  	_ =	shalt  }
0x7f: {  	_ =	shalt  }
0x80: {  	_ =	shalt  }
0x81: {  	_ =	shalt  }
0x82: {  	_ =	shalt  }
0x83: {  	_ =	shalt  }
0x84: {  	_ =	shalt  }
0x85: {  	_ =	shalt  }
0x86: {  	_ =	shalt  }
0x87: {  	_ =	shalt  }
.Lfunc_end0:
.L_simem_size_0:
called_computation_lowered:
.L_overlay_start_0:
0x88: {  	s2 =	sld [smem:$0x3FD9]  }
0x89: {  	s3 =	sld [smem:$0x3FFE];
	_ =	sdelay $0x1  }
0x8a: {  	s1 =	srdreg.scid  }
0x8b: {  	s0 =	sand.u32 $0x1, s1  }
0x8c: {  	s17 =	sshll.u32 s0, $0xA;
	s2 =	sadd.s32 s3, s2  }
0x8d: {  	s2 =	sadd.s32 s2, s17  }
0x8e: {  	[smem:$0x3FC4] =	sst s2  }
0x8f: {  	_ = 	snop  }
0x90: {  	s2 =	sld [smem:$0x3FD0];
	(tm) =	ssettm $0x1  }
0x91: {  	s18 =	sld [smem:$0x3FFB];
	_ =	sdelay $0x3  }
0x92: {  	_ =	strace s18  }
0x93: {  	s3 =	sld [smem:$0x3FFC];
	_ =	sdelay $0x3  }
0x94: {  	_ =	strace s3  }
0x95: {  	s3 =	sld [smem:$0x3FFD];
	_ =	sdelay $0x3  }
0x96: {  	_ =	strace s3  }
0x97: {  	_ =	strace $0x8FFFFFFF  }
0x98: {  	s19 =	sld [smem:$0x3FDB];
	_ =	sdelay $0x1  }
0x99: {  	s4 =	simm.s32 $_scs_section_size  }
0x9a: {  	s5 =	simm.s32 $_size__tile_overlayer_lowered;
	s6 =	simm.s32 $_tile_overlayer_lowered  }
0x9b: {  	s22 =	simm.s32 $0x1BFF;
	s21 =	sshll.u32 s6, $0x1;
	s3 =	sadd.s32 s4, s19  }
0x9c: {  	s7 =	simm.s32 $0x0;
	s20 =	sshll.u32 s5, $0x1;
	s5 =	sadd.s32 s21, s3  }
0x9d: {  	[timem:s7], [sflag:s22] =	dma.local [hbm:s5], s20  }
0x9e: {  	_ =	swait.ge [sflag:s22], s20  }
0x9f: {  	s4 =	ssub.s32 $0x0, s20;
	[sflag:s22] =	ssyncset.done $0x0  }
0xa0: {  	[sflag:s22] =	ssyncadd.s32 s4;
	_ =	sdelay $0x1  }
0xa1: {  	s23 =	simm.s32 $0x1B8B  }
0xa2: {  	_ =	swait.ge [sflag:s23], $0x1  }
0xa3: {  	[sflag:s23] =	ssyncset.done $0x0  }
0xa4: {  	s25 =	simm.s32 $0x1B8E;
	s24 =	sld [smem:$0x3FFE];
	[sflag:s23] =	ssyncadd.s32 $0xFFFFFFFF  }
0xa5: {  	s26 =	simm.s32 $execute0_lowered;
	[smem:$0x3FD2] =	sst s25  }
0xa6: {  	s5 =	sshll.u32 s26, $0x1;
	_ =	strace $0x80000046;
	[dreg:$0x1] =	wrdreg $0xFFFFFFFF  }
0xa7: {  	s28 =	simm.s32 $_size_execute0_lowered;
	s3 =	sadd.s32 s3, s5;
	[dreg:$0x0] =	wrdreg $0x0  }
0xa8: {  	s5 =	sshll.u32 s28, $0x1;
	[dreg:$0x2] =	wrdreg s3  }
0xa9: {  	[dreg:$0x3] =	wrdreg s5  }
0xaa: {  	[dreg:$0x4] =	wrdreg $0xC0  }
0xab: {  	_ =	task [dreg:s7], $0x5FFFF  }
0xac: {  	[dreg:$0x1] =	wrdreg $0xFFFFFFFF  }
0xad: {  	[dreg:$0x0] =	wrdreg $0x60  }
0xae: {  	[dreg:$0x2] =	wrdreg s2  }
0xaf: {  	[dreg:$0x3] =	wrdreg s24  }
0xb0: {  	[dreg:$0x4] =	wrdreg $0x2D000  }
0xb1: {  	[dreg:$0x5] =	wrdreg $0x9  }
0xb2: {  	_ =	task.clear_ibuf [dreg:s7], $0x6FFFF;
	_ =	strace $0x90000046  }
0xb3: {  	s29 =	simm.s32 $0x9;
	_ =	strace $0x80000048  }
0xb4: {  	_ =	swait.ge [sflag:s29], $0x1  }
0xb5: {  	[sflag:s29] =	ssyncadd.s32 $0xFFFFFFFF  }
0xb6: {  	_ =	strace $0x90000048  }
0xb7: {  	_ =	sfence  }
0xb8: {  	s30 =	sld [smem:$0x0];
	_ =	sdelay $0x2  }
0xb9: {  	s31 =	sshll.u32 s1, $0xD;
	s1 =	sshrl.u32 s1, $0x2  }
0xba: {  	s3 =	sand.u32 $0x4000, s31;
	s1 =	sadd.s32 s1, s30  }
0xbb: {  	s0 =	sor.u32 s3, s0;
	s1 =	sshll.u32 s1, $0x11  }
0xbc: {  	s0 =	sor.u32 s1, s0  }
0xbd: {  	s0 =	sadd.s32 $0x8F2B, s0  }
0xbe: {  	[sflag:s0] =	ssyncadd.remote.s32 $0x1  }
0xbf: {  	_ =	sfence.sel $0xFFFF  }
0xc0: {  	[dreg:$0x0] =	wrdreg $0xFFFFFFFF;
	(pc) =	sbr.abs _section_cstart, $3  }
0xc1: {  	[dreg:$0x1] =	wrdreg $0xFFFFFFFF  }
0xc2: {  	_ =	task.clear_ibuf [dreg:s7], $0x2FFFF;
	_ =	strace $0x9FFFFFFF  }
0xc3: {  	(tm) =	ssettm $0x7FFFFFFF  }
tec
execute0_lowered:
.L_overlay_start_1:
0x0: {  	(tag) =	ssettag $0x1  }
0x1: {  	s4 =	rddreg [dreg:$0x0]  }
0x2: {  	s5 =	rddreg [dreg:$0x1];
	s0 =	srdreg.scid  }
0x3: {  	s2 =	rddreg [dreg:$0x2];
	s1 =	stileid.u32;
	s3 =	simm.s32 $0x0  }
0x4: {  	s11 =	simm.s32 $0x2800;
	s12 =	simm.s32 $0x2A00;
	s13 =	simm.s32 $0x2880  }
0x5: {  	s14 =	simm.s32 $0x2900;
	s15 =	simm.s32 $0x2980;
	s16 =	simm.s32 $0x1  }
0x6: {  	s17 =	simm.s32 $0x2;
	s18 =	simm.s32 $0x3;
	s19 =	simm.s32 $0x4  }
0x7: {  	s22 =	simm.s32 $0x20;
	s23 =	simm.s32 $0x10;
	s24 =	simm.s32 $0x0  }
0x8: {  	s6 =	sand.u32 $0x1, s0;
	s0 =	rddreg [dreg:$0x3];
	s7 =	smul.u32 $0x500, s1  }
0x9: {  	[smem:$0x7FF] =	sst s3;
	s29 =	smul.u32 $0xA00, s1;
	s20 =	sshll.u32 s1, $0x6  }
0xa: {  	s8 =	sshll.u32 s6, $0x4;
	s9 =	sshll.u32 s6, $0x7;
	s6 =	ssub.s32 $0x2, s6  }
0xb: {  	_ =	strace $0x80000047;
	s20 =	sor.u32 $0x1C05, s20;
	s8 =	sor.u32 s1, s8  }
0xc: {  	s7 =	sor.u32 s9, s7;
	s30 =	sshrl.u32 s6, $0x1;
	s31 =	sshrl.u32 s29, $0x2  }
0xd: {  	s9 =	simm.s32 $0x2A80;
	s8 =	smul.u32 $0x500, s8;
	s7 =	sshrl.u32 s7, $0x3  }
0xe: {  	s10 =	ssub.s32 s6, s30;
	s7 =	sadd.s32 s7, s5;
	s5 =	sadd.s32 s31, s2  }
0xf: {  	s4 =	sadd.s32 s4, s8;
	s6 =	sadd.s32 $0xBC00, s7;
	s7 =	smax.u32 s10, $0x1  }
0x10: {  	v0 =	vimm.f32 $1.000000000e+00;
	v1 =	vimm.f32 $0.0e+00;
	s8 =	simm.s32 $0x5;
	s10 =	simm.s32 $0x80;
	s21 =	sshrl.u32 s5, $0x3  }
.LBB2_1:
0x11: {  	[tilespmem:s3], [sflag:$0x5] =	stream.linear.gather [hbm4b:s4+s3], $0x2800, $0x38;
	[tilespmem:$0x2F80] =	vst v63  }
0x12: {  	_ =	swait.ge [sflag:s8], $0x2800  }
0x13: {  	[sflag:s8] =	ssyncset.done $0x0  }
0x14: {  	[sflag:s8] =	ssyncadd.s32 $0xFFFFD800  }
0x15: {  	[tilespmem:$0x2A00] =	vst v0  }
0x16: {  	[tilespmem:$0x2A10] =	vst v0  }
0x17: {  	[tilespmem:$0x2A20] =	vst v0  }
0x18: {  	[tilespmem:$0x2A30] =	vst v0  }
0x19: {  	[tilespmem:$0x2A40] =	vst v0  }
0x1a: {  	[tilespmem:$0x2A50] =	vst v0  }
0x1b: {  	[tilespmem:$0x2A60] =	vst v0  }
0x1c: {  	[tilespmem:$0x2A70] =	vst v0  }
0x1d: {  	[tilespmem:$0x2A80] =	vst v1  }
0x1e: {  	[tilespmem:$0x2A90] =	vst v1  }
0x1f: {  	[tilespmem:$0x2AA0] =	vst v1  }
0x20: {  	[tilespmem:$0x2AB0] =	vst v1  }
0x21: {  	[tilespmem:$0x2AC0] =	vst v1  }
0x22: {  	[tilespmem:$0x2AD0] =	vst v1  }
0x23: {  	[tilespmem:$0x2AE0] =	vst v1  }
0x24: {  	[tilespmem:$0x2AF0] =	vst v1  }
0x25: {  	[tilespmem:$0x2B00] =	vst v1  }
0x26: {  	[tilespmem:$0x2B10] =	vst v1  }
0x27: {  	[tilespmem:$0x2B20] =	vst v1  }
0x28: {  	[tilespmem:$0x2B30] =	vst v1  }
0x29: {  	[tilespmem:$0x2B40] =	vst v1  }
0x2a: {  	[tilespmem:$0x2B50] =	vst v1  }
0x2b: {  	[tilespmem:$0x2B60] =	vst v1  }
0x2c: {  	[tilespmem:$0x2B70] =	vst v1  }
0x2d: {  	[tilespmem:$0x2B80] =	vst v1  }
0x2e: {  	[tilespmem:$0x2B90] =	vst v1  }
0x2f: {  	[tilespmem:$0x2BA0] =	vst v1  }
0x30: {  	[tilespmem:$0x2BB0] =	vst v1  }
0x31: {  	[tilespmem:$0x2BC0] =	vst v1  }
0x32: {  	[tilespmem:$0x2BD0] =	vst v1  }
0x33: {  	[tilespmem:$0x2BE0] =	vst v1  }
0x34: {  	[tilespmem:$0x2BF0] =	vst v1  }
0x35: {  	[tilespmem:$0x2C00] =	vst v1  }
0x36: {  	[tilespmem:$0x2C10] =	vst v1  }
0x37: {  	[tilespmem:$0x2C20] =	vst v1  }
0x38: {  	[tilespmem:$0x2C30] =	vst v1  }
0x39: {  	[tilespmem:$0x2C40] =	vst v1  }
0x3a: {  	[tilespmem:$0x2C50] =	vst v1  }
0x3b: {  	[tilespmem:$0x2C60] =	vst v1  }
0x3c: {  	[tilespmem:$0x2C70] =	vst v1  }
0x3d: {  	[tilespmem:$0x2C80] =	vst v1  }
0x3e: {  	[tilespmem:$0x2C90] =	vst v1  }
0x3f: {  	[tilespmem:$0x2CA0] =	vst v1  }
0x40: {  	[tilespmem:$0x2CB0] =	vst v1  }
0x41: {  	[tilespmem:$0x2CC0] =	vst v1  }
0x42: {  	[tilespmem:$0x2CD0] =	vst v1  }
0x43: {  	[tilespmem:$0x2CE0] =	vst v1  }
0x44: {  	[tilespmem:$0x2CF0] =	vst v1  }
0x45: {  	[spmem:s5] =	stream.linear.scatter [tilespmem:s9], [sflag:$0x5], $0x280, $0x38;
	[tilespmem:$0x2F80] =	vst v63  }
0x46: {  	_ =	swait.ge [sflag:s8], $0x280  }
0x47: {  	[sflag:s8] =	ssyncset.done $0x0  }
0x48: {  	p0 =	por $0x1, $0x1;
	[sflag:s8] =	ssyncadd.s32 $0xFFFFFD80  }
0x49: {  	s25 =	simm.s32 @!p0 $0x1;
	[bflag:$0x0] =	sbarrier.arrive $0xFFFF  }
0x4a: {  	_ =	swait.ge @!p0 [sflag:s25], $0x80  }
0x4b: {  	[sflag:s25] =	ssyncset.done @!p0 $0x0  }
0x4c: {  	s28 =	simm.s32 $0x0;
	[sflag:s25] =	ssyncadd.s32 @!p0 $0xFFFFFF80  }
0x4d: {  	v2 =	vld [tilespmem:s28+$0x0];
	_ =	sdelay $0x4  }
0x4e: {  	[tilespmem:$0x2800] =	vst v2  }
0x4f: {  	v2 =	vld [tilespmem:s28+$0x10];
	_ =	sdelay $0x4  }
0x50: {  	[tilespmem:$0x2810] =	vst v2  }
0x51: {  	v2 =	vld [tilespmem:s28+$0x20];
	_ =	sdelay $0x4  }
0x52: {  	[tilespmem:$0x2820] =	vst v2  }
0x53: {  	v2 =	vld [tilespmem:s28+$0x30];
	_ =	sdelay $0x4  }
0x54: {  	[tilespmem:$0x2830] =	vst v2  }
0x55: {  	v2 =	vld [tilespmem:s28+$0x40];
	_ =	sdelay $0x4  }
0x56: {  	[tilespmem:$0x2840] =	vst v2  }
0x57: {  	v2 =	vld [tilespmem:s28+$0x50];
	_ =	sdelay $0x4  }
0x58: {  	[tilespmem:$0x2850] =	vst v2  }
0x59: {  	v2 =	vld [tilespmem:s28+$0x60];
	_ =	sdelay $0x4  }
0x5a: {  	[tilespmem:$0x2860] =	vst v2  }
0x5b: {  	v2 =	vld [tilespmem:s28+$0x70];
	_ =	sdelay $0x4  }
0x5c: {  	s25 =	simm.s32 @!p0 $0x2;
	[tilespmem:$0x2870] =	vst v2  }
0x5d: {  	[spmem:s2] =	stream.indirect.scatter.add.f32 [tilespmem:s12], [sflag:$0x1], $0x1, s11, s10, $0xb8;
	[tilespmem:$0x2F80] =	vst v63  }
0x5e: {  	_ =	swait.ge @!p0 [sflag:s25], $0x80  }
0x5f: {  	[sflag:s25] =	ssyncset.done @!p0 $0x0  }
0x60: {  	[sflag:s25] =	ssyncadd.s32 @!p0 $0xFFFFFF80  }
0x61: {  	v2 =	vld [tilespmem:s28+$0x80];
	_ =	sdelay $0x4  }
0x62: {  	[tilespmem:$0x2880] =	vst v2  }
0x63: {  	v2 =	vld [tilespmem:s28+$0x90];
	_ =	sdelay $0x4  }
0x64: {  	[tilespmem:$0x2890] =	vst v2  }
0x65: {  	v2 =	vld [tilespmem:s28+$0xA0];
	_ =	sdelay $0x4  }
0x66: {  	[tilespmem:$0x28A0] =	vst v2  }
0x67: {  	v2 =	vld [tilespmem:s28+$0xB0];
	_ =	sdelay $0x4  }
0x68: {  	[tilespmem:$0x28B0] =	vst v2  }
0x69: {  	v2 =	vld [tilespmem:s28+$0xC0];
	_ =	sdelay $0x4  }
0x6a: {  	[tilespmem:$0x28C0] =	vst v2  }
0x6b: {  	v2 =	vld [tilespmem:s28+$0xD0];
	_ =	sdelay $0x4  }
0x6c: {  	[tilespmem:$0x28D0] =	vst v2  }
0x6d: {  	v2 =	vld [tilespmem:s28+$0xE0];
	_ =	sdelay $0x4  }
0x6e: {  	[tilespmem:$0x28E0] =	vst v2  }
0x6f: {  	v2 =	vld [tilespmem:s28+$0xF0];
	_ =	sdelay $0x4  }
0x70: {  	s25 =	simm.s32 @!p0 $0x3;
	[tilespmem:$0x28F0] =	vst v2  }
0x71: {  	[spmem:s2] =	stream.indirect.scatter.add.f32 [tilespmem:s12], [sflag:$0x2], $0x1, s13, s10, $0xb8;
	[tilespmem:$0x2F80] =	vst v63  }
0x72: {  	_ =	swait.ge @!p0 [sflag:s25], $0x80  }
0x73: {  	[sflag:s25] =	ssyncset.done @!p0 $0x0  }
0x74: {  	[sflag:s25] =	ssyncadd.s32 @!p0 $0xFFFFFF80  }
0x75: {  	v2 =	vld [tilespmem:s28+$0x100];
	_ =	sdelay $0x4  }
0x76: {  	[tilespmem:$0x2900] =	vst v2  }
0x77: {  	v2 =	vld [tilespmem:s28+$0x110];
	_ =	sdelay $0x4  }
0x78: {  	[tilespmem:$0x2910] =	vst v2  }
0x79: {  	v2 =	vld [tilespmem:s28+$0x120];
	_ =	sdelay $0x4  }
0x7a: {  	[tilespmem:$0x2920] =	vst v2  }
0x7b: {  	v2 =	vld [tilespmem:s28+$0x130];
	_ =	sdelay $0x4  }
0x7c: {  	[tilespmem:$0x2930] =	vst v2  }
0x7d: {  	v2 =	vld [tilespmem:s28+$0x140];
	_ =	sdelay $0x4  }
0x7e: {  	[tilespmem:$0x2940] =	vst v2  }
0x7f: {  	v2 =	vld [tilespmem:s28+$0x150];
	_ =	sdelay $0x4  }
0x80: {  	[tilespmem:$0x2950] =	vst v2  }
0x81: {  	v2 =	vld [tilespmem:s28+$0x160];
	_ =	sdelay $0x4  }
0x82: {  	[tilespmem:$0x2960] =	vst v2  }
0x83: {  	v2 =	vld [tilespmem:s28+$0x170];
	_ =	sdelay $0x4  }
0x84: {  	s25 =	simm.s32 @!p0 $0x4;
	[tilespmem:$0x2970] =	vst v2  }
0x85: {  	[spmem:s2] =	stream.indirect.scatter.add.f32 [tilespmem:s12], [sflag:$0x3], $0x1, s14, s10, $0xb8;
	[tilespmem:$0x2F80] =	vst v63  }
0x86: {  	_ =	swait.ge @!p0 [sflag:s25], $0x80  }
0x87: {  	[sflag:s25] =	ssyncset.done @!p0 $0x0  }
0x88: {  	[sflag:s25] =	ssyncadd.s32 @!p0 $0xFFFFFF80  }
0x89: {  	v2 =	vld [tilespmem:s28+$0x180];
	_ =	sdelay $0x4  }
0x8a: {  	[tilespmem:$0x2980] =	vst v2  }
0x8b: {  	v2 =	vld [tilespmem:s28+$0x190];
	_ =	sdelay $0x4  }
0x8c: {  	[tilespmem:$0x2990] =	vst v2  }
0x8d: {  	v2 =	vld [tilespmem:s28+$0x1A0];
	_ =	sdelay $0x4  }
0x8e: {  	[tilespmem:$0x29A0] =	vst v2  }
0x8f: {  	v2 =	vld [tilespmem:s28+$0x1B0];
	_ =	sdelay $0x4  }
0x90: {  	[tilespmem:$0x29B0] =	vst v2  }
0x91: {  	v2 =	vld [tilespmem:s28+$0x1C0];
	_ =	sdelay $0x4  }
0x92: {  	[tilespmem:$0x29C0] =	vst v2  }
0x93: {  	v2 =	vld [tilespmem:s28+$0x1D0];
	_ =	sdelay $0x4  }
0x94: {  	[tilespmem:$0x29D0] =	vst v2  }
0x95: {  	v2 =	vld [tilespmem:s28+$0x1E0];
	_ =	sdelay $0x4  }
0x96: {  	[tilespmem:$0x29E0] =	vst v2  }
0x97: {  	v2 =	vld [tilespmem:s28+$0x1F0];
	_ =	sdelay $0x3  }
0x98: {  	s26 =	simm.s32 $0x1000;
	s25 =	simm.s32 $0x800;
	p0 =	por $0x0, $0x0  }
.LBB2_2:
0x99: {  	s28 =	simm.s32 @!p0 $0x1;
	[tilespmem:$0x29F0] =	vst v2;
	s29 =	smov.u32 s26;
	s26 =	sadd.s32 $0x800, s26  }
0x9a: {  	[spmem:s2] =	stream.indirect.scatter.add.f32 [tilespmem:s12], [sflag:$0x4], $0x1, s15, s10, $0xb8;
	[tilespmem:$0x2F80] =	vst v63  }
0x9b: {  	p1 =	sne.s32 s26, $0xA000;
	_ =	swait.ge @!p0 [sflag:s28], $0x80  }
0x9c: {  	[sflag:s28] =	ssyncset.done @!p0 $0x0  }
0x9d: {  	[sflag:s28] =	ssyncadd.s32 @!p0 $0xFFFFFF80;
	s28 =	sshra.s32 s25, $0x2;
	s25 =	smov.u32 s29  }
0x9e: {  	v2 =	vld [tilespmem:s28+$0x0];
	_ =	sdelay $0x4  }
0x9f: {  	[tilespmem:$0x2800] =	vst v2  }
0xa0: {  	v2 =	vld [tilespmem:s28+$0x10];
	_ =	sdelay $0x4  }
0xa1: {  	[tilespmem:$0x2810] =	vst v2  }
0xa2: {  	v2 =	vld [tilespmem:s28+$0x20];
	_ =	sdelay $0x4  }
0xa3: {  	[tilespmem:$0x2820] =	vst v2  }
0xa4: {  	v2 =	vld [tilespmem:s28+$0x30];
	_ =	sdelay $0x4  }
0xa5: {  	[tilespmem:$0x2830] =	vst v2  }
0xa6: {  	v2 =	vld [tilespmem:s28+$0x40];
	_ =	sdelay $0x4  }
0xa7: {  	[tilespmem:$0x2840] =	vst v2  }
0xa8: {  	v2 =	vld [tilespmem:s28+$0x50];
	_ =	sdelay $0x4  }
0xa9: {  	[tilespmem:$0x2850] =	vst v2  }
0xaa: {  	v2 =	vld [tilespmem:s28+$0x60];
	_ =	sdelay $0x4  }
0xab: {  	[tilespmem:$0x2860] =	vst v2  }
0xac: {  	v2 =	vld [tilespmem:s28+$0x70];
	_ =	sdelay $0x4  }
0xad: {  	s29 =	simm.s32 @!p0 $0x2;
	[tilespmem:$0x2870] =	vst v2  }
0xae: {  	[spmem:s2] =	stream.indirect.scatter.add.f32 [tilespmem:s12], [sflag:$0x1], $0x1, s11, s10, $0xb8;
	[tilespmem:$0x2F80] =	vst v63  }
0xaf: {  	_ =	swait.ge @!p0 [sflag:s29], $0x80  }
0xb0: {  	[sflag:s29] =	ssyncset.done @!p0 $0x0  }
0xb1: {  	[sflag:s29] =	ssyncadd.s32 @!p0 $0xFFFFFF80  }
0xb2: {  	v2 =	vld [tilespmem:s28+$0x80];
	_ =	sdelay $0x4  }
0xb3: {  	[tilespmem:$0x2880] =	vst v2  }
0xb4: {  	v2 =	vld [tilespmem:s28+$0x90];
	_ =	sdelay $0x4  }
0xb5: {  	[tilespmem:$0x2890] =	vst v2  }
0xb6: {  	v2 =	vld [tilespmem:s28+$0xA0];
	_ =	sdelay $0x4  }
0xb7: {  	[tilespmem:$0x28A0] =	vst v2  }
0xb8: {  	v2 =	vld [tilespmem:s28+$0xB0];
	_ =	sdelay $0x4  }
0xb9: {  	[tilespmem:$0x28B0] =	vst v2  }
0xba: {  	v2 =	vld [tilespmem:s28+$0xC0];
	_ =	sdelay $0x4  }
0xbb: {  	[tilespmem:$0x28C0] =	vst v2  }
0xbc: {  	v2 =	vld [tilespmem:s28+$0xD0];
	_ =	sdelay $0x4  }
0xbd: {  	[tilespmem:$0x28D0] =	vst v2  }
0xbe: {  	v2 =	vld [tilespmem:s28+$0xE0];
	_ =	sdelay $0x4  }
0xbf: {  	[tilespmem:$0x28E0] =	vst v2  }
0xc0: {  	v2 =	vld [tilespmem:s28+$0xF0];
	_ =	sdelay $0x4  }
0xc1: {  	s29 =	simm.s32 @!p0 $0x3;
	[tilespmem:$0x28F0] =	vst v2  }
0xc2: {  	[spmem:s2] =	stream.indirect.scatter.add.f32 [tilespmem:s12], [sflag:$0x2], $0x1, s13, s10, $0xb8;
	[tilespmem:$0x2F80] =	vst v63  }
0xc3: {  	_ =	swait.ge @!p0 [sflag:s29], $0x80  }
0xc4: {  	[sflag:s29] =	ssyncset.done @!p0 $0x0  }
0xc5: {  	[sflag:s29] =	ssyncadd.s32 @!p0 $0xFFFFFF80  }
0xc6: {  	v2 =	vld [tilespmem:s28+$0x100];
	_ =	sdelay $0x4  }
0xc7: {  	[tilespmem:$0x2900] =	vst v2  }
0xc8: {  	v2 =	vld [tilespmem:s28+$0x110];
	_ =	sdelay $0x4  }
0xc9: {  	[tilespmem:$0x2910] =	vst v2  }
0xca: {  	v2 =	vld [tilespmem:s28+$0x120];
	_ =	sdelay $0x4  }
0xcb: {  	[tilespmem:$0x2920] =	vst v2  }
0xcc: {  	v2 =	vld [tilespmem:s28+$0x130];
	_ =	sdelay $0x4  }
0xcd: {  	[tilespmem:$0x2930] =	vst v2  }
0xce: {  	v2 =	vld [tilespmem:s28+$0x140];
	_ =	sdelay $0x4  }
0xcf: {  	[tilespmem:$0x2940] =	vst v2  }
0xd0: {  	v2 =	vld [tilespmem:s28+$0x150];
	_ =	sdelay $0x4  }
0xd1: {  	[tilespmem:$0x2950] =	vst v2  }
0xd2: {  	v2 =	vld [tilespmem:s28+$0x160];
	_ =	sdelay $0x4  }
0xd3: {  	[tilespmem:$0x2960] =	vst v2  }
0xd4: {  	v2 =	vld [tilespmem:s28+$0x170];
	_ =	sdelay $0x4  }
0xd5: {  	s29 =	simm.s32 @!p0 $0x4;
	[tilespmem:$0x2970] =	vst v2  }
0xd6: {  	[spmem:s2] =	stream.indirect.scatter.add.f32 [tilespmem:s12], [sflag:$0x3], $0x1, s14, s10, $0xb8;
	[tilespmem:$0x2F80] =	vst v63  }
0xd7: {  	_ =	swait.ge @!p0 [sflag:s29], $0x80  }
0xd8: {  	[sflag:s29] =	ssyncset.done @!p0 $0x0  }
0xd9: {  	[sflag:s29] =	ssyncadd.s32 @!p0 $0xFFFFFF80  }
0xda: {  	v2 =	vld [tilespmem:s28+$0x180];
	_ =	sdelay $0x4  }
0xdb: {  	[tilespmem:$0x2980] =	vst v2  }
0xdc: {  	v2 =	vld [tilespmem:s28+$0x190];
	_ =	sdelay $0x4  }
0xdd: {  	[tilespmem:$0x2990] =	vst v2  }
0xde: {  	v2 =	vld [tilespmem:s28+$0x1A0];
	_ =	sdelay $0x4  }
0xdf: {  	[tilespmem:$0x29A0] =	vst v2  }
0xe0: {  	v2 =	vld [tilespmem:s28+$0x1B0];
	_ =	sdelay $0x4  }
0xe1: {  	[tilespmem:$0x29B0] =	vst v2  }
0xe2: {  	v2 =	vld [tilespmem:s28+$0x1C0];
	_ =	sdelay $0x4  }
0xe3: {  	[tilespmem:$0x29C0] =	vst v2  }
0xe4: {  	v2 =	vld [tilespmem:s28+$0x1D0];
	_ =	sdelay $0x4  }
0xe5: {  	[tilespmem:$0x29D0] =	vst v2  }
0xe6: {  	v2 =	vld [tilespmem:s28+$0x1E0];
	_ =	sdelay $0x4  }
0xe7: {  	[tilespmem:$0x29E0] =	vst v2  }
.Ltmp0:
0xe8: {  	v2 =	vld [tilespmem:s28+$0x1F0];
	(pc) =	sbr.rel @p1 .LBB2_2-.Ltmp0, $2  }
0xe9: {  	_ =	sdelay $0x2  }
0xea: {  	p0 =	seq.s32 s25, $0x0  }
0xeb: {  	s26 =	simm.s32 @!p0 $0x1;
	[tilespmem:$0x29F0] =	vst v2  }
0xec: {  	[spmem:s2] =	stream.indirect.scatter.add.f32 [tilespmem:s12], [sflag:$0x4], $0x1, s15, s10, $0xb8;
	[tilespmem:$0x2F80] =	vst v63  }
0xed: {  	_ =	swait.ge @!p0 [sflag:s26], $0x80  }
0xee: {  	[sflag:s26] =	ssyncset.done @!p0 $0x0  }
0xef: {  	s25 =	sshra.s32 s25, $0x2;
	[sflag:s26] =	ssyncadd.s32 @!p0 $0xFFFFFF80  }
0xf0: {  	v2 =	vld [tilespmem:s25+$0x0];
	_ =	sdelay $0x4  }
0xf1: {  	[tilespmem:$0x2800] =	vst v2  }
0xf2: {  	v2 =	vld [tilespmem:s25+$0x10];
	_ =	sdelay $0x4  }
0xf3: {  	[tilespmem:$0x2810] =	vst v2  }
0xf4: {  	v2 =	vld [tilespmem:s25+$0x20];
	_ =	sdelay $0x4  }
0xf5: {  	[tilespmem:$0x2820] =	vst v2  }
0xf6: {  	v2 =	vld [tilespmem:s25+$0x30];
	_ =	sdelay $0x4  }
0xf7: {  	[tilespmem:$0x2830] =	vst v2  }
0xf8: {  	v2 =	vld [tilespmem:s25+$0x40];
	_ =	sdelay $0x4  }
0xf9: {  	[tilespmem:$0x2840] =	vst v2  }
0xfa: {  	v2 =	vld [tilespmem:s25+$0x50];
	_ =	sdelay $0x4  }
0xfb: {  	[tilespmem:$0x2850] =	vst v2  }
0xfc: {  	v2 =	vld [tilespmem:s25+$0x60];
	_ =	sdelay $0x4  }
0xfd: {  	[tilespmem:$0x2860] =	vst v2  }
0xfe: {  	v2 =	vld [tilespmem:s25+$0x70];
	_ =	sdelay $0x4  }
0xff: {  	s26 =	simm.s32 @!p0 $0x2;
	[tilespmem:$0x2870] =	vst v2  }
0x100: {  	[spmem:s2] =	stream.indirect.scatter.add.f32 [tilespmem:s12], [sflag:$0x1], $0x1, s11, s10, $0xb8;
	[tilespmem:$0x2F80] =	vst v63  }
0x101: {  	_ =	swait.ge @!p0 [sflag:s26], $0x80  }
0x102: {  	[sflag:s26] =	ssyncset.done @!p0 $0x0  }
0x103: {  	[sflag:s26] =	ssyncadd.s32 @!p0 $0xFFFFFF80  }
0x104: {  	v2 =	vld [tilespmem:s25+$0x80];
	_ =	sdelay $0x4  }
0x105: {  	[tilespmem:$0x2880] =	vst v2  }
0x106: {  	v2 =	vld [tilespmem:s25+$0x90];
	_ =	sdelay $0x4  }
0x107: {  	[tilespmem:$0x2890] =	vst v2  }
0x108: {  	v2 =	vld [tilespmem:s25+$0xA0];
	_ =	sdelay $0x4  }
0x109: {  	[tilespmem:$0x28A0] =	vst v2  }
0x10a: {  	v2 =	vld [tilespmem:s25+$0xB0];
	_ =	sdelay $0x4  }
0x10b: {  	[tilespmem:$0x28B0] =	vst v2  }
0x10c: {  	v2 =	vld [tilespmem:s25+$0xC0];
	_ =	sdelay $0x4  }
0x10d: {  	[tilespmem:$0x28C0] =	vst v2  }
0x10e: {  	v2 =	vld [tilespmem:s25+$0xD0];
	_ =	sdelay $0x4  }
0x10f: {  	[tilespmem:$0x28D0] =	vst v2  }
0x110: {  	v2 =	vld [tilespmem:s25+$0xE0];
	_ =	sdelay $0x4  }
0x111: {  	[tilespmem:$0x28E0] =	vst v2  }
0x112: {  	v2 =	vld [tilespmem:s25+$0xF0];
	_ =	sdelay $0x4  }
0x113: {  	s26 =	simm.s32 @!p0 $0x3;
	[tilespmem:$0x28F0] =	vst v2  }
0x114: {  	[spmem:s2] =	stream.indirect.scatter.add.f32 [tilespmem:s12], [sflag:$0x2], $0x1, s13, s10, $0xb8;
	[tilespmem:$0x2F80] =	vst v63  }
0x115: {  	_ =	swait.ge @!p0 [sflag:s26], $0x80  }
0x116: {  	[sflag:s26] =	ssyncset.done @!p0 $0x0  }
0x117: {  	[sflag:s26] =	ssyncadd.s32 @!p0 $0xFFFFFF80  }
0x118: {  	v2 =	vld [tilespmem:s25+$0x100];
	_ =	sdelay $0x4  }
0x119: {  	[tilespmem:$0x2900] =	vst v2  }
0x11a: {  	v2 =	vld [tilespmem:s25+$0x110];
	_ =	sdelay $0x4  }
0x11b: {  	[tilespmem:$0x2910] =	vst v2  }
0x11c: {  	v2 =	vld [tilespmem:s25+$0x120];
	_ =	sdelay $0x4  }
0x11d: {  	[tilespmem:$0x2920] =	vst v2  }
0x11e: {  	v2 =	vld [tilespmem:s25+$0x130];
	_ =	sdelay $0x4  }
0x11f: {  	[tilespmem:$0x2930] =	vst v2  }
0x120: {  	v2 =	vld [tilespmem:s25+$0x140];
	_ =	sdelay $0x4  }
0x121: {  	[tilespmem:$0x2940] =	vst v2  }
0x122: {  	v2 =	vld [tilespmem:s25+$0x150];
	_ =	sdelay $0x4  }
0x123: {  	[tilespmem:$0x2950] =	vst v2  }
0x124: {  	v2 =	vld [tilespmem:s25+$0x160];
	_ =	sdelay $0x4  }
0x125: {  	[tilespmem:$0x2960] =	vst v2  }
0x126: {  	v2 =	vld [tilespmem:s25+$0x170];
	_ =	sdelay $0x4  }
0x127: {  	s26 =	simm.s32 @!p0 $0x4;
	[tilespmem:$0x2970] =	vst v2  }
0x128: {  	[spmem:s2] =	stream.indirect.scatter.add.f32 [tilespmem:s12], [sflag:$0x3], $0x1, s14, s10, $0xb8;
	[tilespmem:$0x2F80] =	vst v63  }
0x129: {  	_ =	swait.ge @!p0 [sflag:s26], $0x80  }
0x12a: {  	[sflag:s26] =	ssyncset.done @!p0 $0x0  }
0x12b: {  	[sflag:s26] =	ssyncadd.s32 @!p0 $0xFFFFFF80  }
0x12c: {  	v2 =	vld [tilespmem:s25+$0x180];
	_ =	sdelay $0x4  }
0x12d: {  	[tilespmem:$0x2980] =	vst v2  }
0x12e: {  	v2 =	vld [tilespmem:s25+$0x190];
	_ =	sdelay $0x4  }
0x12f: {  	[tilespmem:$0x2990] =	vst v2  }
0x130: {  	v2 =	vld [tilespmem:s25+$0x1A0];
	_ =	sdelay $0x4  }
0x131: {  	[tilespmem:$0x29A0] =	vst v2  }
0x132: {  	v2 =	vld [tilespmem:s25+$0x1B0];
	_ =	sdelay $0x4  }
0x133: {  	[tilespmem:$0x29B0] =	vst v2  }
0x134: {  	v2 =	vld [tilespmem:s25+$0x1C0];
	_ =	sdelay $0x4  }
0x135: {  	[tilespmem:$0x29C0] =	vst v2  }
0x136: {  	v2 =	vld [tilespmem:s25+$0x1D0];
	_ =	sdelay $0x4  }
0x137: {  	[tilespmem:$0x29D0] =	vst v2  }
0x138: {  	v2 =	vld [tilespmem:s25+$0x1E0];
	_ =	sdelay $0x4  }
0x139: {  	[tilespmem:$0x29E0] =	vst v2  }
0x13a: {  	v2 =	vld [tilespmem:s25+$0x1F0];
	_ =	sdelay $0x4  }
0x13b: {  	[tilespmem:$0x29F0] =	vst v2  }
0x13c: {  	[spmem:s2] =	stream.indirect.scatter.add.f32 [tilespmem:s12], [sflag:$0x4], $0x1, s15, s10, $0xb8;
	[tilespmem:$0x2F80] =	vst v63  }
0x13d: {  	_ =	swait.ge [sflag:s16], $0x80  }
0x13e: {  	[sflag:s16] =	ssyncset.done $0x0  }
0x13f: {  	[sflag:s16] =	ssyncadd.s32 $0xFFFFFF80  }
0x140: {  	_ =	swait.ge [sflag:s17], $0x80  }
0x141: {  	[sflag:s17] =	ssyncset.done $0x0  }
0x142: {  	[sflag:s17] =	ssyncadd.s32 $0xFFFFFF80  }
0x143: {  	_ =	swait.ge [sflag:s18], $0x80  }
0x144: {  	[sflag:s18] =	ssyncset.done $0x0  }
0x145: {  	[sflag:s18] =	ssyncadd.s32 $0xFFFFFF80  }
0x146: {  	_ =	swait.ge [sflag:s19], $0x80  }
0x147: {  	s24 =	sadd.s32 $0x1, s24;
	[sflag:s19] =	ssyncset.done $0x0  }
0x148: {  	p0 =	sne.s32 s24, s7;
	[sflag:s19] =	ssyncadd.s32 $0xFFFFFF80  }
.Ltmp1:
0x149: {  	[bflag:$0x0] =	sbarrier.arrive $0xFFFF;
	(pc) =	sbr.rel @p0 .LBB2_1-.Ltmp1, $4  }
0x14a: {  	[hbm:s6@s22], [sflag:s20] =	dma.strided [spmem:s21@s23], $0x50, s16, $0x10   }
0x14b: {  	_ =	swait.ge [sflag:s8], $0x50  }
0x14c: {  	[sflag:s8] =	ssyncset.done $0x0  }
0x14d: {  	[sflag:s8] =	ssyncadd.s32 $0xFFFFFFB0  }
0x14e: {  	_ =	sfence.sel $0x180000  }
0x14f: {  	[bflag:$0x0] =	sbarrier.arrive $0xFFFF  }
0x150: {  	p0 =	sne.s32 s1, $0x0;
	_ =	strace $0x90000047  }
0x151: {  	s0 =	sadd.s32 @!p0 $0x100000, s0;
	[bflag:$0x2] =	sbarrier.arrive $0xFFFF  }
0x152: {  	[sflag:s0] =	ssyncadd.tile.s32 @!p0 $0x1;
	_ =	shalt  }
.Lfunc_end2:
_tile_overlayer_lowered:
.L_overlay_start_2:
0x153: {  	(tag) =	ssettag $0x2  }
0x154: {  	s0 =	rddreg [dreg:$0x0];
	s2 =	stileid.u32  }
0x155: {  	s1 =	rddreg [dreg:$0x1];
	p0 =	sne.s32 s2, $0x0  }
0x156: {  	s3 =	rddreg [dreg:$0x2];
	[bflag:$0x3] =	sbarrier.arrive $0xFFFF;
	s2 =	simm.s32 @!p0 $0x1C05  }
0x157: {  	[timem:s3], [sflag:s2] =	dma.local @!p0 [hbm:s0], s1  }
0x158: {  	s0 =	simm.s32 @!p0 $0x5  }
0x159: {  	_ =	swait.ge @!p0 [sflag:s0], s1  }
0x15a: {  	s1 =	ssub.s32 @!p0 $0x0, s1;
	[sflag:s0] =	ssyncset.done @!p0 $0x0  }
0x15b: {  	[sflag:s0] =	ssyncadd.s32 @!p0 s1  }
0x15c: {  	[bflag:$0x3] =	sbarrier.arrive $0xFFFF  }
0x15d: {  	_ =	shalt  }

</sc_bundles>
